<compile_context>
chip_gen: v7x
topology: tpu7x:2x2x1
jax: 0.10.2.dev20260603
libtpu: 0.0.44.dev20260713+nightly
codegen_flags: <defaults>
</compile_context>

<pallas_src>
import dataclasses

import jax
import jax.numpy as jnp
from jax import lax
from jax.experimental import pallas as pl
from jax.experimental.pallas import tpu as pltpu
from jax.experimental.pallas import tpu_sc as plsc

N = 10000
E = 160000
D = 256

NC = 2
NS = 16
NW = NC * NS
LANES = 16

RNG = 320
TRASH = RNG
ACC_ROWS = RNG + 8
ESC = 4000
NSUPER = E // ESC
B = 32
CAP = ESC + 2 * B


def _linear_body(x_ref, wt_ref, b_ref, o_ref):
    o_ref[...] = (
        jnp.dot(x_ref[...], wt_ref[...], preferred_element_type=jnp.float32)
        + b_ref[...]
    )


def _relu_body(a_ref, o_ref):
    o_ref[...] = jnp.maximum(a_ref[...], 0.0)


def _agg_body(h_hbm, src_hbm, dst_hbm, w_hbm, out_hbm,
              acc, src_v, dst_v, w_v, gidx_c, wc_c, dlc_c,
              msg0_v, msg1_v, sem0, sem1, sem2):
    cid = lax.axis_index("c")
    sid = lax.axis_index("s")
    wid = cid * NS + sid
    wlo = wid * RNG
    rng_u = jnp.minimum(RNG, N - wlo).astype(jnp.uint32)

    zvec = jnp.zeros((LANES,), jnp.float32)

    @plsc.parallel_loop(0, ACC_ROWS * D, step=8 * LANES, unroll=4)
    def _zacc(r):
        for j in range(0, 8 * LANES, LANES):
            acc[pl.ds(r + j, LANES)] = zvec

    lane = lax.iota(jnp.int32, LANES)

    def _issue_staging(s5):
        base = s5 * ESC
        pltpu.async_copy(src_hbm.at[pl.ds(base, ESC)], src_v, sem2)
        pltpu.async_copy(dst_hbm.at[pl.ds(base, ESC)], dst_v, sem2)
        pltpu.async_copy(w_hbm.at[pl.ds(base, ESC)], w_v, sem2)

    def _wait_staging():
        pltpu.make_async_copy(src_hbm.at[pl.ds(0, ESC)], src_v, sem2).wait()
        pltpu.make_async_copy(dst_hbm.at[pl.ds(0, ESC)], dst_v, sem2).wait()
        pltpu.make_async_copy(w_hbm.at[pl.ds(0, ESC)], w_v, sem2).wait()

    def _issue_gather(bb, msg_ref, sem):
        pltpu.async_copy(h_hbm.at[gidx_c.at[pl.ds(bb, B)]], msg_ref, sem)

    def _wait_gather(bb, msg_ref, sem):
        pltpu.make_async_copy(
            h_hbm.at[gidx_c.at[pl.ds(bb, B)]], msg_ref, sem).wait()

    def _mul_batch(bb, msg_ref):
        @plsc.parallel_loop(0, B, unroll=2)
        def _mul(k):
            e16 = jnp.full((LANES,), bb + k, jnp.int32)
            wb = plsc.load_gather(wc_c, [e16])
            row = plsc.load_gather(dlc_c, [e16])
            base = lax.shift_left(row, 8) + lane
            for j in range(0, D, LANES):
                val = msg_ref[k, pl.ds(j, LANES)] * wb
                plsc.addupdate_scatter(acc, [base + j], val)

    _issue_staging(0)

    @pl.loop(0, NSUPER)
    def _super(s5):
        _wait_staging()

        def _scan(j, offs):
            dvec = dst_v[pl.ds(j, LANES)]
            dloc = dvec - wlo
            m = plsc.bitcast(dloc, jnp.uint32) < rng_u
            cnt = plsc.all_reduce_population_count(m)
            pos = offs + plsc.cumsum(m.astype(jnp.int32))
            plsc.store_scatter(gidx_c, [pos], src_v[pl.ds(j, LANES)], mask=m)
            plsc.store_scatter(wc_c, [pos], w_v[pl.ds(j, LANES)], mask=m)
            plsc.store_scatter(dlc_c, [pos], dloc, mask=m)
            return offs + cnt

        offs = jnp.full((LANES,), -1, jnp.int32)
        offs = plsc.parallel_loop(
            0, ESC, step=LANES, unroll=8, carry=offs)(_scan)

        @pl.when(s5 + 1 < NSUPER)
        def _pref():
            _issue_staging(s5 + 1)

        k_cnt = jnp.max(offs) + 1
        k_rnd = (k_cnt + (2 * B - 1)) & ~(2 * B - 1)

        for t in range(0, 2 * B, LANES):
            pos = k_cnt + t + lane
            pm = pos < k_rnd
            plsc.store_scatter(gidx_c, [pos], wid + lane, mask=pm)
            plsc.store_scatter(wc_c, [pos], zvec, mask=pm)
            plsc.store_scatter(dlc_c, [pos],
                               jnp.full((LANES,), TRASH, jnp.int32), mask=pm)

        @pl.when(k_rnd > 0)
        def _flush():
            _issue_gather(0, msg0_v, sem0)

            @pl.loop(0, k_rnd, step=2 * B)
            def _pair(bb):
                _issue_gather(bb + B, msg1_v, sem1)
                _wait_gather(bb, msg0_v, sem0)
                _mul_batch(bb, msg0_v)

                @pl.when(bb + 2 * B < k_rnd)
                def _next():
                    _issue_gather(bb + 2 * B, msg0_v, sem0)

                _wait_gather(bb + B, msg1_v, sem1)
                _mul_batch(bb + B, msg1_v)

    @plsc.parallel_loop(0, RNG * D, step=8 * LANES, unroll=4)
    def _relu(r):
        for j in range(0, 8 * LANES, LANES):
            acc[pl.ds(r + j, LANES)] = jnp.maximum(
                acc[pl.ds(r + j, LANES)], 0.0)

    @pl.when(wid < NW - 1)
    def _wb_full():
        pltpu.sync_copy(acc.at[pl.ds(0, RNG * D)],
                        out_hbm.at[pl.ds(wlo * D, RNG * D)])

    @pl.when(wid == NW - 1)
    def _wb_tail():
        pltpu.sync_copy(acc.at[pl.ds(0, 80 * D)],
                        out_hbm.at[pl.ds((NW - 1) * RNG * D, 80 * D)])


def _aggregate(h, src, dst, w):
    mesh = plsc.VectorSubcoreMesh(
        core_axis_name="c", subcore_axis_name="s",
        num_cores=NC, num_subcores=NS)
    cp = pltpu.CompilerParams()
    if "needs_layout_passes" in pltpu.CompilerParams.__dataclass_fields__:
        cp = dataclasses.replace(cp, needs_layout_passes=False)
    agg = pl.kernel(
        _agg_body,
        out_type=jax.ShapeDtypeStruct((N * D,), jnp.float32),
        mesh=mesh,
        scratch_types=[
            pltpu.VMEM((ACC_ROWS * D,), jnp.float32),
            pltpu.VMEM((ESC,), jnp.int32),
            pltpu.VMEM((ESC,), jnp.int32),
            pltpu.VMEM((ESC,), jnp.float32),
            pltpu.VMEM((CAP,), jnp.int32),
            pltpu.VMEM((CAP,), jnp.float32),
            pltpu.VMEM((CAP,), jnp.int32),
            pltpu.VMEM((B, D), jnp.float32),
            pltpu.VMEM((B, D), jnp.float32),
            pltpu.SemaphoreType.DMA,
            pltpu.SemaphoreType.DMA,
            pltpu.SemaphoreType.DMA,
        ],
        compiler_params=cp,
    )
    return agg(h, src, dst, w).reshape(N, D)


def kernel(x, edge_index, edge_weight, W, b):
    h = pl.pallas_call(
        _linear_body,
        grid=(N // 1000,),
        in_specs=[
            pl.BlockSpec((1000, D), lambda i: (i, 0)),
            pl.BlockSpec((D, D), lambda i: (0, 0)),
            pl.BlockSpec((1, D), lambda i: (0, 0)),
        ],
        out_specs=pl.BlockSpec((1000, D), lambda i: (i, 0)),
        out_shape=jax.ShapeDtypeStruct((N, D), jnp.float32),
    )(x, W.T, b.reshape(1, -1))

    return _aggregate(h, edge_index[0], edge_index[1], edge_weight)

# --- scband reference (transcript-rebuilt; emitter-appended) ---
"""Pipeline reference for scband-graph-conv-62002147885338 (READ-ONLY COPY).

The authoritative reference and input builder live on the scoring server;
editing this copy changes nothing except your own understanding.
"""

import jax, jax.numpy as jnp
import numpy as np

N = 10000
E = 160000
D_IN = 256
D_OUT = 256


def setup_inputs(seed: int = 0) -> dict:
    key = jax.random.key(seed)
    k1, k2, k3, k4, k5 = jax.random.split(key, 5)
    x = jax.random.normal(k1, (N, D_IN), dtype=jnp.float32)
    edge_index = jax.random.randint(k2, (2, E), 0, N, dtype=jnp.int32)
    edge_weight = jax.random.uniform(k3, (E,), dtype=jnp.float32)
    # nn.Linear params: weight [out, in], bias [out]
    bound = 1.0 / np.sqrt(D_IN)
    W = jax.random.uniform(k4, (D_OUT, D_IN), dtype=jnp.float32, minval=-bound, maxval=bound)
    b = jax.random.uniform(k5, (D_OUT,), dtype=jnp.float32, minval=-bound, maxval=bound)
    return {"x": x, "edge_index": edge_index, "edge_weight": edge_weight, "W": W, "b": b}


def reference(x, edge_index, edge_weight, W, b):
    # dropout_gcn = 0.0 -> Identity (eval-mode faithful)
    h = x @ W.T + b                       # nn.Linear
    src = edge_index[0]
    dst = edge_index[1]
    # torch.spmm(A, h): A is sparse [N, N] with A[dst, src] = edge_weight
    msgs = h[src] * edge_weight[:, None]  # gather rows of h
    out = jax.ops.segment_sum(msgs, dst, num_segments=N)  # scatter-add
    out = jax.nn.relu(out)                # activation
    return out

if __name__ == "__main__":
    import jax
    _d = setup_inputs()
    print(jax.jit(kernel)(*tuple(_d.values())))

</pallas_src>

<mosaic_0001>
#map = affine_map<(d0, d1) -> (0, 0)>
#map1 = affine_map<(d0, d1) -> (0)>
module attributes {stable_mosaic.version = 14 : i64} {
  func.func @_agg_body(%arg0: i32, %arg1: i32, %arg2: memref<10000x256xf32, #tpu.memory_space<hbm>>, %arg3: memref<160000xi32, #tpu.memory_space<hbm>>, %arg4: memref<160000xi32, #tpu.memory_space<hbm>>, %arg5: memref<160000xf32, #tpu.memory_space<hbm>>, %arg6: memref<2560000xf32, #tpu.memory_space<hbm>>, %arg7: memref<83968xf32, #tpu.memory_space<vmem>>, %arg8: memref<4000xi32, #tpu.memory_space<vmem>>, %arg9: memref<4000xi32, #tpu.memory_space<vmem>>, %arg10: memref<4000xf32, #tpu.memory_space<vmem>>, %arg11: memref<4064xi32, #tpu.memory_space<vmem>>, %arg12: memref<4064xf32, #tpu.memory_space<vmem>>, %arg13: memref<4064xi32, #tpu.memory_space<vmem>>, %arg14: memref<32x256xf32, #tpu.memory_space<vmem>>, %arg15: memref<32x256xf32, #tpu.memory_space<vmem>>, %arg16: memref<!tpu.dma_semaphore, #tpu.memory_space<semaphore_mem>>, %arg17: memref<!tpu.dma_semaphore, #tpu.memory_space<semaphore_mem>>, %arg18: memref<!tpu.dma_semaphore, #tpu.memory_space<semaphore_mem>>) attributes {dimension_semantics = [#tpu.dimension_semantics<core_parallel>, #tpu.dimension_semantics<subcore_parallel>], iteration_bounds = array<i64: 2, 16>, scalar_prefetch = 0 : i64, scratch_operands = 12 : i64, tpu.core_type = #tpu.core_type<sc_vector_subcore>, window_params = [{transform_indices = #map}, {transform_indices = #map1}, {transform_indices = #map1}, {transform_indices = #map1}, {transform_indices = #map1}]} {
    %mul3A = arith.constant 16 : i32
    %mul3A_0 = arith.muli %arg0, %mul3A : i32
    %add3A = arith.addi %mul3A_0, %arg1 : i32
    %mul3A_1 = arith.constant 320 : i32
    %mul3A_2 = arith.muli %add3A, %mul3A_1 : i32
    %sub3A = arith.constant 10000 : i32
    %sub3A_3 = arith.subi %sub3A, %mul3A_2 : i32
    %min3A = arith.constant 320 : i32
    %min3A_4 = arith.minsi %min3A, %sub3A_3 : i32
    %broadcast_in_dim3A = arith.constant 0.000000e+00 : f32
    %broadcast_in_dim3A_5 = vector.broadcast %broadcast_in_dim3A : f32 to vector<16xf32>
    %parallel_loop3A = arith.constant 0 : i32
    %parallel_loop3A_6 = arith.constant 83968 : i32
    %parallel_loop3A_7 = arith.constant 128 : i32
    scf.for %parallel_loop3A_32 = %parallel_loop3A to %parallel_loop3A_6 step %parallel_loop3A_7  : i32 {
      %parallel_loop3A_33 = arith.constant 0 : i32
      %parallel_loop3A_34 = arith.addi %parallel_loop3A_32, %parallel_loop3A_33 : i32
      %parallel_loop3A_35 = arith.index_cast %parallel_loop3A_34 : i32 to index
      %parallel_loop3A_36 = tpu.vector_load %arg7[%parallel_loop3A_35] {strides = array<i32>} : memref<83968xf32, #tpu.memory_space<vmem>>, vector<16xf32>,
      tpu.vector_store %arg7[%parallel_loop3A_35], %broadcast_in_dim3A_5 {strides = array<i32>} : memref<83968xf32, #tpu.memory_space<vmem>>, vector<16xf32>,
      %parallel_loop3A_37 = arith.constant 16 : i32
      %parallel_loop3A_38 = arith.addi %parallel_loop3A_32, %parallel_loop3A_37 : i32
      %parallel_loop3A_39 = arith.index_cast %parallel_loop3A_38 : i32 to index
      %parallel_loop3A_40 = tpu.vector_load %arg7[%parallel_loop3A_39] {strides = array<i32>} : memref<83968xf32, #tpu.memory_space<vmem>>, vector<16xf32>,
      tpu.vector_store %arg7[%parallel_loop3A_39], %broadcast_in_dim3A_5 {strides = array<i32>} : memref<83968xf32, #tpu.memory_space<vmem>>, vector<16xf32>,
      %parallel_loop3A_41 = arith.constant 32 : i32
      %parallel_loop3A_42 = arith.addi %parallel_loop3A_32, %parallel_loop3A_41 : i32
      %parallel_loop3A_43 = arith.index_cast %parallel_loop3A_42 : i32 to index
      %parallel_loop3A_44 = tpu.vector_load %arg7[%parallel_loop3A_43] {strides = array<i32>} : memref<83968xf32, #tpu.memory_space<vmem>>, vector<16xf32>,
      tpu.vector_store %arg7[%parallel_loop3A_43], %broadcast_in_dim3A_5 {strides = array<i32>} : memref<83968xf32, #tpu.memory_space<vmem>>, vector<16xf32>,
      %parallel_loop3A_45 = arith.constant 48 : i32
      %parallel_loop3A_46 = arith.addi %parallel_loop3A_32, %parallel_loop3A_45 : i32
      %parallel_loop3A_47 = arith.index_cast %parallel_loop3A_46 : i32 to index
      %parallel_loop3A_48 = tpu.vector_load %arg7[%parallel_loop3A_47] {strides = array<i32>} : memref<83968xf32, #tpu.memory_space<vmem>>, vector<16xf32>,
      tpu.vector_store %arg7[%parallel_loop3A_47], %broadcast_in_dim3A_5 {strides = array<i32>} : memref<83968xf32, #tpu.memory_space<vmem>>, vector<16xf32>,
      %parallel_loop3A_49 = arith.constant 64 : i32
      %parallel_loop3A_50 = arith.addi %parallel_loop3A_32, %parallel_loop3A_49 : i32
      %parallel_loop3A_51 = arith.index_cast %parallel_loop3A_50 : i32 to index
      %parallel_loop3A_52 = tpu.vector_load %arg7[%parallel_loop3A_51] {strides = array<i32>} : memref<83968xf32, #tpu.memory_space<vmem>>, vector<16xf32>,
      tpu.vector_store %arg7[%parallel_loop3A_51], %broadcast_in_dim3A_5 {strides = array<i32>} : memref<83968xf32, #tpu.memory_space<vmem>>, vector<16xf32>,
      %parallel_loop3A_53 = arith.constant 80 : i32
      %parallel_loop3A_54 = arith.addi %parallel_loop3A_32, %parallel_loop3A_53 : i32
      %parallel_loop3A_55 = arith.index_cast %parallel_loop3A_54 : i32 to index
      %parallel_loop3A_56 = tpu.vector_load %arg7[%parallel_loop3A_55] {strides = array<i32>} : memref<83968xf32, #tpu.memory_space<vmem>>, vector<16xf32>,
      tpu.vector_store %arg7[%parallel_loop3A_55], %broadcast_in_dim3A_5 {strides = array<i32>} : memref<83968xf32, #tpu.memory_space<vmem>>, vector<16xf32>,
      %parallel_loop3A_57 = arith.constant 96 : i32
      %parallel_loop3A_58 = arith.addi %parallel_loop3A_32, %parallel_loop3A_57 : i32
      %parallel_loop3A_59 = arith.index_cast %parallel_loop3A_58 : i32 to index
      %parallel_loop3A_60 = tpu.vector_load %arg7[%parallel_loop3A_59] {strides = array<i32>} : memref<83968xf32, #tpu.memory_space<vmem>>, vector<16xf32>,
      tpu.vector_store %arg7[%parallel_loop3A_59], %broadcast_in_dim3A_5 {strides = array<i32>} : memref<83968xf32, #tpu.memory_space<vmem>>, vector<16xf32>,
      %parallel_loop3A_61 = arith.constant 112 : i32
      %parallel_loop3A_62 = arith.addi %parallel_loop3A_32, %parallel_loop3A_61 : i32
      %parallel_loop3A_63 = arith.index_cast %parallel_loop3A_62 : i32 to index
      %parallel_loop3A_64 = tpu.vector_load %arg7[%parallel_loop3A_63] {strides = array<i32>} : memref<83968xf32, #tpu.memory_space<vmem>>, vector<16xf32>,
      tpu.vector_store %arg7[%parallel_loop3A_63], %broadcast_in_dim3A_5 {strides = array<i32>} : memref<83968xf32, #tpu.memory_space<vmem>>, vector<16xf32>,
    } {sc.loop_unroll_factor = 4 : i64, sc.parallel_access}
    %iota3A = tpu.iota {dimensions = array<i32: 0>} : vector<16xi32>
    %dma_start3A = arith.constant 0 : i32
    %dma_start3A_8 = tpu.memref_slice %arg3[%dma_start3A] : memref<160000xi32, #tpu.memory_space<hbm>> -> memref<4000xi32, #tpu.memory_space<hbm>>
    %dma_start3A_9 = arith.constant 0 : i32
    %dma_start3A_10 = tpu.memref_slice %arg3[%dma_start3A_9] : memref<160000xi32, #tpu.memory_space<hbm>> -> memref<4000xi32, #tpu.memory_space<hbm>>
    tpu.enqueue_dma source(%dma_start3A_10 : memref<4000xi32, #tpu.memory_space<hbm>>) target(%arg8 : memref<4000xi32, #tpu.memory_space<vmem>>) target_semaphore(%arg18 : memref<!tpu.dma_semaphore, #tpu.memory_space<semaphore_mem>>)
    %dma_start3A_11 = arith.constant 0 : i32
    %dma_start3A_12 = tpu.memref_slice %arg4[%dma_start3A_11] : memref<160000xi32, #tpu.memory_space<hbm>> -> memref<4000xi32, #tpu.memory_space<hbm>>
    %dma_start3A_13 = arith.constant 0 : i32
    %dma_start3A_14 = tpu.memref_slice %arg4[%dma_start3A_13] : memref<160000xi32, #tpu.memory_space<hbm>> -> memref<4000xi32, #tpu.memory_space<hbm>>
    tpu.enqueue_dma source(%dma_start3A_14 : memref<4000xi32, #tpu.memory_space<hbm>>) target(%arg9 : memref<4000xi32, #tpu.memory_space<vmem>>) target_semaphore(%arg18 : memref<!tpu.dma_semaphore, #tpu.memory_space<semaphore_mem>>)
    %dma_start3A_15 = arith.constant 0 : i32
    %dma_start3A_16 = tpu.memref_slice %arg5[%dma_start3A_15] : memref<160000xf32, #tpu.memory_space<hbm>> -> memref<4000xf32, #tpu.memory_space<hbm>>
    %dma_start3A_17 = arith.constant 0 : i32
    %dma_start3A_18 = tpu.memref_slice %arg5[%dma_start3A_17] : memref<160000xf32, #tpu.memory_space<hbm>> -> memref<4000xf32, #tpu.memory_space<hbm>>
    tpu.enqueue_dma source(%dma_start3A_18 : memref<4000xf32, #tpu.memory_space<hbm>>) target(%arg10 : memref<4000xf32, #tpu.memory_space<vmem>>) target_semaphore(%arg18 : memref<!tpu.dma_semaphore, #tpu.memory_space<semaphore_mem>>)
    %scan3A = arith.constant 0 : i32
    %scan3A_19 = arith.constant 40 : i32
    %scan3A_20 = arith.addi %scan3A, %scan3A_19 : i32
    %scan3A_21 = arith.constant 1 : i32
    scf.for %scan3A_32 = %scan3A to %scan3A_20 step %scan3A_21  : i32 {
      %mul3A_33 = arith.constant 1 : i32
      %mul3A_34 = arith.muli %scan3A_32, %mul3A_33 : i32
      %add3A_35 = arith.constant 0 : i32
      %add3A_36 = arith.addi %add3A_35, %mul3A_34 : i32
      %dma_wait3A = arith.constant 0 : i32
      %dma_wait3A_37 = tpu.memref_slice %arg3[%dma_wait3A] : memref<160000xi32, #tpu.memory_space<hbm>> -> memref<4000xi32, #tpu.memory_space<hbm>>
      %dma_wait3A_38 = arith.constant 0 : i32
      %dma_wait3A_39 = tpu.memref_slice %arg3[%dma_wait3A_38] : memref<160000xi32, #tpu.memory_space<hbm>> -> memref<4000xi32, #tpu.memory_space<hbm>>
      tpu.wait_dma2 semaphore(%arg18 : memref<!tpu.dma_semaphore, #tpu.memory_space<semaphore_mem>>) src(%dma_wait3A_39 : memref<4000xi32, #tpu.memory_space<hbm>>) dst(%arg8 : memref<4000xi32, #tpu.memory_space<vmem>>)
      %dma_wait3A_40 = arith.constant 0 : i32
      %dma_wait3A_41 = tpu.memref_slice %arg4[%dma_wait3A_40] : memref<160000xi32, #tpu.memory_space<hbm>> -> memref<4000xi32, #tpu.memory_space<hbm>>
      %dma_wait3A_42 = arith.constant 0 : i32
      %dma_wait3A_43 = tpu.memref_slice %arg4[%dma_wait3A_42] : memref<160000xi32, #tpu.memory_space<hbm>> -> memref<4000xi32, #tpu.memory_space<hbm>>
      tpu.wait_dma2 semaphore(%arg18 : memref<!tpu.dma_semaphore, #tpu.memory_space<semaphore_mem>>) src(%dma_wait3A_43 : memref<4000xi32, #tpu.memory_space<hbm>>) dst(%arg9 : memref<4000xi32, #tpu.memory_space<vmem>>)
      %dma_wait3A_44 = arith.constant 0 : i32
      %dma_wait3A_45 = tpu.memref_slice %arg5[%dma_wait3A_44] : memref<160000xf32, #tpu.memory_space<hbm>> -> memref<4000xf32, #tpu.memory_space<hbm>>
      %dma_wait3A_46 = arith.constant 0 : i32
      %dma_wait3A_47 = tpu.memref_slice %arg5[%dma_wait3A_46] : memref<160000xf32, #tpu.memory_space<hbm>> -> memref<4000xf32, #tpu.memory_space<hbm>>
      tpu.wait_dma2 semaphore(%arg18 : memref<!tpu.dma_semaphore, #tpu.memory_space<semaphore_mem>>) src(%dma_wait3A_47 : memref<4000xf32, #tpu.memory_space<hbm>>) dst(%arg10 : memref<4000xf32, #tpu.memory_space<vmem>>)
      %broadcast_in_dim3A_48 = arith.constant -1 : i32
      %broadcast_in_dim3A_49 = vector.broadcast %broadcast_in_dim3A_48 : i32 to vector<16xi32>
      %parallel_loop3A_50 = arith.constant 0 : i32
      %parallel_loop3A_51 = arith.constant 4000 : i32
      %parallel_loop3A_52 = arith.constant 16 : i32
      %parallel_loop3A_53 = scf.for %parallel_loop3A_117 = %parallel_loop3A_50 to %parallel_loop3A_51 step %parallel_loop3A_52 iter_args(%parallel_loop3A_118 = %broadcast_in_dim3A_49) -> (vector<16xi32>)  : i32 {
        %parallel_loop3A_119 = arith.index_cast %parallel_loop3A_117 : i32 to index
        %parallel_loop3A_120 = tpu.vector_load %arg9[%parallel_loop3A_119] {strides = array<i32>} : memref<4000xi32, #tpu.memory_space<vmem>>, vector<16xi32>,
        %parallel_loop3A_121 = vector.broadcast %mul3A_2 : i32 to vector<16xi32>
        %parallel_loop3A_122 = arith.subi %parallel_loop3A_120, %parallel_loop3A_121 : vector<16xi32>
        %parallel_loop3A_123 = vector.bitcast %parallel_loop3A_122 : vector<16xi32> to vector<16xi32>
        %parallel_loop3A_124 = vector.broadcast %min3A_4 : i32 to vector<16xi32>
        %parallel_loop3A_125 = arith.cmpi ult, %parallel_loop3A_123, %parallel_loop3A_124 : vector<16xi32>
        %parallel_loop3A_126 = tpu.all_reduce %parallel_loop3A_125 {dim = 0 : i64, kind = #tpu.reduction_kind<sum>} : vector<16xi1> -> vector<16xi32>
        %parallel_loop3A_127 = arith.extui %parallel_loop3A_125 : vector<16xi1> to vector<16xi32>
        %parallel_loop3A_128 = arith.constant true
        %parallel_loop3A_129 = vector.broadcast %parallel_loop3A_128 : i1 to vector<16xi1>
        %parallel_loop3A_130 = tpu.scan <sum>, %parallel_loop3A_127 masked %parallel_loop3A_129 : vector<16xi32>, vector<16xi1> -> vector<16xi32>
        %parallel_loop3A_131 = arith.addi %parallel_loop3A_118, %parallel_loop3A_130 : vector<16xi32>
        %parallel_loop3A_132 = arith.index_cast %parallel_loop3A_117 : i32 to index
        %parallel_loop3A_133 = tpu.vector_load %arg8[%parallel_loop3A_132] {strides = array<i32>} : memref<4000xi32, #tpu.memory_space<vmem>>, vector<16xi32>,
        tpu.vector_store_idx %arg11[%parallel_loop3A_131], %parallel_loop3A_133 masked %parallel_loop3A_125 : memref<4064xi32, #tpu.memory_space<vmem>>[vector<16xi32>], vector<16xi32>, vector<16xi1>
        %parallel_loop3A_134 = arith.index_cast %parallel_loop3A_117 : i32 to index
        %parallel_loop3A_135 = tpu.vector_load %arg10[%parallel_loop3A_134] {strides = array<i32>} : memref<4000xf32, #tpu.memory_space<vmem>>, vector<16xf32>,
        tpu.vector_store_idx %arg12[%parallel_loop3A_131], %parallel_loop3A_135 masked %parallel_loop3A_125 : memref<4064xf32, #tpu.memory_space<vmem>>[vector<16xi32>], vector<16xf32>, vector<16xi1>
        tpu.vector_store_idx %arg13[%parallel_loop3A_131], %parallel_loop3A_122 masked %parallel_loop3A_125 : memref<4064xi32, #tpu.memory_space<vmem>>[vector<16xi32>], vector<16xi32>, vector<16xi1>
        %parallel_loop3A_136 = arith.addi %parallel_loop3A_118, %parallel_loop3A_126 : vector<16xi32>
        scf.yield %parallel_loop3A_136 : vector<16xi32>
      } {sc.loop_unroll_factor = 8 : i64, sc.parallel_access}
      %add3A_54 = arith.constant 1 : i32
      %add3A_55 = arith.addi %add3A_36, %add3A_54 : i32
      %lt3A_56 = arith.constant 40 : i32
      %lt3A_57 = arith.cmpi slt, %add3A_55, %lt3A_56 : i32
      %convert_element_type3A_58 = arith.extui %lt3A_57 : i1 to i32
      %cond3A_59 = arith.constant 0 : i32
      %cond3A_60 = arith.cmpi ne, %convert_element_type3A_58, %cond3A_59 : i32
      scf.if %cond3A_60 {
        %add3A_117 = arith.constant 1 : i32
        %add3A_118 = arith.addi %add3A_36, %add3A_117 : i32
        %mul3A_119 = arith.constant 4000 : i32
        %mul3A_120 = arith.muli %add3A_118, %mul3A_119 : i32
        %dma_start3A_121 = tpu.memref_slice %arg3[%mul3A_120] : memref<160000xi32, #tpu.memory_space<hbm>> -> memref<4000xi32, #tpu.memory_space<hbm>>
        %dma_start3A_122 = tpu.memref_slice %arg3[%mul3A_120] : memref<160000xi32, #tpu.memory_space<hbm>> -> memref<4000xi32, #tpu.memory_space<hbm>>
        tpu.enqueue_dma source(%dma_start3A_122 : memref<4000xi32, #tpu.memory_space<hbm>>) target(%arg8 : memref<4000xi32, #tpu.memory_space<vmem>>) target_semaphore(%arg18 : memref<!tpu.dma_semaphore, #tpu.memory_space<semaphore_mem>>)
        %dma_start3A_123 = tpu.memref_slice %arg4[%mul3A_120] : memref<160000xi32, #tpu.memory_space<hbm>> -> memref<4000xi32, #tpu.memory_space<hbm>>
        %dma_start3A_124 = tpu.memref_slice %arg4[%mul3A_120] : memref<160000xi32, #tpu.memory_space<hbm>> -> memref<4000xi32, #tpu.memory_space<hbm>>
        tpu.enqueue_dma source(%dma_start3A_124 : memref<4000xi32, #tpu.memory_space<hbm>>) target(%arg9 : memref<4000xi32, #tpu.memory_space<vmem>>) target_semaphore(%arg18 : memref<!tpu.dma_semaphore, #tpu.memory_space<semaphore_mem>>)
        %dma_start3A_125 = tpu.memref_slice %arg5[%mul3A_120] : memref<160000xf32, #tpu.memory_space<hbm>> -> memref<4000xf32, #tpu.memory_space<hbm>>
        %dma_start3A_126 = tpu.memref_slice %arg5[%mul3A_120] : memref<160000xf32, #tpu.memory_space<hbm>> -> memref<4000xf32, #tpu.memory_space<hbm>>
        tpu.enqueue_dma source(%dma_start3A_126 : memref<4000xf32, #tpu.memory_space<hbm>>) target(%arg10 : memref<4000xf32, #tpu.memory_space<vmem>>) target_semaphore(%arg18 : memref<!tpu.dma_semaphore, #tpu.memory_space<semaphore_mem>>)
      } else {
      }
      %reduce_max3A = arith.constant true
      %reduce_max3A_61 = vector.broadcast %reduce_max3A : i1 to vector<16xi1>
      %reduce_max3A_62 = arith.constant -2147483648 : i32
      %reduce_max3A_63 = vector.broadcast %reduce_max3A_62 : i32 to vector<16xi32>
      %reduce_max3A_64 = arith.xori %parallel_loop3A_53, %reduce_max3A_63 : vector<16xi32>
      %reduce_max3A_65 = tpu.scan <max>, %reduce_max3A_64 masked %reduce_max3A_61 : vector<16xi32>, vector<16xi1> -> vector<16xi32>
      %reduce_max3A_66 = arith.xori %reduce_max3A_65, %reduce_max3A_63 : vector<16xi32>
      %reduce_max3A_67 = vector.extract %reduce_max3A_66[15] : i32 from vector<16xi32>
      %add3A_68 = arith.constant 1 : i32
      %add3A_69 = arith.addi %reduce_max3A_67, %add3A_68 : i32
      %add3A_70 = arith.constant 63 : i32
      %add3A_71 = arith.addi %add3A_69, %add3A_70 : i32
      %and3A = arith.constant -64 : i32
      %and3A_72 = arith.andi %add3A_71, %and3A : i32
      %add3A_73 = arith.constant 0 : i32
      %add3A_74 = arith.addi %add3A_69, %add3A_73 : i32
      %add3A_75 = vector.broadcast %add3A_74 : i32 to vector<16xi32>
      %add3A_76 = arith.addi %add3A_75, %iota3A : vector<16xi32>
      %lt3A_77 = vector.broadcast %and3A_72 : i32 to vector<16xi32>
      %lt3A_78 = arith.cmpi slt, %add3A_76, %lt3A_77 : vector<16xi32>
      %add3A_79 = vector.broadcast %add3A : i32 to vector<16xi32>
      %add3A_80 = arith.addi %add3A_79, %iota3A : vector<16xi32>
      tpu.vector_store_idx %arg11[%add3A_76], %add3A_80 masked %lt3A_78 : memref<4064xi32, #tpu.memory_space<vmem>>[vector<16xi32>], vector<16xi32>, vector<16xi1>
      tpu.vector_store_idx %arg12[%add3A_76], %broadcast_in_dim3A_5 masked %lt3A_78 : memref<4064xf32, #tpu.memory_space<vmem>>[vector<16xi32>], vector<16xf32>, vector<16xi1>
      %broadcast_in_dim3A_81 = arith.constant 320 : i32
      %broadcast_in_dim3A_82 = vector.broadcast %broadcast_in_dim3A_81 : i32 to vector<16xi32>
      tpu.vector_store_idx %arg13[%add3A_76], %broadcast_in_dim3A_82 masked %lt3A_78 : memref<4064xi32, #tpu.memory_space<vmem>>[vector<16xi32>], vector<16xi32>, vector<16xi1>
      %add3A_83 = arith.constant 16 : i32
      %add3A_84 = arith.addi %add3A_69, %add3A_83 : i32
      %add3A_85 = vector.broadcast %add3A_84 : i32 to vector<16xi32>
      %add3A_86 = arith.addi %add3A_85, %iota3A : vector<16xi32>
      %lt3A_87 = vector.broadcast %and3A_72 : i32 to vector<16xi32>
      %lt3A_88 = arith.cmpi slt, %add3A_86, %lt3A_87 : vector<16xi32>
      %add3A_89 = vector.broadcast %add3A : i32 to vector<16xi32>
      %add3A_90 = arith.addi %add3A_89, %iota3A : vector<16xi32>
      tpu.vector_store_idx %arg11[%add3A_86], %add3A_90 masked %lt3A_88 : memref<4064xi32, #tpu.memory_space<vmem>>[vector<16xi32>], vector<16xi32>, vector<16xi1>
      tpu.vector_store_idx %arg12[%add3A_86], %broadcast_in_dim3A_5 masked %lt3A_88 : memref<4064xf32, #tpu.memory_space<vmem>>[vector<16xi32>], vector<16xf32>, vector<16xi1>
      %broadcast_in_dim3A_91 = arith.constant 320 : i32
      %broadcast_in_dim3A_92 = vector.broadcast %broadcast_in_dim3A_91 : i32 to vector<16xi32>
      tpu.vector_store_idx %arg13[%add3A_86], %broadcast_in_dim3A_92 masked %lt3A_88 : memref<4064xi32, #tpu.memory_space<vmem>>[vector<16xi32>], vector<16xi32>, vector<16xi1>
      %add3A_93 = arith.constant 32 : i32
      %add3A_94 = arith.addi %add3A_69, %add3A_93 : i32
      %add3A_95 = vector.broadcast %add3A_94 : i32 to vector<16xi32>
      %add3A_96 = arith.addi %add3A_95, %iota3A : vector<16xi32>
      %lt3A_97 = vector.broadcast %and3A_72 : i32 to vector<16xi32>
      %lt3A_98 = arith.cmpi slt, %add3A_96, %lt3A_97 : vector<16xi32>
      %add3A_99 = vector.broadcast %add3A : i32 to vector<16xi32>
      %add3A_100 = arith.addi %add3A_99, %iota3A : vector<16xi32>
      tpu.vector_store_idx %arg11[%add3A_96], %add3A_100 masked %lt3A_98 : memref<4064xi32, #tpu.memory_space<vmem>>[vector<16xi32>], vector<16xi32>, vector<16xi1>
      tpu.vector_store_idx %arg12[%add3A_96], %broadcast_in_dim3A_5 masked %lt3A_98 : memref<4064xf32, #tpu.memory_space<vmem>>[vector<16xi32>], vector<16xf32>, vector<16xi1>
      %broadcast_in_dim3A_101 = arith.constant 320 : i32
      %broadcast_in_dim3A_102 = vector.broadcast %broadcast_in_dim3A_101 : i32 to vector<16xi32>
      tpu.vector_store_idx %arg13[%add3A_96], %broadcast_in_dim3A_102 masked %lt3A_98 : memref<4064xi32, #tpu.memory_space<vmem>>[vector<16xi32>], vector<16xi32>, vector<16xi1>
      %add3A_103 = arith.constant 48 : i32
      %add3A_104 = arith.addi %add3A_69, %add3A_103 : i32
      %add3A_105 = vector.broadcast %add3A_104 : i32 to vector<16xi32>
      %add3A_106 = arith.addi %add3A_105, %iota3A : vector<16xi32>
      %lt3A_107 = vector.broadcast %and3A_72 : i32 to vector<16xi32>
      %lt3A_108 = arith.cmpi slt, %add3A_106, %lt3A_107 : vector<16xi32>
      %add3A_109 = vector.broadcast %add3A : i32 to vector<16xi32>
      %add3A_110 = arith.addi %add3A_109, %iota3A : vector<16xi32>
      tpu.vector_store_idx %arg11[%add3A_106], %add3A_110 masked %lt3A_108 : memref<4064xi32, #tpu.memory_space<vmem>>[vector<16xi32>], vector<16xi32>, vector<16xi1>
      tpu.vector_store_idx %arg12[%add3A_106], %broadcast_in_dim3A_5 masked %lt3A_108 : memref<4064xf32, #tpu.memory_space<vmem>>[vector<16xi32>], vector<16xf32>, vector<16xi1>
      %broadcast_in_dim3A_111 = arith.constant 320 : i32
      %broadcast_in_dim3A_112 = vector.broadcast %broadcast_in_dim3A_111 : i32 to vector<16xi32>
      tpu.vector_store_idx %arg13[%add3A_106], %broadcast_in_dim3A_112 masked %lt3A_108 : memref<4064xi32, #tpu.memory_space<vmem>>[vector<16xi32>], vector<16xi32>, vector<16xi1>
      %gt3A = arith.constant 0 : i32
      %gt3A_113 = arith.cmpi sgt, %and3A_72, %gt3A : i32
      %convert_element_type3A_114 = arith.extui %gt3A_113 : i1 to i32
      %cond3A_115 = arith.constant 0 : i32
      %cond3A_116 = arith.cmpi ne, %convert_element_type3A_114, %cond3A_115 : i32
      scf.if %cond3A_116 {
        %dma_start3A_117 = arith.constant 0 : i32
        %dma_start3A_118 = tpu.memref_slice %arg11[%dma_start3A_117] : memref<4064xi32, #tpu.memory_space<vmem>> -> memref<32xi32, #tpu.memory_space<vmem>>
        %dma_start3A_119 = arith.constant 0 : i32
        %dma_start3A_120 = arith.constant 0 : i32
        %dma_start3A_121 = tpu.memref_slice %arg2[%dma_start3A_119, %dma_start3A_120] : memref<10000x256xf32, #tpu.memory_space<hbm>> -> memref<10000x256xf32, #tpu.memory_space<hbm>>
        tpu.enqueue_indirect_dma source(%dma_start3A_121 : memref<10000x256xf32, #tpu.memory_space<hbm>>) target(%arg14 : memref<32x256xf32, #tpu.memory_space<vmem>>) offsets(%dma_start3A_118 : memref<32xi32, #tpu.memory_space<vmem>>) semaphore(%arg16 : memref<!tpu.dma_semaphore, #tpu.memory_space<semaphore_mem>>)
        %sub3A_122 = arith.constant 0 : i32
        %sub3A_123 = arith.subi %and3A_72, %sub3A_122 : i32
        %sub3A_124 = arith.constant 64 : i32
        %sub3A_125 = arith.constant 1 : i32
        %sub3A_126 = arith.subi %sub3A_124, %sub3A_125 : i32
        %add3A_127 = arith.addi %sub3A_123, %sub3A_126 : i32
        %div3A = arith.constant 64 : i32
        %div3A_128 = arith.divsi %add3A_127, %div3A : i32
        %while3A = arith.constant 64 : i32
        %while3A_129 = arith.constant 0 : i32
        %while3A_130 = arith.constant 0 : i32
        %while3A_131 = arith.subi %div3A_128, %while3A_130 : i32
        %while3A_132 = arith.addi %while3A_130, %while3A_131 : i32
        %while3A_133 = arith.constant 1 : i32
        %while3A_134 = arith.divsi %while3A_131, %while3A_133 : i32
        %while3A_135 = arith.muli %while3A_134, %while3A_133 : i32
        %while3A_136 = arith.addi %while3A_130, %while3A_135 : i32
        %while3A_137 = arith.constant 1 : i32
        scf.for %while3A_139 = %while3A_130 to %while3A_136 step %while3A_137  : i32 {
          %mul3A_140 = arith.muli %while3A_139, %while3A : i32
          %add3A_141 = arith.addi %while3A_129, %mul3A_140 : i32
          %add3A_142 = arith.constant 32 : i32
          %add3A_143 = arith.addi %add3A_141, %add3A_142 : i32
          %dma_start3A_144 = tpu.memref_slice %arg11[%add3A_143] : memref<4064xi32, #tpu.memory_space<vmem>> -> memref<32xi32, #tpu.memory_space<vmem>>
          %dma_start3A_145 = arith.constant 0 : i32
          %dma_start3A_146 = arith.constant 0 : i32
          %dma_start3A_147 = tpu.memref_slice %arg2[%dma_start3A_145, %dma_start3A_146] : memref<10000x256xf32, #tpu.memory_space<hbm>> -> memref<10000x256xf32, #tpu.memory_space<hbm>>
          tpu.enqueue_indirect_dma source(%dma_start3A_147 : memref<10000x256xf32, #tpu.memory_space<hbm>>) target(%arg15 : memref<32x256xf32, #tpu.memory_space<vmem>>) offsets(%dma_start3A_144 : memref<32xi32, #tpu.memory_space<vmem>>) semaphore(%arg17 : memref<!tpu.dma_semaphore, #tpu.memory_space<semaphore_mem>>)
          %dma_wait3A_148 = tpu.memref_slice %arg11[%add3A_141] : memref<4064xi32, #tpu.memory_space<vmem>> -> memref<32xi32, #tpu.memory_space<vmem>>
          %dma_wait3A_149 = arith.constant 0 : i32
          %dma_wait3A_150 = arith.constant 0 : i32
          %dma_wait3A_151 = tpu.memref_slice %arg2[%dma_wait3A_149, %dma_wait3A_150] : memref<10000x256xf32, #tpu.memory_space<hbm>> -> memref<10000x256xf32, #tpu.memory_space<hbm>>
          tpu.wait_indirect_dma semaphore(%arg16 : memref<!tpu.dma_semaphore, #tpu.memory_space<semaphore_mem>>) src(%dma_wait3A_151 : memref<10000x256xf32, #tpu.memory_space<hbm>>) dst(%arg14 : memref<32x256xf32, #tpu.memory_space<vmem>>)
          %parallel_loop3A_152 = arith.constant 0 : i32
          %parallel_loop3A_153 = arith.constant 32 : i32
          %parallel_loop3A_154 = arith.constant 1 : i32
          scf.for %parallel_loop3A_172 = %parallel_loop3A_152 to %parallel_loop3A_153 step %parallel_loop3A_154  : i32 {
            %parallel_loop3A_173 = arith.addi %add3A_141, %parallel_loop3A_172 : i32
            %parallel_loop3A_174 = vector.broadcast %parallel_loop3A_173 : i32 to vector<16xi32>
            %parallel_loop3A_175 = tpu.vector_load_idx %arg12[%parallel_loop3A_174] : memref<4064xf32, #tpu.memory_space<vmem>>[vector<16xi32>], vector<16xf32>,
            %parallel_loop3A_176 = tpu.vector_load_idx %arg13[%parallel_loop3A_174] : memref<4064xi32, #tpu.memory_space<vmem>>[vector<16xi32>], vector<16xi32>,
            %parallel_loop3A_177 = arith.constant 8 : i32
            %parallel_loop3A_178 = vector.broadcast %parallel_loop3A_177 : i32 to vector<16xi32>
            %parallel_loop3A_179 = arith.shli %parallel_loop3A_176, %parallel_loop3A_178 : vector<16xi32>
            %parallel_loop3A_180 = arith.addi %parallel_loop3A_179, %iota3A : vector<16xi32>
            %parallel_loop3A_181 = arith.index_cast %parallel_loop3A_172 : i32 to index
            %parallel_loop3A_182 = arith.constant 0 : index
            %parallel_loop3A_183 = tpu.vector_load %arg14[%parallel_loop3A_181, %parallel_loop3A_182] {strides = array<i32>} : memref<32x256xf32, #tpu.memory_space<vmem>>, vector<16xf32>,
            %parallel_loop3A_184 = arith.mulf %parallel_loop3A_183, %parallel_loop3A_175 : vector<16xf32>
            %parallel_loop3A_185 = arith.constant 0 : i32
            %parallel_loop3A_186 = vector.broadcast %parallel_loop3A_185 : i32 to vector<16xi32>
            %parallel_loop3A_187 = arith.addi %parallel_loop3A_180, %parallel_loop3A_186 : vector<16xi32>
            tpu.vector_store_idx %arg7[%parallel_loop3A_187], %parallel_loop3A_184 {add = true} : memref<83968xf32, #tpu.memory_space<vmem>>[vector<16xi32>], vector<16xf32>,
            %parallel_loop3A_188 = arith.index_cast %parallel_loop3A_172 : i32 to index
            %parallel_loop3A_189 = arith.constant 16 : index
            %parallel_loop3A_190 = tpu.vector_load %arg14[%parallel_loop3A_188, %parallel_loop3A_189] {strides = array<i32>} : memref<32x256xf32, #tpu.memory_space<vmem>>, vector<16xf32>,
            %parallel_loop3A_191 = arith.mulf %parallel_loop3A_190, %parallel_loop3A_175 : vector<16xf32>
            %parallel_loop3A_192 = arith.constant 16 : i32
            %parallel_loop3A_193 = vector.broadcast %parallel_loop3A_192 : i32 to vector<16xi32>
            %parallel_loop3A_194 = arith.addi %parallel_loop3A_180, %parallel_loop3A_193 : vector<16xi32>
            tpu.vector_store_idx %arg7[%parallel_loop3A_194], %parallel_loop3A_191 {add = true} : memref<83968xf32, #tpu.memory_space<vmem>>[vector<16xi32>], vector<16xf32>,
            %parallel_loop3A_195 = arith.index_cast %parallel_loop3A_172 : i32 to index
            %parallel_loop3A_196 = arith.constant 32 : index
            %parallel_loop3A_197 = tpu.vector_load %arg14[%parallel_loop3A_195, %parallel_loop3A_196] {strides = array<i32>} : memref<32x256xf32, #tpu.memory_space<vmem>>, vector<16xf32>,
            %parallel_loop3A_198 = arith.mulf %parallel_loop3A_197, %parallel_loop3A_175 : vector<16xf32>
            %parallel_loop3A_199 = arith.constant 32 : i32
            %parallel_loop3A_200 = vector.broadcast %parallel_loop3A_199 : i32 to vector<16xi32>
            %parallel_loop3A_201 = arith.addi %parallel_loop3A_180, %parallel_loop3A_200 : vector<16xi32>
            tpu.vector_store_idx %arg7[%parallel_loop3A_201], %parallel_loop3A_198 {add = true} : memref<83968xf32, #tpu.memory_space<vmem>>[vector<16xi32>], vector<16xf32>,
            %parallel_loop3A_202 = arith.index_cast %parallel_loop3A_172 : i32 to index
            %parallel_loop3A_203 = arith.constant 48 : index
            %parallel_loop3A_204 = tpu.vector_load %arg14[%parallel_loop3A_202, %parallel_loop3A_203] {strides = array<i32>} : memref<32x256xf32, #tpu.memory_space<vmem>>, vector<16xf32>,
            %parallel_loop3A_205 = arith.mulf %parallel_loop3A_204, %parallel_loop3A_175 : vector<16xf32>
            %parallel_loop3A_206 = arith.constant 48 : i32
            %parallel_loop3A_207 = vector.broadcast %parallel_loop3A_206 : i32 to vector<16xi32>
            %parallel_loop3A_208 = arith.addi %parallel_loop3A_180, %parallel_loop3A_207 : vector<16xi32>
            tpu.vector_store_idx %arg7[%parallel_loop3A_208], %parallel_loop3A_205 {add = true} : memref<83968xf32, #tpu.memory_space<vmem>>[vector<16xi32>], vector<16xf32>,
            %parallel_loop3A_209 = arith.index_cast %parallel_loop3A_172 : i32 to index
            %parallel_loop3A_210 = arith.constant 64 : index
            %parallel_loop3A_211 = tpu.vector_load %arg14[%parallel_loop3A_209, %parallel_loop3A_210] {strides = array<i32>} : memref<32x256xf32, #tpu.memory_space<vmem>>, vector<16xf32>,
            %parallel_loop3A_212 = arith.mulf %parallel_loop3A_211, %parallel_loop3A_175 : vector<16xf32>
            %parallel_loop3A_213 = arith.constant 64 : i32
            %parallel_loop3A_214 = vector.broadcast %parallel_loop3A_213 : i32 to vector<16xi32>
            %parallel_loop3A_215 = arith.addi %parallel_loop3A_180, %parallel_loop3A_214 : vector<16xi32>
            tpu.vector_store_idx %arg7[%parallel_loop3A_215], %parallel_loop3A_212 {add = true} : memref<83968xf32, #tpu.memory_space<vmem>>[vector<16xi32>], vector<16xf32>,
            %parallel_loop3A_216 = arith.index_cast %parallel_loop3A_172 : i32 to index
            %parallel_loop3A_217 = arith.constant 80 : index
            %parallel_loop3A_218 = tpu.vector_load %arg14[%parallel_loop3A_216, %parallel_loop3A_217] {strides = array<i32>} : memref<32x256xf32, #tpu.memory_space<vmem>>, vector<16xf32>,
            %parallel_loop3A_219 = arith.mulf %parallel_loop3A_218, %parallel_loop3A_175 : vector<16xf32>
            %parallel_loop3A_220 = arith.constant 80 : i32
            %parallel_loop3A_221 = vector.broadcast %parallel_loop3A_220 : i32 to vector<16xi32>
            %parallel_loop3A_222 = arith.addi %parallel_loop3A_180, %parallel_loop3A_221 : vector<16xi32>
            tpu.vector_store_idx %arg7[%parallel_loop3A_222], %parallel_loop3A_219 {add = true} : memref<83968xf32, #tpu.memory_space<vmem>>[vector<16xi32>], vector<16xf32>,
            %parallel_loop3A_223 = arith.index_cast %parallel_loop3A_172 : i32 to index
            %parallel_loop3A_224 = arith.constant 96 : index
            %parallel_loop3A_225 = tpu.vector_load %arg14[%parallel_loop3A_223, %parallel_loop3A_224] {strides = array<i32>} : memref<32x256xf32, #tpu.memory_space<vmem>>, vector<16xf32>,
            %parallel_loop3A_226 = arith.mulf %parallel_loop3A_225, %parallel_loop3A_175 : vector<16xf32>
            %parallel_loop3A_227 = arith.constant 96 : i32
            %parallel_loop3A_228 = vector.broadcast %parallel_loop3A_227 : i32 to vector<16xi32>
            %parallel_loop3A_229 = arith.addi %parallel_loop3A_180, %parallel_loop3A_228 : vector<16xi32>
            tpu.vector_store_idx %arg7[%parallel_loop3A_229], %parallel_loop3A_226 {add = true} : memref<83968xf32, #tpu.memory_space<vmem>>[vector<16xi32>], vector<16xf32>,
            %parallel_loop3A_230 = arith.index_cast %parallel_loop3A_172 : i32 to index
            %parallel_loop3A_231 = arith.constant 112 : index
            %parallel_loop3A_232 = tpu.vector_load %arg14[%parallel_loop3A_230, %parallel_loop3A_231] {strides = array<i32>} : memref<32x256xf32, #tpu.memory_space<vmem>>, vector<16xf32>,
            %parallel_loop3A_233 = arith.mulf %parallel_loop3A_232, %parallel_loop3A_175 : vector<16xf32>
            %parallel_loop3A_234 = arith.constant 112 : i32
            %parallel_loop3A_235 = vector.broadcast %parallel_loop3A_234 : i32 to vector<16xi32>
            %parallel_loop3A_236 = arith.addi %parallel_loop3A_180, %parallel_loop3A_235 : vector<16xi32>
            tpu.vector_store_idx %arg7[%parallel_loop3A_236], %parallel_loop3A_233 {add = true} : memref<83968xf32, #tpu.memory_space<vmem>>[vector<16xi32>], vector<16xf32>,
            %parallel_loop3A_237 = arith.index_cast %parallel_loop3A_172 : i32 to index
            %parallel_loop3A_238 = arith.constant 128 : index
            %parallel_loop3A_239 = tpu.vector_load %arg14[%parallel_loop3A_237, %parallel_loop3A_238] {strides = array<i32>} : memref<32x256xf32, #tpu.memory_space<vmem>>, vector<16xf32>,
            %parallel_loop3A_240 = arith.mulf %parallel_loop3A_239, %parallel_loop3A_175 : vector<16xf32>
            %parallel_loop3A_241 = arith.constant 128 : i32
            %parallel_loop3A_242 = vector.broadcast %parallel_loop3A_241 : i32 to vector<16xi32>
            %parallel_loop3A_243 = arith.addi %parallel_loop3A_180, %parallel_loop3A_242 : vector<16xi32>
            tpu.vector_store_idx %arg7[%parallel_loop3A_243], %parallel_loop3A_240 {add = true} : memref<83968xf32, #tpu.memory_space<vmem>>[vector<16xi32>], vector<16xf32>,
            %parallel_loop3A_244 = arith.index_cast %parallel_loop3A_172 : i32 to index
            %parallel_loop3A_245 = arith.constant 144 : index
            %parallel_loop3A_246 = tpu.vector_load %arg14[%parallel_loop3A_244, %parallel_loop3A_245] {strides = array<i32>} : memref<32x256xf32, #tpu.memory_space<vmem>>, vector<16xf32>,
            %parallel_loop3A_247 = arith.mulf %parallel_loop3A_246, %parallel_loop3A_175 : vector<16xf32>
            %parallel_loop3A_248 = arith.constant 144 : i32
            %parallel_loop3A_249 = vector.broadcast %parallel_loop3A_248 : i32 to vector<16xi32>
            %parallel_loop3A_250 = arith.addi %parallel_loop3A_180, %parallel_loop3A_249 : vector<16xi32>
            tpu.vector_store_idx %arg7[%parallel_loop3A_250], %parallel_loop3A_247 {add = true} : memref<83968xf32, #tpu.memory_space<vmem>>[vector<16xi32>], vector<16xf32>,
            %parallel_loop3A_251 = arith.index_cast %parallel_loop3A_172 : i32 to index
            %parallel_loop3A_252 = arith.constant 160 : index
            %parallel_loop3A_253 = tpu.vector_load %arg14[%parallel_loop3A_251, %parallel_loop3A_252] {strides = array<i32>} : memref<32x256xf32, #tpu.memory_space<vmem>>, vector<16xf32>,
            %parallel_loop3A_254 = arith.mulf %parallel_loop3A_253, %parallel_loop3A_175 : vector<16xf32>
            %parallel_loop3A_255 = arith.constant 160 : i32
            %parallel_loop3A_256 = vector.broadcast %parallel_loop3A_255 : i32 to vector<16xi32>
            %parallel_loop3A_257 = arith.addi %parallel_loop3A_180, %parallel_loop3A_256 : vector<16xi32>
            tpu.vector_store_idx %arg7[%parallel_loop3A_257], %parallel_loop3A_254 {add = true} : memref<83968xf32, #tpu.memory_space<vmem>>[vector<16xi32>], vector<16xf32>,
            %parallel_loop3A_258 = arith.index_cast %parallel_loop3A_172 : i32 to index
            %parallel_loop3A_259 = arith.constant 176 : index
            %parallel_loop3A_260 = tpu.vector_load %arg14[%parallel_loop3A_258, %parallel_loop3A_259] {strides = array<i32>} : memref<32x256xf32, #tpu.memory_space<vmem>>, vector<16xf32>,
            %parallel_loop3A_261 = arith.mulf %parallel_loop3A_260, %parallel_loop3A_175 : vector<16xf32>
            %parallel_loop3A_262 = arith.constant 176 : i32
            %parallel_loop3A_263 = vector.broadcast %parallel_loop3A_262 : i32 to vector<16xi32>
            %parallel_loop3A_264 = arith.addi %parallel_loop3A_180, %parallel_loop3A_263 : vector<16xi32>
            tpu.vector_store_idx %arg7[%parallel_loop3A_264], %parallel_loop3A_261 {add = true} : memref<83968xf32, #tpu.memory_space<vmem>>[vector<16xi32>], vector<16xf32>,
            %parallel_loop3A_265 = arith.index_cast %parallel_loop3A_172 : i32 to index
            %parallel_loop3A_266 = arith.constant 192 : index
            %parallel_loop3A_267 = tpu.vector_load %arg14[%parallel_loop3A_265, %parallel_loop3A_266] {strides = array<i32>} : memref<32x256xf32, #tpu.memory_space<vmem>>, vector<16xf32>,
            %parallel_loop3A_268 = arith.mulf %parallel_loop3A_267, %parallel_loop3A_175 : vector<16xf32>
            %parallel_loop3A_269 = arith.constant 192 : i32
            %parallel_loop3A_270 = vector.broadcast %parallel_loop3A_269 : i32 to vector<16xi32>
            %parallel_loop3A_271 = arith.addi %parallel_loop3A_180, %parallel_loop3A_270 : vector<16xi32>
            tpu.vector_store_idx %arg7[%parallel_loop3A_271], %parallel_loop3A_268 {add = true} : memref<83968xf32, #tpu.memory_space<vmem>>[vector<16xi32>], vector<16xf32>,
            %parallel_loop3A_272 = arith.index_cast %parallel_loop3A_172 : i32 to index
            %parallel_loop3A_273 = arith.constant 208 : index
            %parallel_loop3A_274 = tpu.vector_load %arg14[%parallel_loop3A_272, %parallel_loop3A_273] {strides = array<i32>} : memref<32x256xf32, #tpu.memory_space<vmem>>, vector<16xf32>,
            %parallel_loop3A_275 = arith.mulf %parallel_loop3A_274, %parallel_loop3A_175 : vector<16xf32>
            %parallel_loop3A_276 = arith.constant 208 : i32
            %parallel_loop3A_277 = vector.broadcast %parallel_loop3A_276 : i32 to vector<16xi32>
            %parallel_loop3A_278 = arith.addi %parallel_loop3A_180, %parallel_loop3A_277 : vector<16xi32>
            tpu.vector_store_idx %arg7[%parallel_loop3A_278], %parallel_loop3A_275 {add = true} : memref<83968xf32, #tpu.memory_space<vmem>>[vector<16xi32>], vector<16xf32>,
            %parallel_loop3A_279 = arith.index_cast %parallel_loop3A_172 : i32 to index
            %parallel_loop3A_280 = arith.constant 224 : index
            %parallel_loop3A_281 = tpu.vector_load %arg14[%parallel_loop3A_279, %parallel_loop3A_280] {strides = array<i32>} : memref<32x256xf32, #tpu.memory_space<vmem>>, vector<16xf32>,
            %parallel_loop3A_282 = arith.mulf %parallel_loop3A_281, %parallel_loop3A_175 : vector<16xf32>
            %parallel_loop3A_283 = arith.constant 224 : i32
            %parallel_loop3A_284 = vector.broadcast %parallel_loop3A_283 : i32 to vector<16xi32>
            %parallel_loop3A_285 = arith.addi %parallel_loop3A_180, %parallel_loop3A_284 : vector<16xi32>
            tpu.vector_store_idx %arg7[%parallel_loop3A_285], %parallel_loop3A_282 {add = true} : memref<83968xf32, #tpu.memory_space<vmem>>[vector<16xi32>], vector<16xf32>,
            %parallel_loop3A_286 = arith.index_cast %parallel_loop3A_172 : i32 to index
            %parallel_loop3A_287 = arith.constant 240 : index
            %parallel_loop3A_288 = tpu.vector_load %arg14[%parallel_loop3A_286, %parallel_loop3A_287] {strides = array<i32>} : memref<32x256xf32, #tpu.memory_space<vmem>>, vector<16xf32>,
            %parallel_loop3A_289 = arith.mulf %parallel_loop3A_288, %parallel_loop3A_175 : vector<16xf32>
            %parallel_loop3A_290 = arith.constant 240 : i32
            %parallel_loop3A_291 = vector.broadcast %parallel_loop3A_290 : i32 to vector<16xi32>
            %parallel_loop3A_292 = arith.addi %parallel_loop3A_180, %parallel_loop3A_291 : vector<16xi32>
            tpu.vector_store_idx %arg7[%parallel_loop3A_292], %parallel_loop3A_289 {add = true} : memref<83968xf32, #tpu.memory_space<vmem>>[vector<16xi32>], vector<16xf32>,
          } {sc.loop_unroll_factor = 2 : i64, sc.parallel_access}
          %add3A_155 = arith.constant 64 : i32
          %add3A_156 = arith.addi %add3A_141, %add3A_155 : i32
          %lt3A_157 = arith.cmpi slt, %add3A_156, %and3A_72 : i32
          %convert_element_type3A_158 = arith.extui %lt3A_157 : i1 to i32
          %cond3A_159 = arith.constant 0 : i32
          %cond3A_160 = arith.cmpi ne, %convert_element_type3A_158, %cond3A_159 : i32
          scf.if %cond3A_160 {
            %add3A_172 = arith.constant 64 : i32
            %add3A_173 = arith.addi %add3A_141, %add3A_172 : i32
            %dma_start3A_174 = tpu.memref_slice %arg11[%add3A_173] : memref<4064xi32, #tpu.memory_space<vmem>> -> memref<32xi32, #tpu.memory_space<vmem>>
            %dma_start3A_175 = arith.constant 0 : i32
            %dma_start3A_176 = arith.constant 0 : i32
            %dma_start3A_177 = tpu.memref_slice %arg2[%dma_start3A_175, %dma_start3A_176] : memref<10000x256xf32, #tpu.memory_space<hbm>> -> memref<10000x256xf32, #tpu.memory_space<hbm>>
            tpu.enqueue_indirect_dma source(%dma_start3A_177 : memref<10000x256xf32, #tpu.memory_space<hbm>>) target(%arg14 : memref<32x256xf32, #tpu.memory_space<vmem>>) offsets(%dma_start3A_174 : memref<32xi32, #tpu.memory_space<vmem>>) semaphore(%arg16 : memref<!tpu.dma_semaphore, #tpu.memory_space<semaphore_mem>>)
          } else {
          }
          %add3A_161 = arith.constant 32 : i32
          %add3A_162 = arith.addi %add3A_141, %add3A_161 : i32
          %dma_wait3A_163 = tpu.memref_slice %arg11[%add3A_162] : memref<4064xi32, #tpu.memory_space<vmem>> -> memref<32xi32, #tpu.memory_space<vmem>>
          %dma_wait3A_164 = arith.constant 0 : i32
          %dma_wait3A_165 = arith.constant 0 : i32
          %dma_wait3A_166 = tpu.memref_slice %arg2[%dma_wait3A_164, %dma_wait3A_165] : memref<10000x256xf32, #tpu.memory_space<hbm>> -> memref<10000x256xf32, #tpu.memory_space<hbm>>
          tpu.wait_indirect_dma semaphore(%arg17 : memref<!tpu.dma_semaphore, #tpu.memory_space<semaphore_mem>>) src(%dma_wait3A_166 : memref<10000x256xf32, #tpu.memory_space<hbm>>) dst(%arg15 : memref<32x256xf32, #tpu.memory_space<vmem>>)
          %add3A_167 = arith.constant 32 : i32
          %add3A_168 = arith.addi %add3A_141, %add3A_167 : i32
          %parallel_loop3A_169 = arith.constant 0 : i32
          %parallel_loop3A_170 = arith.constant 32 : i32
          %parallel_loop3A_171 = arith.constant 1 : i32
          scf.for %parallel_loop3A_172 = %parallel_loop3A_169 to %parallel_loop3A_170 step %parallel_loop3A_171  : i32 {
            %parallel_loop3A_173 = arith.addi %add3A_168, %parallel_loop3A_172 : i32
            %parallel_loop3A_174 = vector.broadcast %parallel_loop3A_173 : i32 to vector<16xi32>
            %parallel_loop3A_175 = tpu.vector_load_idx %arg12[%parallel_loop3A_174] : memref<4064xf32, #tpu.memory_space<vmem>>[vector<16xi32>], vector<16xf32>,
            %parallel_loop3A_176 = tpu.vector_load_idx %arg13[%parallel_loop3A_174] : memref<4064xi32, #tpu.memory_space<vmem>>[vector<16xi32>], vector<16xi32>,
            %parallel_loop3A_177 = arith.constant 8 : i32
            %parallel_loop3A_178 = vector.broadcast %parallel_loop3A_177 : i32 to vector<16xi32>
            %parallel_loop3A_179 = arith.shli %parallel_loop3A_176, %parallel_loop3A_178 : vector<16xi32>
            %parallel_loop3A_180 = arith.addi %parallel_loop3A_179, %iota3A : vector<16xi32>
            %parallel_loop3A_181 = arith.index_cast %parallel_loop3A_172 : i32 to index
            %parallel_loop3A_182 = arith.constant 0 : index
            %parallel_loop3A_183 = tpu.vector_load %arg15[%parallel_loop3A_181, %parallel_loop3A_182] {strides = array<i32>} : memref<32x256xf32, #tpu.memory_space<vmem>>, vector<16xf32>,
            %parallel_loop3A_184 = arith.mulf %parallel_loop3A_183, %parallel_loop3A_175 : vector<16xf32>
            %parallel_loop3A_185 = arith.constant 0 : i32
            %parallel_loop3A_186 = vector.broadcast %parallel_loop3A_185 : i32 to vector<16xi32>
            %parallel_loop3A_187 = arith.addi %parallel_loop3A_180, %parallel_loop3A_186 : vector<16xi32>
            tpu.vector_store_idx %arg7[%parallel_loop3A_187], %parallel_loop3A_184 {add = true} : memref<83968xf32, #tpu.memory_space<vmem>>[vector<16xi32>], vector<16xf32>,
            %parallel_loop3A_188 = arith.index_cast %parallel_loop3A_172 : i32 to index
            %parallel_loop3A_189 = arith.constant 16 : index
            %parallel_loop3A_190 = tpu.vector_load %arg15[%parallel_loop3A_188, %parallel_loop3A_189] {strides = array<i32>} : memref<32x256xf32, #tpu.memory_space<vmem>>, vector<16xf32>,
            %parallel_loop3A_191 = arith.mulf %parallel_loop3A_190, %parallel_loop3A_175 : vector<16xf32>
            %parallel_loop3A_192 = arith.constant 16 : i32
            %parallel_loop3A_193 = vector.broadcast %parallel_loop3A_192 : i32 to vector<16xi32>
            %parallel_loop3A_194 = arith.addi %parallel_loop3A_180, %parallel_loop3A_193 : vector<16xi32>
            tpu.vector_store_idx %arg7[%parallel_loop3A_194], %parallel_loop3A_191 {add = true} : memref<83968xf32, #tpu.memory_space<vmem>>[vector<16xi32>], vector<16xf32>,
            %parallel_loop3A_195 = arith.index_cast %parallel_loop3A_172 : i32 to index
            %parallel_loop3A_196 = arith.constant 32 : index
            %parallel_loop3A_197 = tpu.vector_load %arg15[%parallel_loop3A_195, %parallel_loop3A_196] {strides = array<i32>} : memref<32x256xf32, #tpu.memory_space<vmem>>, vector<16xf32>,
            %parallel_loop3A_198 = arith.mulf %parallel_loop3A_197, %parallel_loop3A_175 : vector<16xf32>
            %parallel_loop3A_199 = arith.constant 32 : i32
            %parallel_loop3A_200 = vector.broadcast %parallel_loop3A_199 : i32 to vector<16xi32>
            %parallel_loop3A_201 = arith.addi %parallel_loop3A_180, %parallel_loop3A_200 : vector<16xi32>
            tpu.vector_store_idx %arg7[%parallel_loop3A_201], %parallel_loop3A_198 {add = true} : memref<83968xf32, #tpu.memory_space<vmem>>[vector<16xi32>], vector<16xf32>,
            %parallel_loop3A_202 = arith.index_cast %parallel_loop3A_172 : i32 to index
            %parallel_loop3A_203 = arith.constant 48 : index
            %parallel_loop3A_204 = tpu.vector_load %arg15[%parallel_loop3A_202, %parallel_loop3A_203] {strides = array<i32>} : memref<32x256xf32, #tpu.memory_space<vmem>>, vector<16xf32>,
            %parallel_loop3A_205 = arith.mulf %parallel_loop3A_204, %parallel_loop3A_175 : vector<16xf32>
            %parallel_loop3A_206 = arith.constant 48 : i32
            %parallel_loop3A_207 = vector.broadcast %parallel_loop3A_206 : i32 to vector<16xi32>
            %parallel_loop3A_208 = arith.addi %parallel_loop3A_180, %parallel_loop3A_207 : vector<16xi32>
            tpu.vector_store_idx %arg7[%parallel_loop3A_208], %parallel_loop3A_205 {add = true} : memref<83968xf32, #tpu.memory_space<vmem>>[vector<16xi32>], vector<16xf32>,
            %parallel_loop3A_209 = arith.index_cast %parallel_loop3A_172 : i32 to index
            %parallel_loop3A_210 = arith.constant 64 : index
            %parallel_loop3A_211 = tpu.vector_load %arg15[%parallel_loop3A_209, %parallel_loop3A_210] {strides = array<i32>} : memref<32x256xf32, #tpu.memory_space<vmem>>, vector<16xf32>,
            %parallel_loop3A_212 = arith.mulf %parallel_loop3A_211, %parallel_loop3A_175 : vector<16xf32>
            %parallel_loop3A_213 = arith.constant 64 : i32
            %parallel_loop3A_214 = vector.broadcast %parallel_loop3A_213 : i32 to vector<16xi32>
            %parallel_loop3A_215 = arith.addi %parallel_loop3A_180, %parallel_loop3A_214 : vector<16xi32>
            tpu.vector_store_idx %arg7[%parallel_loop3A_215], %parallel_loop3A_212 {add = true} : memref<83968xf32, #tpu.memory_space<vmem>>[vector<16xi32>], vector<16xf32>,
            %parallel_loop3A_216 = arith.index_cast %parallel_loop3A_172 : i32 to index
            %parallel_loop3A_217 = arith.constant 80 : index
            %parallel_loop3A_218 = tpu.vector_load %arg15[%parallel_loop3A_216, %parallel_loop3A_217] {strides = array<i32>} : memref<32x256xf32, #tpu.memory_space<vmem>>, vector<16xf32>,
            %parallel_loop3A_219 = arith.mulf %parallel_loop3A_218, %parallel_loop3A_175 : vector<16xf32>
            %parallel_loop3A_220 = arith.constant 80 : i32
            %parallel_loop3A_221 = vector.broadcast %parallel_loop3A_220 : i32 to vector<16xi32>
            %parallel_loop3A_222 = arith.addi %parallel_loop3A_180, %parallel_loop3A_221 : vector<16xi32>
            tpu.vector_store_idx %arg7[%parallel_loop3A_222], %parallel_loop3A_219 {add = true} : memref<83968xf32, #tpu.memory_space<vmem>>[vector<16xi32>], vector<16xf32>,
            %parallel_loop3A_223 = arith.index_cast %parallel_loop3A_172 : i32 to index
            %parallel_loop3A_224 = arith.constant 96 : index
            %parallel_loop3A_225 = tpu.vector_load %arg15[%parallel_loop3A_223, %parallel_loop3A_224] {strides = array<i32>} : memref<32x256xf32, #tpu.memory_space<vmem>>, vector<16xf32>,
            %parallel_loop3A_226 = arith.mulf %parallel_loop3A_225, %parallel_loop3A_175 : vector<16xf32>
            %parallel_loop3A_227 = arith.constant 96 : i32
            %parallel_loop3A_228 = vector.broadcast %parallel_loop3A_227 : i32 to vector<16xi32>
            %parallel_loop3A_229 = arith.addi %parallel_loop3A_180, %parallel_loop3A_228 : vector<16xi32>
            tpu.vector_store_idx %arg7[%parallel_loop3A_229], %parallel_loop3A_226 {add = true} : memref<83968xf32, #tpu.memory_space<vmem>>[vector<16xi32>], vector<16xf32>,
            %parallel_loop3A_230 = arith.index_cast %parallel_loop3A_172 : i32 to index
            %parallel_loop3A_231 = arith.constant 112 : index
            %parallel_loop3A_232 = tpu.vector_load %arg15[%parallel_loop3A_230, %parallel_loop3A_231] {strides = array<i32>} : memref<32x256xf32, #tpu.memory_space<vmem>>, vector<16xf32>,
            %parallel_loop3A_233 = arith.mulf %parallel_loop3A_232, %parallel_loop3A_175 : vector<16xf32>
            %parallel_loop3A_234 = arith.constant 112 : i32
            %parallel_loop3A_235 = vector.broadcast %parallel_loop3A_234 : i32 to vector<16xi32>
            %parallel_loop3A_236 = arith.addi %parallel_loop3A_180, %parallel_loop3A_235 : vector<16xi32>
            tpu.vector_store_idx %arg7[%parallel_loop3A_236], %parallel_loop3A_233 {add = true} : memref<83968xf32, #tpu.memory_space<vmem>>[vector<16xi32>], vector<16xf32>,
            %parallel_loop3A_237 = arith.index_cast %parallel_loop3A_172 : i32 to index
            %parallel_loop3A_238 = arith.constant 128 : index
            %parallel_loop3A_239 = tpu.vector_load %arg15[%parallel_loop3A_237, %parallel_loop3A_238] {strides = array<i32>} : memref<32x256xf32, #tpu.memory_space<vmem>>, vector<16xf32>,
            %parallel_loop3A_240 = arith.mulf %parallel_loop3A_239, %parallel_loop3A_175 : vector<16xf32>
            %parallel_loop3A_241 = arith.constant 128 : i32
            %parallel_loop3A_242 = vector.broadcast %parallel_loop3A_241 : i32 to vector<16xi32>
            %parallel_loop3A_243 = arith.addi %parallel_loop3A_180, %parallel_loop3A_242 : vector<16xi32>
            tpu.vector_store_idx %arg7[%parallel_loop3A_243], %parallel_loop3A_240 {add = true} : memref<83968xf32, #tpu.memory_space<vmem>>[vector<16xi32>], vector<16xf32>,
            %parallel_loop3A_244 = arith.index_cast %parallel_loop3A_172 : i32 to index
            %parallel_loop3A_245 = arith.constant 144 : index
            %parallel_loop3A_246 = tpu.vector_load %arg15[%parallel_loop3A_244, %parallel_loop3A_245] {strides = array<i32>} : memref<32x256xf32, #tpu.memory_space<vmem>>, vector<16xf32>,
            %parallel_loop3A_247 = arith.mulf %parallel_loop3A_246, %parallel_loop3A_175 : vector<16xf32>
            %parallel_loop3A_248 = arith.constant 144 : i32
            %parallel_loop3A_249 = vector.broadcast %parallel_loop3A_248 : i32 to vector<16xi32>
            %parallel_loop3A_250 = arith.addi %parallel_loop3A_180, %parallel_loop3A_249 : vector<16xi32>
            tpu.vector_store_idx %arg7[%parallel_loop3A_250], %parallel_loop3A_247 {add = true} : memref<83968xf32, #tpu.memory_space<vmem>>[vector<16xi32>], vector<16xf32>,
            %parallel_loop3A_251 = arith.index_cast %parallel_loop3A_172 : i32 to index
            %parallel_loop3A_252 = arith.constant 160 : index
            %parallel_loop3A_253 = tpu.vector_load %arg15[%parallel_loop3A_251, %parallel_loop3A_252] {strides = array<i32>} : memref<32x256xf32, #tpu.memory_space<vmem>>, vector<16xf32>,
            %parallel_loop3A_254 = arith.mulf %parallel_loop3A_253, %parallel_loop3A_175 : vector<16xf32>
            %parallel_loop3A_255 = arith.constant 160 : i32
            %parallel_loop3A_256 = vector.broadcast %parallel_loop3A_255 : i32 to vector<16xi32>
            %parallel_loop3A_257 = arith.addi %parallel_loop3A_180, %parallel_loop3A_256 : vector<16xi32>
            tpu.vector_store_idx %arg7[%parallel_loop3A_257], %parallel_loop3A_254 {add = true} : memref<83968xf32, #tpu.memory_space<vmem>>[vector<16xi32>], vector<16xf32>,
            %parallel_loop3A_258 = arith.index_cast %parallel_loop3A_172 : i32 to index
            %parallel_loop3A_259 = arith.constant 176 : index
            %parallel_loop3A_260 = tpu.vector_load %arg15[%parallel_loop3A_258, %parallel_loop3A_259] {strides = array<i32>} : memref<32x256xf32, #tpu.memory_space<vmem>>, vector<16xf32>,
            %parallel_loop3A_261 = arith.mulf %parallel_loop3A_260, %parallel_loop3A_175 : vector<16xf32>
            %parallel_loop3A_262 = arith.constant 176 : i32
            %parallel_loop3A_263 = vector.broadcast %parallel_loop3A_262 : i32 to vector<16xi32>
            %parallel_loop3A_264 = arith.addi %parallel_loop3A_180, %parallel_loop3A_263 : vector<16xi32>
            tpu.vector_store_idx %arg7[%parallel_loop3A_264], %parallel_loop3A_261 {add = true} : memref<83968xf32, #tpu.memory_space<vmem>>[vector<16xi32>], vector<16xf32>,
            %parallel_loop3A_265 = arith.index_cast %parallel_loop3A_172 : i32 to index
            %parallel_loop3A_266 = arith.constant 192 : index
            %parallel_loop3A_267 = tpu.vector_load %arg15[%parallel_loop3A_265, %parallel_loop3A_266] {strides = array<i32>} : memref<32x256xf32, #tpu.memory_space<vmem>>, vector<16xf32>,
            %parallel_loop3A_268 = arith.mulf %parallel_loop3A_267, %parallel_loop3A_175 : vector<16xf32>
            %parallel_loop3A_269 = arith.constant 192 : i32
            %parallel_loop3A_270 = vector.broadcast %parallel_loop3A_269 : i32 to vector<16xi32>
            %parallel_loop3A_271 = arith.addi %parallel_loop3A_180, %parallel_loop3A_270 : vector<16xi32>
            tpu.vector_store_idx %arg7[%parallel_loop3A_271], %parallel_loop3A_268 {add = true} : memref<83968xf32, #tpu.memory_space<vmem>>[vector<16xi32>], vector<16xf32>,
            %parallel_loop3A_272 = arith.index_cast %parallel_loop3A_172 : i32 to index
            %parallel_loop3A_273 = arith.constant 208 : index
            %parallel_loop3A_274 = tpu.vector_load %arg15[%parallel_loop3A_272, %parallel_loop3A_273] {strides = array<i32>} : memref<32x256xf32, #tpu.memory_space<vmem>>, vector<16xf32>,
            %parallel_loop3A_275 = arith.mulf %parallel_loop3A_274, %parallel_loop3A_175 : vector<16xf32>
            %parallel_loop3A_276 = arith.constant 208 : i32
            %parallel_loop3A_277 = vector.broadcast %parallel_loop3A_276 : i32 to vector<16xi32>
            %parallel_loop3A_278 = arith.addi %parallel_loop3A_180, %parallel_loop3A_277 : vector<16xi32>
            tpu.vector_store_idx %arg7[%parallel_loop3A_278], %parallel_loop3A_275 {add = true} : memref<83968xf32, #tpu.memory_space<vmem>>[vector<16xi32>], vector<16xf32>,
            %parallel_loop3A_279 = arith.index_cast %parallel_loop3A_172 : i32 to index
            %parallel_loop3A_280 = arith.constant 224 : index
            %parallel_loop3A_281 = tpu.vector_load %arg15[%parallel_loop3A_279, %parallel_loop3A_280] {strides = array<i32>} : memref<32x256xf32, #tpu.memory_space<vmem>>, vector<16xf32>,
            %parallel_loop3A_282 = arith.mulf %parallel_loop3A_281, %parallel_loop3A_175 : vector<16xf32>
            %parallel_loop3A_283 = arith.constant 224 : i32
            %parallel_loop3A_284 = vector.broadcast %parallel_loop3A_283 : i32 to vector<16xi32>
            %parallel_loop3A_285 = arith.addi %parallel_loop3A_180, %parallel_loop3A_284 : vector<16xi32>
            tpu.vector_store_idx %arg7[%parallel_loop3A_285], %parallel_loop3A_282 {add = true} : memref<83968xf32, #tpu.memory_space<vmem>>[vector<16xi32>], vector<16xf32>,
            %parallel_loop3A_286 = arith.index_cast %parallel_loop3A_172 : i32 to index
            %parallel_loop3A_287 = arith.constant 240 : index
            %parallel_loop3A_288 = tpu.vector_load %arg15[%parallel_loop3A_286, %parallel_loop3A_287] {strides = array<i32>} : memref<32x256xf32, #tpu.memory_space<vmem>>, vector<16xf32>,
            %parallel_loop3A_289 = arith.mulf %parallel_loop3A_288, %parallel_loop3A_175 : vector<16xf32>
            %parallel_loop3A_290 = arith.constant 240 : i32
            %parallel_loop3A_291 = vector.broadcast %parallel_loop3A_290 : i32 to vector<16xi32>
            %parallel_loop3A_292 = arith.addi %parallel_loop3A_180, %parallel_loop3A_291 : vector<16xi32>
            tpu.vector_store_idx %arg7[%parallel_loop3A_292], %parallel_loop3A_289 {add = true} : memref<83968xf32, #tpu.memory_space<vmem>>[vector<16xi32>], vector<16xf32>,
          } {sc.loop_unroll_factor = 2 : i64, sc.parallel_access}
        }
        %while3A_138 = arith.constant 1 : i32
        scf.for %while3A_139 = %while3A_136 to %while3A_132 step %while3A_138  : i32 {
          %mul3A_140 = arith.muli %while3A_139, %while3A : i32
          %add3A_141 = arith.addi %while3A_129, %mul3A_140 : i32
          %add3A_142 = arith.constant 32 : i32
          %add3A_143 = arith.addi %add3A_141, %add3A_142 : i32
          %dma_start3A_144 = tpu.memref_slice %arg11[%add3A_143] : memref<4064xi32, #tpu.memory_space<vmem>> -> memref<32xi32, #tpu.memory_space<vmem>>
          %dma_start3A_145 = arith.constant 0 : i32
          %dma_start3A_146 = arith.constant 0 : i32
          %dma_start3A_147 = tpu.memref_slice %arg2[%dma_start3A_145, %dma_start3A_146] : memref<10000x256xf32, #tpu.memory_space<hbm>> -> memref<10000x256xf32, #tpu.memory_space<hbm>>
          tpu.enqueue_indirect_dma source(%dma_start3A_147 : memref<10000x256xf32, #tpu.memory_space<hbm>>) target(%arg15 : memref<32x256xf32, #tpu.memory_space<vmem>>) offsets(%dma_start3A_144 : memref<32xi32, #tpu.memory_space<vmem>>) semaphore(%arg17 : memref<!tpu.dma_semaphore, #tpu.memory_space<semaphore_mem>>)
          %dma_wait3A_148 = tpu.memref_slice %arg11[%add3A_141] : memref<4064xi32, #tpu.memory_space<vmem>> -> memref<32xi32, #tpu.memory_space<vmem>>
          %dma_wait3A_149 = arith.constant 0 : i32
          %dma_wait3A_150 = arith.constant 0 : i32
          %dma_wait3A_151 = tpu.memref_slice %arg2[%dma_wait3A_149, %dma_wait3A_150] : memref<10000x256xf32, #tpu.memory_space<hbm>> -> memref<10000x256xf32, #tpu.memory_space<hbm>>
          tpu.wait_indirect_dma semaphore(%arg16 : memref<!tpu.dma_semaphore, #tpu.memory_space<semaphore_mem>>) src(%dma_wait3A_151 : memref<10000x256xf32, #tpu.memory_space<hbm>>) dst(%arg14 : memref<32x256xf32, #tpu.memory_space<vmem>>)
          %parallel_loop3A_152 = arith.constant 0 : i32
          %parallel_loop3A_153 = arith.constant 32 : i32
          %parallel_loop3A_154 = arith.constant 1 : i32
          scf.for %parallel_loop3A_172 = %parallel_loop3A_152 to %parallel_loop3A_153 step %parallel_loop3A_154  : i32 {
            %parallel_loop3A_173 = arith.addi %add3A_141, %parallel_loop3A_172 : i32
            %parallel_loop3A_174 = vector.broadcast %parallel_loop3A_173 : i32 to vector<16xi32>
            %parallel_loop3A_175 = tpu.vector_load_idx %arg12[%parallel_loop3A_174] : memref<4064xf32, #tpu.memory_space<vmem>>[vector<16xi32>], vector<16xf32>,
            %parallel_loop3A_176 = tpu.vector_load_idx %arg13[%parallel_loop3A_174] : memref<4064xi32, #tpu.memory_space<vmem>>[vector<16xi32>], vector<16xi32>,
            %parallel_loop3A_177 = arith.constant 8 : i32
            %parallel_loop3A_178 = vector.broadcast %parallel_loop3A_177 : i32 to vector<16xi32>
            %parallel_loop3A_179 = arith.shli %parallel_loop3A_176, %parallel_loop3A_178 : vector<16xi32>
            %parallel_loop3A_180 = arith.addi %parallel_loop3A_179, %iota3A : vector<16xi32>
            %parallel_loop3A_181 = arith.index_cast %parallel_loop3A_172 : i32 to index
            %parallel_loop3A_182 = arith.constant 0 : index
            %parallel_loop3A_183 = tpu.vector_load %arg14[%parallel_loop3A_181, %parallel_loop3A_182] {strides = array<i32>} : memref<32x256xf32, #tpu.memory_space<vmem>>, vector<16xf32>,
            %parallel_loop3A_184 = arith.mulf %parallel_loop3A_183, %parallel_loop3A_175 : vector<16xf32>
            %parallel_loop3A_185 = arith.constant 0 : i32
            %parallel_loop3A_186 = vector.broadcast %parallel_loop3A_185 : i32 to vector<16xi32>
            %parallel_loop3A_187 = arith.addi %parallel_loop3A_180, %parallel_loop3A_186 : vector<16xi32>
            tpu.vector_store_idx %arg7[%parallel_loop3A_187], %parallel_loop3A_184 {add = true} : memref<83968xf32, #tpu.memory_space<vmem>>[vector<16xi32>], vector<16xf32>,
            %parallel_loop3A_188 = arith.index_cast %parallel_loop3A_172 : i32 to index
            %parallel_loop3A_189 = arith.constant 16 : index
            %parallel_loop3A_190 = tpu.vector_load %arg14[%parallel_loop3A_188, %parallel_loop3A_189] {strides = array<i32>} : memref<32x256xf32, #tpu.memory_space<vmem>>, vector<16xf32>,
            %parallel_loop3A_191 = arith.mulf %parallel_loop3A_190, %parallel_loop3A_175 : vector<16xf32>
            %parallel_loop3A_192 = arith.constant 16 : i32
            %parallel_loop3A_193 = vector.broadcast %parallel_loop3A_192 : i32 to vector<16xi32>
            %parallel_loop3A_194 = arith.addi %parallel_loop3A_180, %parallel_loop3A_193 : vector<16xi32>
            tpu.vector_store_idx %arg7[%parallel_loop3A_194], %parallel_loop3A_191 {add = true} : memref<83968xf32, #tpu.memory_space<vmem>>[vector<16xi32>], vector<16xf32>,
            %parallel_loop3A_195 = arith.index_cast %parallel_loop3A_172 : i32 to index
            %parallel_loop3A_196 = arith.constant 32 : index
            %parallel_loop3A_197 = tpu.vector_load %arg14[%parallel_loop3A_195, %parallel_loop3A_196] {strides = array<i32>} : memref<32x256xf32, #tpu.memory_space<vmem>>, vector<16xf32>,
            %parallel_loop3A_198 = arith.mulf %parallel_loop3A_197, %parallel_loop3A_175 : vector<16xf32>
            %parallel_loop3A_199 = arith.constant 32 : i32
            %parallel_loop3A_200 = vector.broadcast %parallel_loop3A_199 : i32 to vector<16xi32>
            %parallel_loop3A_201 = arith.addi %parallel_loop3A_180, %parallel_loop3A_200 : vector<16xi32>
            tpu.vector_store_idx %arg7[%parallel_loop3A_201], %parallel_loop3A_198 {add = true} : memref<83968xf32, #tpu.memory_space<vmem>>[vector<16xi32>], vector<16xf32>,
            %parallel_loop3A_202 = arith.index_cast %parallel_loop3A_172 : i32 to index
            %parallel_loop3A_203 = arith.constant 48 : index
            %parallel_loop3A_204 = tpu.vector_load %arg14[%parallel_loop3A_202, %parallel_loop3A_203] {strides = array<i32>} : memref<32x256xf32, #tpu.memory_space<vmem>>, vector<16xf32>,
            %parallel_loop3A_205 = arith.mulf %parallel_loop3A_204, %parallel_loop3A_175 : vector<16xf32>
            %parallel_loop3A_206 = arith.constant 48 : i32
            %parallel_loop3A_207 = vector.broadcast %parallel_loop3A_206 : i32 to vector<16xi32>
            %parallel_loop3A_208 = arith.addi %parallel_loop3A_180, %parallel_loop3A_207 : vector<16xi32>
            tpu.vector_store_idx %arg7[%parallel_loop3A_208], %parallel_loop3A_205 {add = true} : memref<83968xf32, #tpu.memory_space<vmem>>[vector<16xi32>], vector<16xf32>,
            %parallel_loop3A_209 = arith.index_cast %parallel_loop3A_172 : i32 to index
            %parallel_loop3A_210 = arith.constant 64 : index
            %parallel_loop3A_211 = tpu.vector_load %arg14[%parallel_loop3A_209, %parallel_loop3A_210] {strides = array<i32>} : memref<32x256xf32, #tpu.memory_space<vmem>>, vector<16xf32>,
            %parallel_loop3A_212 = arith.mulf %parallel_loop3A_211, %parallel_loop3A_175 : vector<16xf32>
            %parallel_loop3A_213 = arith.constant 64 : i32
            %parallel_loop3A_214 = vector.broadcast %parallel_loop3A_213 : i32 to vector<16xi32>
            %parallel_loop3A_215 = arith.addi %parallel_loop3A_180, %parallel_loop3A_214 : vector<16xi32>
            tpu.vector_store_idx %arg7[%parallel_loop3A_215], %parallel_loop3A_212 {add = true} : memref<83968xf32, #tpu.memory_space<vmem>>[vector<16xi32>], vector<16xf32>,
            %parallel_loop3A_216 = arith.index_cast %parallel_loop3A_172 : i32 to index
            %parallel_loop3A_217 = arith.constant 80 : index
            %parallel_loop3A_218 = tpu.vector_load %arg14[%parallel_loop3A_216, %parallel_loop3A_217] {strides = array<i32>} : memref<32x256xf32, #tpu.memory_space<vmem>>, vector<16xf32>,
            %parallel_loop3A_219 = arith.mulf %parallel_loop3A_218, %parallel_loop3A_175 : vector<16xf32>
            %parallel_loop3A_220 = arith.constant 80 : i32
            %parallel_loop3A_221 = vector.broadcast %parallel_loop3A_220 : i32 to vector<16xi32>
            %parallel_loop3A_222 = arith.addi %parallel_loop3A_180, %parallel_loop3A_221 : vector<16xi32>
            tpu.vector_store_idx %arg7[%parallel_loop3A_222], %parallel_loop3A_219 {add = true} : memref<83968xf32, #tpu.memory_space<vmem>>[vector<16xi32>], vector<16xf32>,
            %parallel_loop3A_223 = arith.index_cast %parallel_loop3A_172 : i32 to index
            %parallel_loop3A_224 = arith.constant 96 : index
            %parallel_loop3A_225 = tpu.vector_load %arg14[%parallel_loop3A_223, %parallel_loop3A_224] {strides = array<i32>} : memref<32x256xf32, #tpu.memory_space<vmem>>, vector<16xf32>,
            %parallel_loop3A_226 = arith.mulf %parallel_loop3A_225, %parallel_loop3A_175 : vector<16xf32>
            %parallel_loop3A_227 = arith.constant 96 : i32
            %parallel_loop3A_228 = vector.broadcast %parallel_loop3A_227 : i32 to vector<16xi32>
            %parallel_loop3A_229 = arith.addi %parallel_loop3A_180, %parallel_loop3A_228 : vector<16xi32>
            tpu.vector_store_idx %arg7[%parallel_loop3A_229], %parallel_loop3A_226 {add = true} : memref<83968xf32, #tpu.memory_space<vmem>>[vector<16xi32>], vector<16xf32>,
            %parallel_loop3A_230 = arith.index_cast %parallel_loop3A_172 : i32 to index
            %parallel_loop3A_231 = arith.constant 112 : index
            %parallel_loop3A_232 = tpu.vector_load %arg14[%parallel_loop3A_230, %parallel_loop3A_231] {strides = array<i32>} : memref<32x256xf32, #tpu.memory_space<vmem>>, vector<16xf32>,
            %parallel_loop3A_233 = arith.mulf %parallel_loop3A_232, %parallel_loop3A_175 : vector<16xf32>
            %parallel_loop3A_234 = arith.constant 112 : i32
            %parallel_loop3A_235 = vector.broadcast %parallel_loop3A_234 : i32 to vector<16xi32>
            %parallel_loop3A_236 = arith.addi %parallel_loop3A_180, %parallel_loop3A_235 : vector<16xi32>
            tpu.vector_store_idx %arg7[%parallel_loop3A_236], %parallel_loop3A_233 {add = true} : memref<83968xf32, #tpu.memory_space<vmem>>[vector<16xi32>], vector<16xf32>,
            %parallel_loop3A_237 = arith.index_cast %parallel_loop3A_172 : i32 to index
            %parallel_loop3A_238 = arith.constant 128 : index
            %parallel_loop3A_239 = tpu.vector_load %arg14[%parallel_loop3A_237, %parallel_loop3A_238] {strides = array<i32>} : memref<32x256xf32, #tpu.memory_space<vmem>>, vector<16xf32>,
            %parallel_loop3A_240 = arith.mulf %parallel_loop3A_239, %parallel_loop3A_175 : vector<16xf32>
            %parallel_loop3A_241 = arith.constant 128 : i32
            %parallel_loop3A_242 = vector.broadcast %parallel_loop3A_241 : i32 to vector<16xi32>
            %parallel_loop3A_243 = arith.addi %parallel_loop3A_180, %parallel_loop3A_242 : vector<16xi32>
            tpu.vector_store_idx %arg7[%parallel_loop3A_243], %parallel_loop3A_240 {add = true} : memref<83968xf32, #tpu.memory_space<vmem>>[vector<16xi32>], vector<16xf32>,
            %parallel_loop3A_244 = arith.index_cast %parallel_loop3A_172 : i32 to index
            %parallel_loop3A_245 = arith.constant 144 : index
            %parallel_loop3A_246 = tpu.vector_load %arg14[%parallel_loop3A_244, %parallel_loop3A_245] {strides = array<i32>} : memref<32x256xf32, #tpu.memory_space<vmem>>, vector<16xf32>,
            %parallel_loop3A_247 = arith.mulf %parallel_loop3A_246, %parallel_loop3A_175 : vector<16xf32>
            %parallel_loop3A_248 = arith.constant 144 : i32
            %parallel_loop3A_249 = vector.broadcast %parallel_loop3A_248 : i32 to vector<16xi32>
            %parallel_loop3A_250 = arith.addi %parallel_loop3A_180, %parallel_loop3A_249 : vector<16xi32>
            tpu.vector_store_idx %arg7[%parallel_loop3A_250], %parallel_loop3A_247 {add = true} : memref<83968xf32, #tpu.memory_space<vmem>>[vector<16xi32>], vector<16xf32>,
            %parallel_loop3A_251 = arith.index_cast %parallel_loop3A_172 : i32 to index
            %parallel_loop3A_252 = arith.constant 160 : index
            %parallel_loop3A_253 = tpu.vector_load %arg14[%parallel_loop3A_251, %parallel_loop3A_252] {strides = array<i32>} : memref<32x256xf32, #tpu.memory_space<vmem>>, vector<16xf32>,
            %parallel_loop3A_254 = arith.mulf %parallel_loop3A_253, %parallel_loop3A_175 : vector<16xf32>
            %parallel_loop3A_255 = arith.constant 160 : i32
            %parallel_loop3A_256 = vector.broadcast %parallel_loop3A_255 : i32 to vector<16xi32>
            %parallel_loop3A_257 = arith.addi %parallel_loop3A_180, %parallel_loop3A_256 : vector<16xi32>
            tpu.vector_store_idx %arg7[%parallel_loop3A_257], %parallel_loop3A_254 {add = true} : memref<83968xf32, #tpu.memory_space<vmem>>[vector<16xi32>], vector<16xf32>,
            %parallel_loop3A_258 = arith.index_cast %parallel_loop3A_172 : i32 to index
            %parallel_loop3A_259 = arith.constant 176 : index
            %parallel_loop3A_260 = tpu.vector_load %arg14[%parallel_loop3A_258, %parallel_loop3A_259] {strides = array<i32>} : memref<32x256xf32, #tpu.memory_space<vmem>>, vector<16xf32>,
            %parallel_loop3A_261 = arith.mulf %parallel_loop3A_260, %parallel_loop3A_175 : vector<16xf32>
            %parallel_loop3A_262 = arith.constant 176 : i32
            %parallel_loop3A_263 = vector.broadcast %parallel_loop3A_262 : i32 to vector<16xi32>
            %parallel_loop3A_264 = arith.addi %parallel_loop3A_180, %parallel_loop3A_263 : vector<16xi32>
            tpu.vector_store_idx %arg7[%parallel_loop3A_264], %parallel_loop3A_261 {add = true} : memref<83968xf32, #tpu.memory_space<vmem>>[vector<16xi32>], vector<16xf32>,
            %parallel_loop3A_265 = arith.index_cast %parallel_loop3A_172 : i32 to index
            %parallel_loop3A_266 = arith.constant 192 : index
            %parallel_loop3A_267 = tpu.vector_load %arg14[%parallel_loop3A_265, %parallel_loop3A_266] {strides = array<i32>} : memref<32x256xf32, #tpu.memory_space<vmem>>, vector<16xf32>,
            %parallel_loop3A_268 = arith.mulf %parallel_loop3A_267, %parallel_loop3A_175 : vector<16xf32>
            %parallel_loop3A_269 = arith.constant 192 : i32
            %parallel_loop3A_270 = vector.broadcast %parallel_loop3A_269 : i32 to vector<16xi32>
            %parallel_loop3A_271 = arith.addi %parallel_loop3A_180, %parallel_loop3A_270 : vector<16xi32>
            tpu.vector_store_idx %arg7[%parallel_loop3A_271], %parallel_loop3A_268 {add = true} : memref<83968xf32, #tpu.memory_space<vmem>>[vector<16xi32>], vector<16xf32>,
            %parallel_loop3A_272 = arith.index_cast %parallel_loop3A_172 : i32 to index
            %parallel_loop3A_273 = arith.constant 208 : index
            %parallel_loop3A_274 = tpu.vector_load %arg14[%parallel_loop3A_272, %parallel_loop3A_273] {strides = array<i32>} : memref<32x256xf32, #tpu.memory_space<vmem>>, vector<16xf32>,
            %parallel_loop3A_275 = arith.mulf %parallel_loop3A_274, %parallel_loop3A_175 : vector<16xf32>
            %parallel_loop3A_276 = arith.constant 208 : i32
            %parallel_loop3A_277 = vector.broadcast %parallel_loop3A_276 : i32 to vector<16xi32>
            %parallel_loop3A_278 = arith.addi %parallel_loop3A_180, %parallel_loop3A_277 : vector<16xi32>
            tpu.vector_store_idx %arg7[%parallel_loop3A_278], %parallel_loop3A_275 {add = true} : memref<83968xf32, #tpu.memory_space<vmem>>[vector<16xi32>], vector<16xf32>,
            %parallel_loop3A_279 = arith.index_cast %parallel_loop3A_172 : i32 to index
            %parallel_loop3A_280 = arith.constant 224 : index
            %parallel_loop3A_281 = tpu.vector_load %arg14[%parallel_loop3A_279, %parallel_loop3A_280] {strides = array<i32>} : memref<32x256xf32, #tpu.memory_space<vmem>>, vector<16xf32>,
            %parallel_loop3A_282 = arith.mulf %parallel_loop3A_281, %parallel_loop3A_175 : vector<16xf32>
            %parallel_loop3A_283 = arith.constant 224 : i32
            %parallel_loop3A_284 = vector.broadcast %parallel_loop3A_283 : i32 to vector<16xi32>
            %parallel_loop3A_285 = arith.addi %parallel_loop3A_180, %parallel_loop3A_284 : vector<16xi32>
            tpu.vector_store_idx %arg7[%parallel_loop3A_285], %parallel_loop3A_282 {add = true} : memref<83968xf32, #tpu.memory_space<vmem>>[vector<16xi32>], vector<16xf32>,
            %parallel_loop3A_286 = arith.index_cast %parallel_loop3A_172 : i32 to index
            %parallel_loop3A_287 = arith.constant 240 : index
            %parallel_loop3A_288 = tpu.vector_load %arg14[%parallel_loop3A_286, %parallel_loop3A_287] {strides = array<i32>} : memref<32x256xf32, #tpu.memory_space<vmem>>, vector<16xf32>,
            %parallel_loop3A_289 = arith.mulf %parallel_loop3A_288, %parallel_loop3A_175 : vector<16xf32>
            %parallel_loop3A_290 = arith.constant 240 : i32
            %parallel_loop3A_291 = vector.broadcast %parallel_loop3A_290 : i32 to vector<16xi32>
            %parallel_loop3A_292 = arith.addi %parallel_loop3A_180, %parallel_loop3A_291 : vector<16xi32>
            tpu.vector_store_idx %arg7[%parallel_loop3A_292], %parallel_loop3A_289 {add = true} : memref<83968xf32, #tpu.memory_space<vmem>>[vector<16xi32>], vector<16xf32>,
          } {sc.loop_unroll_factor = 2 : i64, sc.parallel_access}
          %add3A_155 = arith.constant 64 : i32
          %add3A_156 = arith.addi %add3A_141, %add3A_155 : i32
          %lt3A_157 = arith.cmpi slt, %add3A_156, %and3A_72 : i32
          %convert_element_type3A_158 = arith.extui %lt3A_157 : i1 to i32
          %cond3A_159 = arith.constant 0 : i32
          %cond3A_160 = arith.cmpi ne, %convert_element_type3A_158, %cond3A_159 : i32
          scf.if %cond3A_160 {
            %add3A_172 = arith.constant 64 : i32
            %add3A_173 = arith.addi %add3A_141, %add3A_172 : i32
            %dma_start3A_174 = tpu.memref_slice %arg11[%add3A_173] : memref<4064xi32, #tpu.memory_space<vmem>> -> memref<32xi32, #tpu.memory_space<vmem>>
            %dma_start3A_175 = arith.constant 0 : i32
            %dma_start3A_176 = arith.constant 0 : i32
            %dma_start3A_177 = tpu.memref_slice %arg2[%dma_start3A_175, %dma_start3A_176] : memref<10000x256xf32, #tpu.memory_space<hbm>> -> memref<10000x256xf32, #tpu.memory_space<hbm>>
            tpu.enqueue_indirect_dma source(%dma_start3A_177 : memref<10000x256xf32, #tpu.memory_space<hbm>>) target(%arg14 : memref<32x256xf32, #tpu.memory_space<vmem>>) offsets(%dma_start3A_174 : memref<32xi32, #tpu.memory_space<vmem>>) semaphore(%arg16 : memref<!tpu.dma_semaphore, #tpu.memory_space<semaphore_mem>>)
          } else {
          }
          %add3A_161 = arith.constant 32 : i32
          %add3A_162 = arith.addi %add3A_141, %add3A_161 : i32
          %dma_wait3A_163 = tpu.memref_slice %arg11[%add3A_162] : memref<4064xi32, #tpu.memory_space<vmem>> -> memref<32xi32, #tpu.memory_space<vmem>>
          %dma_wait3A_164 = arith.constant 0 : i32
          %dma_wait3A_165 = arith.constant 0 : i32
          %dma_wait3A_166 = tpu.memref_slice %arg2[%dma_wait3A_164, %dma_wait3A_165] : memref<10000x256xf32, #tpu.memory_space<hbm>> -> memref<10000x256xf32, #tpu.memory_space<hbm>>
          tpu.wait_indirect_dma semaphore(%arg17 : memref<!tpu.dma_semaphore, #tpu.memory_space<semaphore_mem>>) src(%dma_wait3A_166 : memref<10000x256xf32, #tpu.memory_space<hbm>>) dst(%arg15 : memref<32x256xf32, #tpu.memory_space<vmem>>)
          %add3A_167 = arith.constant 32 : i32
          %add3A_168 = arith.addi %add3A_141, %add3A_167 : i32
          %parallel_loop3A_169 = arith.constant 0 : i32
          %parallel_loop3A_170 = arith.constant 32 : i32
          %parallel_loop3A_171 = arith.constant 1 : i32
          scf.for %parallel_loop3A_172 = %parallel_loop3A_169 to %parallel_loop3A_170 step %parallel_loop3A_171  : i32 {
            %parallel_loop3A_173 = arith.addi %add3A_168, %parallel_loop3A_172 : i32
            %parallel_loop3A_174 = vector.broadcast %parallel_loop3A_173 : i32 to vector<16xi32>
            %parallel_loop3A_175 = tpu.vector_load_idx %arg12[%parallel_loop3A_174] : memref<4064xf32, #tpu.memory_space<vmem>>[vector<16xi32>], vector<16xf32>,
            %parallel_loop3A_176 = tpu.vector_load_idx %arg13[%parallel_loop3A_174] : memref<4064xi32, #tpu.memory_space<vmem>>[vector<16xi32>], vector<16xi32>,
            %parallel_loop3A_177 = arith.constant 8 : i32
            %parallel_loop3A_178 = vector.broadcast %parallel_loop3A_177 : i32 to vector<16xi32>
            %parallel_loop3A_179 = arith.shli %parallel_loop3A_176, %parallel_loop3A_178 : vector<16xi32>
            %parallel_loop3A_180 = arith.addi %parallel_loop3A_179, %iota3A : vector<16xi32>
            %parallel_loop3A_181 = arith.index_cast %parallel_loop3A_172 : i32 to index
            %parallel_loop3A_182 = arith.constant 0 : index
            %parallel_loop3A_183 = tpu.vector_load %arg15[%parallel_loop3A_181, %parallel_loop3A_182] {strides = array<i32>} : memref<32x256xf32, #tpu.memory_space<vmem>>, vector<16xf32>,
            %parallel_loop3A_184 = arith.mulf %parallel_loop3A_183, %parallel_loop3A_175 : vector<16xf32>
            %parallel_loop3A_185 = arith.constant 0 : i32
            %parallel_loop3A_186 = vector.broadcast %parallel_loop3A_185 : i32 to vector<16xi32>
            %parallel_loop3A_187 = arith.addi %parallel_loop3A_180, %parallel_loop3A_186 : vector<16xi32>
            tpu.vector_store_idx %arg7[%parallel_loop3A_187], %parallel_loop3A_184 {add = true} : memref<83968xf32, #tpu.memory_space<vmem>>[vector<16xi32>], vector<16xf32>,
            %parallel_loop3A_188 = arith.index_cast %parallel_loop3A_172 : i32 to index
            %parallel_loop3A_189 = arith.constant 16 : index
            %parallel_loop3A_190 = tpu.vector_load %arg15[%parallel_loop3A_188, %parallel_loop3A_189] {strides = array<i32>} : memref<32x256xf32, #tpu.memory_space<vmem>>, vector<16xf32>,
            %parallel_loop3A_191 = arith.mulf %parallel_loop3A_190, %parallel_loop3A_175 : vector<16xf32>
            %parallel_loop3A_192 = arith.constant 16 : i32
            %parallel_loop3A_193 = vector.broadcast %parallel_loop3A_192 : i32 to vector<16xi32>
            %parallel_loop3A_194 = arith.addi %parallel_loop3A_180, %parallel_loop3A_193 : vector<16xi32>
            tpu.vector_store_idx %arg7[%parallel_loop3A_194], %parallel_loop3A_191 {add = true} : memref<83968xf32, #tpu.memory_space<vmem>>[vector<16xi32>], vector<16xf32>,
            %parallel_loop3A_195 = arith.index_cast %parallel_loop3A_172 : i32 to index
            %parallel_loop3A_196 = arith.constant 32 : index
            %parallel_loop3A_197 = tpu.vector_load %arg15[%parallel_loop3A_195, %parallel_loop3A_196] {strides = array<i32>} : memref<32x256xf32, #tpu.memory_space<vmem>>, vector<16xf32>,
            %parallel_loop3A_198 = arith.mulf %parallel_loop3A_197, %parallel_loop3A_175 : vector<16xf32>
            %parallel_loop3A_199 = arith.constant 32 : i32
            %parallel_loop3A_200 = vector.broadcast %parallel_loop3A_199 : i32 to vector<16xi32>
            %parallel_loop3A_201 = arith.addi %parallel_loop3A_180, %parallel_loop3A_200 : vector<16xi32>
            tpu.vector_store_idx %arg7[%parallel_loop3A_201], %parallel_loop3A_198 {add = true} : memref<83968xf32, #tpu.memory_space<vmem>>[vector<16xi32>], vector<16xf32>,
            %parallel_loop3A_202 = arith.index_cast %parallel_loop3A_172 : i32 to index
            %parallel_loop3A_203 = arith.constant 48 : index
            %parallel_loop3A_204 = tpu.vector_load %arg15[%parallel_loop3A_202, %parallel_loop3A_203] {strides = array<i32>} : memref<32x256xf32, #tpu.memory_space<vmem>>, vector<16xf32>,
            %parallel_loop3A_205 = arith.mulf %parallel_loop3A_204, %parallel_loop3A_175 : vector<16xf32>
            %parallel_loop3A_206 = arith.constant 48 : i32
            %parallel_loop3A_207 = vector.broadcast %parallel_loop3A_206 : i32 to vector<16xi32>
            %parallel_loop3A_208 = arith.addi %parallel_loop3A_180, %parallel_loop3A_207 : vector<16xi32>
            tpu.vector_store_idx %arg7[%parallel_loop3A_208], %parallel_loop3A_205 {add = true} : memref<83968xf32, #tpu.memory_space<vmem>>[vector<16xi32>], vector<16xf32>,
            %parallel_loop3A_209 = arith.index_cast %parallel_loop3A_172 : i32 to index
            %parallel_loop3A_210 = arith.constant 64 : index
            %parallel_loop3A_211 = tpu.vector_load %arg15[%parallel_loop3A_209, %parallel_loop3A_210] {strides = array<i32>} : memref<32x256xf32, #tpu.memory_space<vmem>>, vector<16xf32>,
            %parallel_loop3A_212 = arith.mulf %parallel_loop3A_211, %parallel_loop3A_175 : vector<16xf32>
            %parallel_loop3A_213 = arith.constant 64 : i32
            %parallel_loop3A_214 = vector.broadcast %parallel_loop3A_213 : i32 to vector<16xi32>
            %parallel_loop3A_215 = arith.addi %parallel_loop3A_180, %parallel_loop3A_214 : vector<16xi32>
            tpu.vector_store_idx %arg7[%parallel_loop3A_215], %parallel_loop3A_212 {add = true} : memref<83968xf32, #tpu.memory_space<vmem>>[vector<16xi32>], vector<16xf32>,
            %parallel_loop3A_216 = arith.index_cast %parallel_loop3A_172 : i32 to index
            %parallel_loop3A_217 = arith.constant 80 : index
            %parallel_loop3A_218 = tpu.vector_load %arg15[%parallel_loop3A_216, %parallel_loop3A_217] {strides = array<i32>} : memref<32x256xf32, #tpu.memory_space<vmem>>, vector<16xf32>,
            %parallel_loop3A_219 = arith.mulf %parallel_loop3A_218, %parallel_loop3A_175 : vector<16xf32>
            %parallel_loop3A_220 = arith.constant 80 : i32
            %parallel_loop3A_221 = vector.broadcast %parallel_loop3A_220 : i32 to vector<16xi32>
            %parallel_loop3A_222 = arith.addi %parallel_loop3A_180, %parallel_loop3A_221 : vector<16xi32>
            tpu.vector_store_idx %arg7[%parallel_loop3A_222], %parallel_loop3A_219 {add = true} : memref<83968xf32, #tpu.memory_space<vmem>>[vector<16xi32>], vector<16xf32>,
            %parallel_loop3A_223 = arith.index_cast %parallel_loop3A_172 : i32 to index
            %parallel_loop3A_224 = arith.constant 96 : index
            %parallel_loop3A_225 = tpu.vector_load %arg15[%parallel_loop3A_223, %parallel_loop3A_224] {strides = array<i32>} : memref<32x256xf32, #tpu.memory_space<vmem>>, vector<16xf32>,
            %parallel_loop3A_226 = arith.mulf %parallel_loop3A_225, %parallel_loop3A_175 : vector<16xf32>
            %parallel_loop3A_227 = arith.constant 96 : i32
            %parallel_loop3A_228 = vector.broadcast %parallel_loop3A_227 : i32 to vector<16xi32>
            %parallel_loop3A_229 = arith.addi %parallel_loop3A_180, %parallel_loop3A_228 : vector<16xi32>
            tpu.vector_store_idx %arg7[%parallel_loop3A_229], %parallel_loop3A_226 {add = true} : memref<83968xf32, #tpu.memory_space<vmem>>[vector<16xi32>], vector<16xf32>,
            %parallel_loop3A_230 = arith.index_cast %parallel_loop3A_172 : i32 to index
            %parallel_loop3A_231 = arith.constant 112 : index
            %parallel_loop3A_232 = tpu.vector_load %arg15[%parallel_loop3A_230, %parallel_loop3A_231] {strides = array<i32>} : memref<32x256xf32, #tpu.memory_space<vmem>>, vector<16xf32>,
            %parallel_loop3A_233 = arith.mulf %parallel_loop3A_232, %parallel_loop3A_175 : vector<16xf32>
            %parallel_loop3A_234 = arith.constant 112 : i32
            %parallel_loop3A_235 = vector.broadcast %parallel_loop3A_234 : i32 to vector<16xi32>
            %parallel_loop3A_236 = arith.addi %parallel_loop3A_180, %parallel_loop3A_235 : vector<16xi32>
            tpu.vector_store_idx %arg7[%parallel_loop3A_236], %parallel_loop3A_233 {add = true} : memref<83968xf32, #tpu.memory_space<vmem>>[vector<16xi32>], vector<16xf32>,
            %parallel_loop3A_237 = arith.index_cast %parallel_loop3A_172 : i32 to index
            %parallel_loop3A_238 = arith.constant 128 : index
            %parallel_loop3A_239 = tpu.vector_load %arg15[%parallel_loop3A_237, %parallel_loop3A_238] {strides = array<i32>} : memref<32x256xf32, #tpu.memory_space<vmem>>, vector<16xf32>,
            %parallel_loop3A_240 = arith.mulf %parallel_loop3A_239, %parallel_loop3A_175 : vector<16xf32>
            %parallel_loop3A_241 = arith.constant 128 : i32
            %parallel_loop3A_242 = vector.broadcast %parallel_loop3A_241 : i32 to vector<16xi32>
            %parallel_loop3A_243 = arith.addi %parallel_loop3A_180, %parallel_loop3A_242 : vector<16xi32>
            tpu.vector_store_idx %arg7[%parallel_loop3A_243], %parallel_loop3A_240 {add = true} : memref<83968xf32, #tpu.memory_space<vmem>>[vector<16xi32>], vector<16xf32>,
            %parallel_loop3A_244 = arith.index_cast %parallel_loop3A_172 : i32 to index
            %parallel_loop3A_245 = arith.constant 144 : index
            %parallel_loop3A_246 = tpu.vector_load %arg15[%parallel_loop3A_244, %parallel_loop3A_245] {strides = array<i32>} : memref<32x256xf32, #tpu.memory_space<vmem>>, vector<16xf32>,
            %parallel_loop3A_247 = arith.mulf %parallel_loop3A_246, %parallel_loop3A_175 : vector<16xf32>
            %parallel_loop3A_248 = arith.constant 144 : i32
            %parallel_loop3A_249 = vector.broadcast %parallel_loop3A_248 : i32 to vector<16xi32>
            %parallel_loop3A_250 = arith.addi %parallel_loop3A_180, %parallel_loop3A_249 : vector<16xi32>
            tpu.vector_store_idx %arg7[%parallel_loop3A_250], %parallel_loop3A_247 {add = true} : memref<83968xf32, #tpu.memory_space<vmem>>[vector<16xi32>], vector<16xf32>,
            %parallel_loop3A_251 = arith.index_cast %parallel_loop3A_172 : i32 to index
            %parallel_loop3A_252 = arith.constant 160 : index
            %parallel_loop3A_253 = tpu.vector_load %arg15[%parallel_loop3A_251, %parallel_loop3A_252] {strides = array<i32>} : memref<32x256xf32, #tpu.memory_space<vmem>>, vector<16xf32>,
            %parallel_loop3A_254 = arith.mulf %parallel_loop3A_253, %parallel_loop3A_175 : vector<16xf32>
            %parallel_loop3A_255 = arith.constant 160 : i32
            %parallel_loop3A_256 = vector.broadcast %parallel_loop3A_255 : i32 to vector<16xi32>
            %parallel_loop3A_257 = arith.addi %parallel_loop3A_180, %parallel_loop3A_256 : vector<16xi32>
            tpu.vector_store_idx %arg7[%parallel_loop3A_257], %parallel_loop3A_254 {add = true} : memref<83968xf32, #tpu.memory_space<vmem>>[vector<16xi32>], vector<16xf32>,
            %parallel_loop3A_258 = arith.index_cast %parallel_loop3A_172 : i32 to index
            %parallel_loop3A_259 = arith.constant 176 : index
            %parallel_loop3A_260 = tpu.vector_load %arg15[%parallel_loop3A_258, %parallel_loop3A_259] {strides = array<i32>} : memref<32x256xf32, #tpu.memory_space<vmem>>, vector<16xf32>,
            %parallel_loop3A_261 = arith.mulf %parallel_loop3A_260, %parallel_loop3A_175 : vector<16xf32>
            %parallel_loop3A_262 = arith.constant 176 : i32
            %parallel_loop3A_263 = vector.broadcast %parallel_loop3A_262 : i32 to vector<16xi32>
            %parallel_loop3A_264 = arith.addi %parallel_loop3A_180, %parallel_loop3A_263 : vector<16xi32>
            tpu.vector_store_idx %arg7[%parallel_loop3A_264], %parallel_loop3A_261 {add = true} : memref<83968xf32, #tpu.memory_space<vmem>>[vector<16xi32>], vector<16xf32>,
            %parallel_loop3A_265 = arith.index_cast %parallel_loop3A_172 : i32 to index
            %parallel_loop3A_266 = arith.constant 192 : index
            %parallel_loop3A_267 = tpu.vector_load %arg15[%parallel_loop3A_265, %parallel_loop3A_266] {strides = array<i32>} : memref<32x256xf32, #tpu.memory_space<vmem>>, vector<16xf32>,
            %parallel_loop3A_268 = arith.mulf %parallel_loop3A_267, %parallel_loop3A_175 : vector<16xf32>
            %parallel_loop3A_269 = arith.constant 192 : i32
            %parallel_loop3A_270 = vector.broadcast %parallel_loop3A_269 : i32 to vector<16xi32>
            %parallel_loop3A_271 = arith.addi %parallel_loop3A_180, %parallel_loop3A_270 : vector<16xi32>
            tpu.vector_store_idx %arg7[%parallel_loop3A_271], %parallel_loop3A_268 {add = true} : memref<83968xf32, #tpu.memory_space<vmem>>[vector<16xi32>], vector<16xf32>,
            %parallel_loop3A_272 = arith.index_cast %parallel_loop3A_172 : i32 to index
            %parallel_loop3A_273 = arith.constant 208 : index
            %parallel_loop3A_274 = tpu.vector_load %arg15[%parallel_loop3A_272, %parallel_loop3A_273] {strides = array<i32>} : memref<32x256xf32, #tpu.memory_space<vmem>>, vector<16xf32>,
            %parallel_loop3A_275 = arith.mulf %parallel_loop3A_274, %parallel_loop3A_175 : vector<16xf32>
            %parallel_loop3A_276 = arith.constant 208 : i32
            %parallel_loop3A_277 = vector.broadcast %parallel_loop3A_276 : i32 to vector<16xi32>
            %parallel_loop3A_278 = arith.addi %parallel_loop3A_180, %parallel_loop3A_277 : vector<16xi32>
            tpu.vector_store_idx %arg7[%parallel_loop3A_278], %parallel_loop3A_275 {add = true} : memref<83968xf32, #tpu.memory_space<vmem>>[vector<16xi32>], vector<16xf32>,
            %parallel_loop3A_279 = arith.index_cast %parallel_loop3A_172 : i32 to index
            %parallel_loop3A_280 = arith.constant 224 : index
            %parallel_loop3A_281 = tpu.vector_load %arg15[%parallel_loop3A_279, %parallel_loop3A_280] {strides = array<i32>} : memref<32x256xf32, #tpu.memory_space<vmem>>, vector<16xf32>,
            %parallel_loop3A_282 = arith.mulf %parallel_loop3A_281, %parallel_loop3A_175 : vector<16xf32>
            %parallel_loop3A_283 = arith.constant 224 : i32
            %parallel_loop3A_284 = vector.broadcast %parallel_loop3A_283 : i32 to vector<16xi32>
            %parallel_loop3A_285 = arith.addi %parallel_loop3A_180, %parallel_loop3A_284 : vector<16xi32>
            tpu.vector_store_idx %arg7[%parallel_loop3A_285], %parallel_loop3A_282 {add = true} : memref<83968xf32, #tpu.memory_space<vmem>>[vector<16xi32>], vector<16xf32>,
            %parallel_loop3A_286 = arith.index_cast %parallel_loop3A_172 : i32 to index
            %parallel_loop3A_287 = arith.constant 240 : index
            %parallel_loop3A_288 = tpu.vector_load %arg15[%parallel_loop3A_286, %parallel_loop3A_287] {strides = array<i32>} : memref<32x256xf32, #tpu.memory_space<vmem>>, vector<16xf32>,
            %parallel_loop3A_289 = arith.mulf %parallel_loop3A_288, %parallel_loop3A_175 : vector<16xf32>
            %parallel_loop3A_290 = arith.constant 240 : i32
            %parallel_loop3A_291 = vector.broadcast %parallel_loop3A_290 : i32 to vector<16xi32>
            %parallel_loop3A_292 = arith.addi %parallel_loop3A_180, %parallel_loop3A_291 : vector<16xi32>
            tpu.vector_store_idx %arg7[%parallel_loop3A_292], %parallel_loop3A_289 {add = true} : memref<83968xf32, #tpu.memory_space<vmem>>[vector<16xi32>], vector<16xf32>,
          } {sc.loop_unroll_factor = 2 : i64, sc.parallel_access}
        }
      } else {
      }
    }
    %scan3A_22 = arith.constant 40 : i32
    %parallel_loop3A_23 = arith.constant 0 : i32
    %parallel_loop3A_24 = arith.constant 81920 : i32
    %parallel_loop3A_25 = arith.constant 128 : i32
    scf.for %parallel_loop3A_32 = %parallel_loop3A_23 to %parallel_loop3A_24 step %parallel_loop3A_25  : i32 {
      %parallel_loop3A_33 = arith.constant 0 : i32
      %parallel_loop3A_34 = arith.addi %parallel_loop3A_32, %parallel_loop3A_33 : i32
      %parallel_loop3A_35 = arith.index_cast %parallel_loop3A_34 : i32 to index
      %parallel_loop3A_36 = tpu.vector_load %arg7[%parallel_loop3A_35] {strides = array<i32>} : memref<83968xf32, #tpu.memory_space<vmem>>, vector<16xf32>,
      %parallel_loop3A_37 = arith.constant 0.000000e+00 : f32
      %parallel_loop3A_38 = vector.broadcast %parallel_loop3A_37 : f32 to vector<16xf32>
      %parallel_loop3A_39 = arith.maximumf %parallel_loop3A_36, %parallel_loop3A_38 : vector<16xf32>
      %parallel_loop3A_40 = arith.constant 0 : i32
      %parallel_loop3A_41 = arith.addi %parallel_loop3A_32, %parallel_loop3A_40 : i32
      %parallel_loop3A_42 = arith.index_cast %parallel_loop3A_41 : i32 to index
      %parallel_loop3A_43 = tpu.vector_load %arg7[%parallel_loop3A_42] {strides = array<i32>} : memref<83968xf32, #tpu.memory_space<vmem>>, vector<16xf32>,
      tpu.vector_store %arg7[%parallel_loop3A_42], %parallel_loop3A_39 {strides = array<i32>} : memref<83968xf32, #tpu.memory_space<vmem>>, vector<16xf32>,
      %parallel_loop3A_44 = arith.constant 16 : i32
      %parallel_loop3A_45 = arith.addi %parallel_loop3A_32, %parallel_loop3A_44 : i32
      %parallel_loop3A_46 = arith.index_cast %parallel_loop3A_45 : i32 to index
      %parallel_loop3A_47 = tpu.vector_load %arg7[%parallel_loop3A_46] {strides = array<i32>} : memref<83968xf32, #tpu.memory_space<vmem>>, vector<16xf32>,
      %parallel_loop3A_48 = arith.constant 0.000000e+00 : f32
      %parallel_loop3A_49 = vector.broadcast %parallel_loop3A_48 : f32 to vector<16xf32>
      %parallel_loop3A_50 = arith.maximumf %parallel_loop3A_47, %parallel_loop3A_49 : vector<16xf32>
      %parallel_loop3A_51 = arith.constant 16 : i32
      %parallel_loop3A_52 = arith.addi %parallel_loop3A_32, %parallel_loop3A_51 : i32
      %parallel_loop3A_53 = arith.index_cast %parallel_loop3A_52 : i32 to index
      %parallel_loop3A_54 = tpu.vector_load %arg7[%parallel_loop3A_53] {strides = array<i32>} : memref<83968xf32, #tpu.memory_space<vmem>>, vector<16xf32>,
      tpu.vector_store %arg7[%parallel_loop3A_53], %parallel_loop3A_50 {strides = array<i32>} : memref<83968xf32, #tpu.memory_space<vmem>>, vector<16xf32>,
      %parallel_loop3A_55 = arith.constant 32 : i32
      %parallel_loop3A_56 = arith.addi %parallel_loop3A_32, %parallel_loop3A_55 : i32
      %parallel_loop3A_57 = arith.index_cast %parallel_loop3A_56 : i32 to index
      %parallel_loop3A_58 = tpu.vector_load %arg7[%parallel_loop3A_57] {strides = array<i32>} : memref<83968xf32, #tpu.memory_space<vmem>>, vector<16xf32>,
      %parallel_loop3A_59 = arith.constant 0.000000e+00 : f32
      %parallel_loop3A_60 = vector.broadcast %parallel_loop3A_59 : f32 to vector<16xf32>
      %parallel_loop3A_61 = arith.maximumf %parallel_loop3A_58, %parallel_loop3A_60 : vector<16xf32>
      %parallel_loop3A_62 = arith.constant 32 : i32
      %parallel_loop3A_63 = arith.addi %parallel_loop3A_32, %parallel_loop3A_62 : i32
      %parallel_loop3A_64 = arith.index_cast %parallel_loop3A_63 : i32 to index
      %parallel_loop3A_65 = tpu.vector_load %arg7[%parallel_loop3A_64] {strides = array<i32>} : memref<83968xf32, #tpu.memory_space<vmem>>, vector<16xf32>,
      tpu.vector_store %arg7[%parallel_loop3A_64], %parallel_loop3A_61 {strides = array<i32>} : memref<83968xf32, #tpu.memory_space<vmem>>, vector<16xf32>,
      %parallel_loop3A_66 = arith.constant 48 : i32
      %parallel_loop3A_67 = arith.addi %parallel_loop3A_32, %parallel_loop3A_66 : i32
      %parallel_loop3A_68 = arith.index_cast %parallel_loop3A_67 : i32 to index
      %parallel_loop3A_69 = tpu.vector_load %arg7[%parallel_loop3A_68] {strides = array<i32>} : memref<83968xf32, #tpu.memory_space<vmem>>, vector<16xf32>,
      %parallel_loop3A_70 = arith.constant 0.000000e+00 : f32
      %parallel_loop3A_71 = vector.broadcast %parallel_loop3A_70 : f32 to vector<16xf32>
      %parallel_loop3A_72 = arith.maximumf %parallel_loop3A_69, %parallel_loop3A_71 : vector<16xf32>
      %parallel_loop3A_73 = arith.constant 48 : i32
      %parallel_loop3A_74 = arith.addi %parallel_loop3A_32, %parallel_loop3A_73 : i32
      %parallel_loop3A_75 = arith.index_cast %parallel_loop3A_74 : i32 to index
      %parallel_loop3A_76 = tpu.vector_load %arg7[%parallel_loop3A_75] {strides = array<i32>} : memref<83968xf32, #tpu.memory_space<vmem>>, vector<16xf32>,
      tpu.vector_store %arg7[%parallel_loop3A_75], %parallel_loop3A_72 {strides = array<i32>} : memref<83968xf32, #tpu.memory_space<vmem>>, vector<16xf32>,
      %parallel_loop3A_77 = arith.constant 64 : i32
      %parallel_loop3A_78 = arith.addi %parallel_loop3A_32, %parallel_loop3A_77 : i32
      %parallel_loop3A_79 = arith.index_cast %parallel_loop3A_78 : i32 to index
      %parallel_loop3A_80 = tpu.vector_load %arg7[%parallel_loop3A_79] {strides = array<i32>} : memref<83968xf32, #tpu.memory_space<vmem>>, vector<16xf32>,
      %parallel_loop3A_81 = arith.constant 0.000000e+00 : f32
      %parallel_loop3A_82 = vector.broadcast %parallel_loop3A_81 : f32 to vector<16xf32>
      %parallel_loop3A_83 = arith.maximumf %parallel_loop3A_80, %parallel_loop3A_82 : vector<16xf32>
      %parallel_loop3A_84 = arith.constant 64 : i32
      %parallel_loop3A_85 = arith.addi %parallel_loop3A_32, %parallel_loop3A_84 : i32
      %parallel_loop3A_86 = arith.index_cast %parallel_loop3A_85 : i32 to index
      %parallel_loop3A_87 = tpu.vector_load %arg7[%parallel_loop3A_86] {strides = array<i32>} : memref<83968xf32, #tpu.memory_space<vmem>>, vector<16xf32>,
      tpu.vector_store %arg7[%parallel_loop3A_86], %parallel_loop3A_83 {strides = array<i32>} : memref<83968xf32, #tpu.memory_space<vmem>>, vector<16xf32>,
      %parallel_loop3A_88 = arith.constant 80 : i32
      %parallel_loop3A_89 = arith.addi %parallel_loop3A_32, %parallel_loop3A_88 : i32
      %parallel_loop3A_90 = arith.index_cast %parallel_loop3A_89 : i32 to index
      %parallel_loop3A_91 = tpu.vector_load %arg7[%parallel_loop3A_90] {strides = array<i32>} : memref<83968xf32, #tpu.memory_space<vmem>>, vector<16xf32>,
      %parallel_loop3A_92 = arith.constant 0.000000e+00 : f32
      %parallel_loop3A_93 = vector.broadcast %parallel_loop3A_92 : f32 to vector<16xf32>
      %parallel_loop3A_94 = arith.maximumf %parallel_loop3A_91, %parallel_loop3A_93 : vector<16xf32>
      %parallel_loop3A_95 = arith.constant 80 : i32
      %parallel_loop3A_96 = arith.addi %parallel_loop3A_32, %parallel_loop3A_95 : i32
      %parallel_loop3A_97 = arith.index_cast %parallel_loop3A_96 : i32 to index
      %parallel_loop3A_98 = tpu.vector_load %arg7[%parallel_loop3A_97] {strides = array<i32>} : memref<83968xf32, #tpu.memory_space<vmem>>, vector<16xf32>,
      tpu.vector_store %arg7[%parallel_loop3A_97], %parallel_loop3A_94 {strides = array<i32>} : memref<83968xf32, #tpu.memory_space<vmem>>, vector<16xf32>,
      %parallel_loop3A_99 = arith.constant 96 : i32
      %parallel_loop3A_100 = arith.addi %parallel_loop3A_32, %parallel_loop3A_99 : i32
      %parallel_loop3A_101 = arith.index_cast %parallel_loop3A_100 : i32 to index
      %parallel_loop3A_102 = tpu.vector_load %arg7[%parallel_loop3A_101] {strides = array<i32>} : memref<83968xf32, #tpu.memory_space<vmem>>, vector<16xf32>,
      %parallel_loop3A_103 = arith.constant 0.000000e+00 : f32
      %parallel_loop3A_104 = vector.broadcast %parallel_loop3A_103 : f32 to vector<16xf32>
      %parallel_loop3A_105 = arith.maximumf %parallel_loop3A_102, %parallel_loop3A_104 : vector<16xf32>
      %parallel_loop3A_106 = arith.constant 96 : i32
      %parallel_loop3A_107 = arith.addi %parallel_loop3A_32, %parallel_loop3A_106 : i32
      %parallel_loop3A_108 = arith.index_cast %parallel_loop3A_107 : i32 to index
      %parallel_loop3A_109 = tpu.vector_load %arg7[%parallel_loop3A_108] {strides = array<i32>} : memref<83968xf32, #tpu.memory_space<vmem>>, vector<16xf32>,
      tpu.vector_store %arg7[%parallel_loop3A_108], %parallel_loop3A_105 {strides = array<i32>} : memref<83968xf32, #tpu.memory_space<vmem>>, vector<16xf32>,
      %parallel_loop3A_110 = arith.constant 112 : i32
      %parallel_loop3A_111 = arith.addi %parallel_loop3A_32, %parallel_loop3A_110 : i32
      %parallel_loop3A_112 = arith.index_cast %parallel_loop3A_111 : i32 to index
      %parallel_loop3A_113 = tpu.vector_load %arg7[%parallel_loop3A_112] {strides = array<i32>} : memref<83968xf32, #tpu.memory_space<vmem>>, vector<16xf32>,
      %parallel_loop3A_114 = arith.constant 0.000000e+00 : f32
      %parallel_loop3A_115 = vector.broadcast %parallel_loop3A_114 : f32 to vector<16xf32>
      %parallel_loop3A_116 = arith.maximumf %parallel_loop3A_113, %parallel_loop3A_115 : vector<16xf32>
      %parallel_loop3A_117 = arith.constant 112 : i32
      %parallel_loop3A_118 = arith.addi %parallel_loop3A_32, %parallel_loop3A_117 : i32
      %parallel_loop3A_119 = arith.index_cast %parallel_loop3A_118 : i32 to index
      %parallel_loop3A_120 = tpu.vector_load %arg7[%parallel_loop3A_119] {strides = array<i32>} : memref<83968xf32, #tpu.memory_space<vmem>>, vector<16xf32>,
      tpu.vector_store %arg7[%parallel_loop3A_119], %parallel_loop3A_116 {strides = array<i32>} : memref<83968xf32, #tpu.memory_space<vmem>>, vector<16xf32>,
    } {sc.loop_unroll_factor = 4 : i64, sc.parallel_access}
    %lt3A = arith.constant 31 : i32
    %lt3A_26 = arith.cmpi slt, %add3A, %lt3A : i32
    %convert_element_type3A = arith.extui %lt3A_26 : i1 to i32
    %cond3A = arith.constant 0 : i32
    %cond3A_27 = arith.cmpi ne, %convert_element_type3A, %cond3A : i32
    scf.if %cond3A_27 {
      %mul3A_32 = arith.constant 256 : i32
      %mul3A_33 = arith.muli %mul3A_2, %mul3A_32 : i32
      "tpu.region"() ({
        %run_scoped3A = tpu.sem_alloc : memref<!tpu.dma_semaphore, #tpu.memory_space<semaphore_mem>>
        %dma_start3A_34 = arith.constant 0 : i32
        %dma_start3A_35 = tpu.memref_slice %arg7[%dma_start3A_34] : memref<83968xf32, #tpu.memory_space<vmem>> -> memref<81920xf32, #tpu.memory_space<vmem>>
        %dma_start3A_36 = tpu.memref_slice %arg6[%mul3A_33] : memref<2560000xf32, #tpu.memory_space<hbm>> -> memref<81920xf32, #tpu.memory_space<hbm>>
        %dma_start3A_37 = tpu.memref_slice %arg6[%mul3A_33] : memref<2560000xf32, #tpu.memory_space<hbm>> -> memref<81920xf32, #tpu.memory_space<hbm>>
        %dma_start3A_38 = arith.constant 0 : i32
        %dma_start3A_39 = tpu.memref_slice %arg7[%dma_start3A_38] : memref<83968xf32, #tpu.memory_space<vmem>> -> memref<81920xf32, #tpu.memory_space<vmem>>
        tpu.enqueue_dma source(%dma_start3A_39 : memref<81920xf32, #tpu.memory_space<vmem>>) target(%dma_start3A_37 : memref<81920xf32, #tpu.memory_space<hbm>>) target_semaphore(%run_scoped3A : memref<!tpu.dma_semaphore, #tpu.memory_space<semaphore_mem>>)
        %dma_wait3A = arith.constant 0 : i32
        %dma_wait3A_40 = tpu.memref_slice %arg7[%dma_wait3A] : memref<83968xf32, #tpu.memory_space<vmem>> -> memref<81920xf32, #tpu.memory_space<vmem>>
        %dma_wait3A_41 = tpu.memref_slice %arg6[%mul3A_33] : memref<2560000xf32, #tpu.memory_space<hbm>> -> memref<81920xf32, #tpu.memory_space<hbm>>
        %dma_wait3A_42 = tpu.memref_slice %arg6[%mul3A_33] : memref<2560000xf32, #tpu.memory_space<hbm>> -> memref<81920xf32, #tpu.memory_space<hbm>>
        %dma_wait3A_43 = arith.constant 0 : i32
        %dma_wait3A_44 = tpu.memref_slice %arg7[%dma_wait3A_43] : memref<83968xf32, #tpu.memory_space<vmem>> -> memref<81920xf32, #tpu.memory_space<vmem>>
        tpu.wait_dma2 semaphore(%run_scoped3A : memref<!tpu.dma_semaphore, #tpu.memory_space<semaphore_mem>>) src(%dma_wait3A_44 : memref<81920xf32, #tpu.memory_space<vmem>>) dst(%dma_wait3A_42 : memref<81920xf32, #tpu.memory_space<hbm>>)
        tpu.yield
      }) : () -> ()
    } else {
    }
    %eq3A = arith.constant 31 : i32
    %eq3A_28 = arith.cmpi eq, %add3A, %eq3A : i32
    %convert_element_type3A_29 = arith.extui %eq3A_28 : i1 to i32
    %cond3A_30 = arith.constant 0 : i32
    %cond3A_31 = arith.cmpi ne, %convert_element_type3A_29, %cond3A_30 : i32
    scf.if %cond3A_31 {
      "tpu.region"() ({
        %run_scoped3A = tpu.sem_alloc : memref<!tpu.dma_semaphore, #tpu.memory_space<semaphore_mem>>
        %dma_start3A_32 = arith.constant 0 : i32
        %dma_start3A_33 = tpu.memref_slice %arg7[%dma_start3A_32] : memref<83968xf32, #tpu.memory_space<vmem>> -> memref<20480xf32, #tpu.memory_space<vmem>>
        %dma_start3A_34 = arith.constant 2539520 : i32
        %dma_start3A_35 = tpu.memref_slice %arg6[%dma_start3A_34] : memref<2560000xf32, #tpu.memory_space<hbm>> -> memref<20480xf32, #tpu.memory_space<hbm>>
        %dma_start3A_36 = arith.constant 2539520 : i32
        %dma_start3A_37 = tpu.memref_slice %arg6[%dma_start3A_36] : memref<2560000xf32, #tpu.memory_space<hbm>> -> memref<20480xf32, #tpu.memory_space<hbm>>
        %dma_start3A_38 = arith.constant 0 : i32
        %dma_start3A_39 = tpu.memref_slice %arg7[%dma_start3A_38] : memref<83968xf32, #tpu.memory_space<vmem>> -> memref<20480xf32, #tpu.memory_space<vmem>>
        tpu.enqueue_dma source(%dma_start3A_39 : memref<20480xf32, #tpu.memory_space<vmem>>) target(%dma_start3A_37 : memref<20480xf32, #tpu.memory_space<hbm>>) target_semaphore(%run_scoped3A : memref<!tpu.dma_semaphore, #tpu.memory_space<semaphore_mem>>)
        %dma_wait3A = arith.constant 0 : i32
        %dma_wait3A_40 = tpu.memref_slice %arg7[%dma_wait3A] : memref<83968xf32, #tpu.memory_space<vmem>> -> memref<20480xf32, #tpu.memory_space<vmem>>
        %dma_wait3A_41 = arith.constant 2539520 : i32
        %dma_wait3A_42 = tpu.memref_slice %arg6[%dma_wait3A_41] : memref<2560000xf32, #tpu.memory_space<hbm>> -> memref<20480xf32, #tpu.memory_space<hbm>>
        %dma_wait3A_43 = arith.constant 2539520 : i32
        %dma_wait3A_44 = tpu.memref_slice %arg6[%dma_wait3A_43] : memref<2560000xf32, #tpu.memory_space<hbm>> -> memref<20480xf32, #tpu.memory_space<hbm>>
        %dma_wait3A_45 = arith.constant 0 : i32
        %dma_wait3A_46 = tpu.memref_slice %arg7[%dma_wait3A_45] : memref<83968xf32, #tpu.memory_space<vmem>> -> memref<20480xf32, #tpu.memory_space<vmem>>
        tpu.wait_dma2 semaphore(%run_scoped3A : memref<!tpu.dma_semaphore, #tpu.memory_space<semaphore_mem>>) src(%dma_wait3A_46 : memref<20480xf32, #tpu.memory_space<vmem>>) dst(%dma_wait3A_44 : memref<20480xf32, #tpu.memory_space<hbm>>)
        tpu.yield
      }) : () -> ()
    } else {
    }
    return
  }
}

module attributes {stable_mosaic.version = 14 : i64} {
  func.func @_linear_body(%arg0: i32, %arg1: memref<1000x256xf32, #tpu.memory_space<vmem>>, %arg2: memref<256x256xf32, #tpu.memory_space<vmem>>, %arg3: memref<1x256xf32, #tpu.memory_space<vmem>>, %arg4: memref<1000x256xf32, #tpu.memory_space<vmem>>) attributes {dimension_semantics = [#tpu.dimension_semantics<arbitrary>], iteration_bounds = array<i64: 10>, scalar_prefetch = 0 : i64, scratch_operands = 0 : i64, tpu.core_type = #tpu.core_type<tc>, window_params = [{transform_indices = @transform_0, window_bounds = array<i64: 1000, 256>}, {pipeline_mode = #tpu.pipeline_mode<synchronous>, transform_indices = @transform_1, window_bounds = array<i64: 256, 256>}, {pipeline_mode = #tpu.pipeline_mode<synchronous>, transform_indices = @transform_2, window_bounds = array<i64: 1, 256>}, {transform_indices = @transform_3, window_bounds = array<i64: 1000, 256>}]} {
    %get3A = arith.constant 0 : index
    %get3A_0 = arith.constant 0 : index
    %get3A_1 = vector.load %arg1[%get3A, %get3A_0] : memref<1000x256xf32, #tpu.memory_space<vmem>>, vector<1000x256xf32>
    %get3A_2 = arith.constant 0 : index
    %get3A_3 = arith.constant 0 : index
    %get3A_4 = vector.load %arg2[%get3A_2, %get3A_3] : memref<256x256xf32, #tpu.memory_space<vmem>>, vector<256x256xf32>
    %dot_general3A = arith.constant dense<0.000000e+00> : vector<1000x256xf32>
    %dot_general3A_5 = tpu.matmul %get3A_1, %get3A_4, %dot_general3A {dimension_numbers = #tpu.dot_dimension_numbers<[1], [0], [0], [1], [0, 0, 1, 1], [], []>, transpose_lhs_hint = false} : vector<1000x256xf32>, vector<256x256xf32>, vector<1000x256xf32> -> vector<1000x256xf32>
    %get3A_6 = arith.constant 0 : index
    %get3A_7 = arith.constant 0 : index
    %get3A_8 = vector.load %arg3[%get3A_6, %get3A_7] : memref<1x256xf32, #tpu.memory_space<vmem>>, vector<1x256xf32>
    %add3A = vector.broadcast %get3A_8 : vector<1x256xf32> to vector<1000x256xf32>
    %add3A_9 = arith.addf %dot_general3A_5, %add3A : vector<1000x256xf32>
    %swap3A = arith.constant 0 : index
    %swap3A_10 = arith.constant 0 : index
    %swap3A_11 = vector.load %arg4[%swap3A, %swap3A_10] : memref<1000x256xf32, #tpu.memory_space<vmem>>, vector<1000x256xf32>
    tpu.vector_store %arg4[%swap3A, %swap3A_10], %add3A_9 {strides = array<i32>} : memref<1000x256xf32, #tpu.memory_space<vmem>>, vector<1000x256xf32>,
    return
  }
  func.func @transform_0(%arg0: i32) -> (i32, i32) {
    %c0_i32 = arith.constant 0 : i32
    %c0_i32_0 = arith.constant 0 : i32
    return %arg0, %c0_i32 : i32, i32
  }
  func.func @transform_1(%arg0: i32) -> (i32, i32) {
    %c0_i32 = arith.constant 0 : i32
    %c0_i32_0 = arith.constant 0 : i32
    %c0_i32_1 = arith.constant 0 : i32
    return %c0_i32, %c0_i32_0 : i32, i32
  }
  func.func @transform_2(%arg0: i32) -> (i32, i32) {
    %c0_i32 = arith.constant 0 : i32
    %c0_i32_0 = arith.constant 0 : i32
    %c0_i32_1 = arith.constant 0 : i32
    return %c0_i32, %c0_i32_0 : i32, i32
  }
  func.func @transform_3(%arg0: i32) -> (i32, i32) {
    %c0_i32 = arith.constant 0 : i32
    %c0_i32_0 = arith.constant 0 : i32
    return %arg0, %c0_i32 : i32, i32
  }
}

</mosaic_0001>

<sc_bundles>
// kernel: kernel.4.cloned.1.call-start
scs
__scs_entry_jumppad:
0x0: {  	(pc) =	sbr.rel $0x88, $3  }
0x1: {  	(tag) =	ssettag $0x0;
	lr =	simm.s32 $0x1  }
0x2: {  	[smem:$0x3F9C] =	sst lr;
	_ =	strace $0xD0000000  }
0x3: {  	_ = 	snop  }
0x4: {  	_ = 	snop  }
0x5: {  	_ = 	snop  }
0x6: {  	_ = 	snop  }
0x7: {  	_ = 	snop  }
__scs_overlays_trampoline_lowered:
0x8: {  	[smem:$0x3FAB] =	sst s0  }
0x9: {  	[smem:$0x3FAC] =	sst s1  }
0xa: {  	[smem:$0x3FAD] =	sst s2  }
0xb: {  	[smem:$0x3FAE] =	sst s3  }
0xc: {  	[smem:$0x3FAF] =	sst s4  }
0xd: {  	[smem:$0x3FB0] =	sst s5  }
0xe: {  	[smem:$0x3FB1] =	sst s6  }
0xf: {  	[smem:$0x3FB2] =	sst s7  }
0x10: {  	[smem:$0x3FB3] =	sst s8  }
0x11: {  	[smem:$0x3FB4] =	sst s9;
	s0 =	simm.s32 @!p0 $0x0  }
0x12: {  	s1 =	sld [smem:$0x3F9A];
	s0 =	simm.s32 @p0 $0x1  }
0x13: {  	[smem:$0x3FB5] =	sst s0;
	s0 =	simm.s32 @!p1 $0x0  }
0x14: {  	s2 =	sld [smem:$0x3F99];
	s0 =	simm.s32 @p1 $0x1  }
0x15: {  	[smem:$0x3FB6] =	sst s0;
	s0 =	simm.s32 @!p2 $0x0  }
0x16: {  	s3 =	sld [smem:$0x3FDB];
	s0 =	simm.s32 @p2 $0x1  }
0x17: {  	s4 =	simm.s32 $0x1BF5;
	[smem:$0x3FB8] =	sst s0  }
0x18: {  	s0 =	sld [smem:$0x3F9B];
	_ =	swait.ge [sflag:s4], $0x0  }
0x19: {  	s7 =	sld [smem:$0x3F9C]  }
0x1a: {  	s8 =	sadd.s32 $0xFFFFE003, lr  }
0x1b: {  	s9 =	sadd.s32 $0xFFFFFEF7, lr;
	s5 =	simm.s32 $0xFFFFFFFF;
	p2 =	slt.u32 s8, $0xFFFFF086  }
0x1c: {  	p1 =	slt.u32 s9, $0xF7A;
	s5 =	simm.s32 @!p2 $0x0  }
0x1d: {  	s5 =	simm.s32 @p1 $0x1;
	p0 =	seq.s32 s7, s2  }
0x1e: {  	s7 =	smul.u32 @!p0 $0xF7A, s2;
	p2 =	seq.s32 @!p0 s5, $0x0  }
0x1f: {  	s9 =	smul.u32 $0xF7A, s1;
	s8 =	simm.s32 @!p0 $0x1BF5;
	p2 =	por !p2, p0  }
0x20: {  	[sflag:s8] =	ssyncset.s32 @!p0 $0xFFFFF086;
	s6 =	sadd.s32 @!p0 s3, s7;
	s7 =	simm.s32 @!p0 $0x108  }
0x21: {  	s3 =	sadd.s32 s3, s9;
	s6 =	sadd.s32 @!p0 $0x88, s6;
	s7 =	simm.s32 @p2 $0x1082  }
0x22: {  	[simem:s7], [sflag:s8] =	dma.local @!p0 [hbm:s6], $0xF7A  }
0x23: {  	s9 =	sor.u32 $0xD0000000, s2;
	s6 =	simm.s32 $0x108;
	_ =	swait.ge @!p0 [sflag:s8], $0x0  }
0x24: {  	s3 =	sadd.s32 $0x88, s3;
	s6 =	simm.s32 @!p1 $0x1082;
	[sflag:s4] =	ssyncset.s32 $0xFFFFF086  }
0x25: {  	[simem:s6], [sflag:s4] =	dma.local [hbm:s3], $0xF7A  }
0x26: {  	[smem:$0x3F9C] =	sst s1;
	(tag) =	ssettag s2;
	_ =	strace s9  }
0x27: {  	s1 =	sld [smem:$0x3FAC]  }
0x28: {  	s2 =	sld [smem:$0x3FAD]  }
0x29: {  	s4 =	sld [smem:$0x3FAF]  }
0x2a: {  	p0 =	seq.s32 s5, $0x0;
	s5 =	sld [smem:$0x3FB0]  }
0x2b: {  	s6 =	sld [smem:$0x3FB1]  }
0x2c: {  	s7 =	sld [smem:$0x3FB2]  }
0x2d: {  	s3 =	simm.s32 $0x108;
	s8 =	sld [smem:$0x3FB3]  }
0x2e: {  	s3 =	simm.s32 @!p0 $0x1082;
	s9 =	sld [smem:$0x3FB4]  }
0x2f: {  	lr =	sadd.s32 s0, s3;
	s0 =	sld [smem:$0x3FAB]  }
0x30: {  	s3 =	sld [smem:$0x3FAE]  }
0x31: {  	[smem:$0x3FB7] =	sst s10  }
0x32: {  	s10 =	sld [smem:$0x3FB5];
	_ =	sdelay $0x3  }
0x33: {  	p0 =	seq.s32 s10, $0x1;
	s10 =	sld [smem:$0x3FB7];
	_ =	sdelay $0x3  }
0x34: {  	[smem:$0x3FB7] =	sst s10  }
0x35: {  	s10 =	sld [smem:$0x3FB6];
	_ =	sdelay $0x3  }
0x36: {  	p1 =	seq.s32 s10, $0x1;
	s10 =	sld [smem:$0x3FB7];
	_ =	sdelay $0x3  }
0x37: {  	[smem:$0x3FB7] =	sst s10  }
0x38: {  	s10 =	sld [smem:$0x3FB8]  }
0x39: {  	_ = 	snop;
	(pc) =	sbr.ind lr, $3  }
0x3a: {  	_ = 	snop  }
0x3b: {  	_ = 	snop  }
0x3c: {  	p2 =	seq.s32 s10, $0x1;
	s10 =	sld [smem:$0x3FB7]  }
0x3d: {  	_ =	shalt  }
0x3e: {  	_ =	shalt  }
0x3f: {  	_ =	shalt  }
0x40: {  	_ =	shalt  }
0x41: {  	_ =	shalt  }
0x42: {  	_ =	shalt  }
0x43: {  	_ =	shalt  }
0x44: {  	_ =	shalt  }
0x45: {  	_ =	shalt  }
0x46: {  	_ =	shalt  }
0x47: {  	_ =	shalt  }
0x48: {  	_ =	shalt  }
0x49: {  	_ =	shalt  }
0x4a: {  	_ =	shalt  }
0x4b: {  	_ =	shalt  }
0x4c: {  	_ =	shalt  }
0x4d: {  	_ =	shalt  }
0x4e: {  	_ =	shalt  }
0x4f: {  	_ =	shalt  }
0x50: {  	_ =	shalt  }
0x51: {  	_ =	shalt  }
0x52: {  	_ =	shalt  }
0x53: {  	_ =	shalt  }
0x54: {  	_ =	shalt  }
0x55: {  	_ =	shalt  }
0x56: {  	_ =	shalt  }
0x57: {  	_ =	shalt  }
0x58: {  	_ =	shalt  }
0x59: {  	_ =	shalt  }
0x5a: {  	_ =	shalt  }
0x5b: {  	_ =	shalt  }
0x5c: {  	_ =	shalt  }
0x5d: {  	_ =	shalt  }
0x5e: {  	_ =	shalt  }
0x5f: {  	_ =	shalt  }
0x60: {  	_ =	shalt  }
0x61: {  	_ =	shalt  }
0x62: {  	_ =	shalt  }
0x63: {  	_ =	shalt  }
0x64: {  	_ =	shalt  }
0x65: {  	_ =	shalt  }
0x66: {  	_ =	shalt  }
0x67: {  	_ =	shalt  }
0x68: {  	_ =	shalt  }
0x69: {  	_ =	shalt  }
0x6a: {  	_ =	shalt  }
0x6b: {  	_ =	shalt  }
0x6c: {  	_ =	shalt  }
0x6d: {  	_ =	shalt  }
0x6e: {  	_ =	shalt  }
0x6f: {  	_ =	shalt  }
0x70: {  	_ =	shalt  }
0x71: {  	_ =	shalt  }
0x72: {  	_ =	shalt  }
0x73: {  	_ =	shalt  }
0x74: {  	_ =	shalt  }
0x75: {  	_ =	shalt  }
0x76: {  	_ =	shalt  }
0x77: {  	_ =	shalt  }
0x78: {  	_ =	shalt  }
0x79: {  	_ =	shalt  }
0x7a: {  	_ =	shalt  }
0x7b: {  	_ =	shalt  }
0x7c: {  	_ =	shalt  }
0x7d: {  	_ =	shalt  }
0x7e: {  	_ =	shalt  }
0x7f: {  	_ =	shalt  }
0x80: {  	_ =	shalt  }
0x81: {  	_ =	shalt  }
0x82: {  	_ =	shalt  }
0x83: {  	_ =	shalt  }
0x84: {  	_ =	shalt  }
0x85: {  	_ =	shalt  }
0x86: {  	_ =	shalt  }
0x87: {  	_ =	shalt  }
.Lfunc_end0:
.L_simem_size_0:
called_computation_lowered:
.L_overlay_start_0:
0x88: {  	s2 =	sld [smem:$0x3FD9]  }
0x89: {  	s3 =	sld [smem:$0x3FFE];
	_ =	sdelay $0x1  }
0x8a: {  	s1 =	srdreg.scid  }
0x8b: {  	s0 =	sand.u32 $0x1, s1  }
0x8c: {  	s17 =	sshll.u32 s0, $0xA;
	s2 =	sadd.s32 s3, s2  }
0x8d: {  	s2 =	sadd.s32 s2, s17  }
0x8e: {  	[smem:$0x3FC3] =	sst s2  }
0x8f: {  	_ = 	snop  }
0x90: {  	s2 =	sld [smem:$0x3FC7]  }
0x91: {  	s18 =	sld [smem:$0x3FD0];
	(tm) =	ssettm $0x1  }
0x92: {  	s4 =	sld [smem:$0x3FFB];
	_ =	sdelay $0x3  }
0x93: {  	_ =	strace s4  }
0x94: {  	s4 =	sld [smem:$0x3FFC];
	_ =	sdelay $0x3  }
0x95: {  	_ =	strace s4  }
0x96: {  	s4 =	sld [smem:$0x3FFD];
	_ =	sdelay $0x3  }
0x97: {  	_ =	strace s4  }
0x98: {  	_ =	strace $0x8FFFFFFF  }
0x99: {  	s19 =	sld [smem:$0x3FDB];
	_ =	sdelay $0x1  }
0x9a: {  	s5 =	simm.s32 $_scs_section_size  }
0x9b: {  	s6 =	simm.s32 $_size__tile_overlayer_lowered;
	s7 =	simm.s32 $_tile_overlayer_lowered  }
0x9c: {  	s22 =	simm.s32 $0x1BFF;
	s21 =	sshll.u32 s7, $0x1;
	s4 =	sadd.s32 s5, s19  }
0x9d: {  	s8 =	simm.s32 $0x0;
	s20 =	sshll.u32 s6, $0x1;
	s6 =	sadd.s32 s21, s4  }
0x9e: {  	[timem:s8], [sflag:s22] =	dma.local [hbm:s6], s20  }
0x9f: {  	_ =	swait.ge [sflag:s22], s20  }
0xa0: {  	s5 =	ssub.s32 $0x0, s20;
	[sflag:s22] =	ssyncset.done $0x0  }
0xa1: {  	[sflag:s22] =	ssyncadd.s32 s5;
	_ =	sdelay $0x1  }
0xa2: {  	s23 =	simm.s32 $0x1B8B  }
0xa3: {  	_ =	swait.ge [sflag:s23], $0x1  }
0xa4: {  	[sflag:s23] =	ssyncset.done $0x0  }
0xa5: {  	s25 =	simm.s32 $0x1B8E;
	s24 =	sld [smem:$0x3FFE];
	[sflag:s23] =	ssyncadd.s32 $0xFFFFFFFF  }
0xa6: {  	s26 =	simm.s32 $execute0_lowered;
	[smem:$0x3FD2] =	sst s25  }
0xa7: {  	s6 =	sshll.u32 s26, $0x1;
	_ =	strace $0x80000046;
	[dreg:$0x1] =	wrdreg $0xFFFFFFFF  }
0xa8: {  	s28 =	simm.s32 $_size_execute0_lowered;
	s4 =	sadd.s32 s4, s6;
	[dreg:$0x0] =	wrdreg $0x0  }
0xa9: {  	s6 =	sshll.u32 s28, $0x1;
	[dreg:$0x2] =	wrdreg s4  }
0xaa: {  	[dreg:$0x3] =	wrdreg s6  }
0xab: {  	[dreg:$0x4] =	wrdreg $0xC0  }
0xac: {  	_ =	task [dreg:s8], $0x5FFFF  }
0xad: {  	[dreg:$0x1] =	wrdreg $0xFFFFFFFF  }
0xae: {  	[dreg:$0x0] =	wrdreg $0x60  }
0xaf: {  	[dreg:$0x2] =	wrdreg s18  }
0xb0: {  	[dreg:$0x3] =	wrdreg s24  }
0xb1: {  	[dreg:$0x4] =	wrdreg s2  }
0xb2: {  	[dreg:$0x5] =	wrdreg $0x9  }
0xb3: {  	_ =	task.clear_ibuf [dreg:s8], $0x6FFFF;
	_ =	strace $0x90000046  }
0xb4: {  	s29 =	simm.s32 $0x9;
	_ =	strace $0x80000048  }
0xb5: {  	_ =	swait.ge [sflag:s29], $0x1  }
0xb6: {  	[sflag:s29] =	ssyncadd.s32 $0xFFFFFFFF  }
0xb7: {  	_ =	strace $0x90000048  }
0xb8: {  	_ =	sfence  }
0xb9: {  	s30 =	sld [smem:$0x0];
	_ =	sdelay $0x2  }
0xba: {  	s31 =	sshll.u32 s1, $0xD;
	s1 =	sshrl.u32 s1, $0x2  }
0xbb: {  	s3 =	sand.u32 $0x4000, s31;
	s1 =	sadd.s32 s1, s30  }
0xbc: {  	s0 =	sor.u32 s3, s0;
	s1 =	sshll.u32 s1, $0x11  }
0xbd: {  	s0 =	sor.u32 s1, s0  }
0xbe: {  	s0 =	sadd.s32 $0x8F2B, s0  }
0xbf: {  	[sflag:s0] =	ssyncadd.remote.s32 $0x1  }
0xc0: {  	_ =	sfence.sel $0xFFFF  }
0xc1: {  	[dreg:$0x0] =	wrdreg $0xFFFFFFFF;
	(pc) =	sbr.abs _section_cstart, $3  }
0xc2: {  	[dreg:$0x1] =	wrdreg $0xFFFFFFFF  }
0xc3: {  	_ =	task.clear_ibuf [dreg:s8], $0x2FFFF;
	_ =	strace $0x9FFFFFFF  }
0xc4: {  	(tm) =	ssettm $0x7FFFFFFF  }
0xc5: {  	_ =	shalt  }
tec
execute0_lowered:
.L_overlay_start_1:
0x0: {  	(tag) =	ssettag $0x1  }
0x1: {  	s1 =	rddreg [dreg:$0x0]  }
0x2: {  	s0 =	rddreg [dreg:$0x1]  }
0x3: {  	s2 =	rddreg [dreg:$0x2]  }
0x4: {  	s3 =	srdreg.scid;
	s4 =	simm.s32 $0x0;
	s6 =	stileid.u32  }
0x5: {  	s13 =	simm.s32 $0x3;
	s14 =	simm.s32 $0x17800;
	s15 =	simm.s32 $0x18800  }
0x6: {  	s16 =	simm.s32 $0x19800;
	s17 =	simm.s32 $0x1C800;
	s18 =	simm.s32 $0x1D000  }
0x7: {  	s19 =	simm.s32 $0x1D800;
	s20 =	simm.s32 $0x1E000;
	s3 =	sand.u32 $0x1, s3  }
0x8: {  	s21 =	simm.s32 $0x1;
	s22 =	simm.s32 $0x2;
	s5 =	sshll.u32 s3, $0x4  }
0x9: {  	[smem:$0x7FF] =	sst s4;
	s3 =	ssub.s32 $0x2, s3;
	s7 =	sor.u32 s6, s5  }
0xa: {  	_ =	strace $0x80000047;
	s10 =	sshrl.u32 s3, $0x1;
	s8 =	smul.u32 $0x140, s7  }
0xb: {  	v2 =	vlaneseq.u32;
	v4 =	vimm.f32 $0.0e+00;
	s5 =	sadd.s32 $0x5200, s0;
	s9 =	smul.u32 $0x2800, s7;
	s3 =	ssub.s32 s3, s10  }
0xc: {  	v5 =	vimm.s32 $0x0;
	v6 =	vimm.s32 $0x140;
	vm1 =	vmmov $0xffff;
	s6 =	sadd.s32 $0x200, s0;
	s31 =	smax.u32 s3, $0x1;
	s11 =	ssub.s32 $0x2710, s8  }
0xd: {  	v10 =	vimm.s32 $0x0;
	v7 =	vand.u32 $0x7, v2;
	v8 =	vshrl.u32 v2, $0x3;
	s9 =	sadd.s32 s9, s0;
	s0 =	sadd.s32 $0x57A00, s0;
	[dreg:$0x6] =	wrdreg s31  }
0xe: {  	v9 =	vor.u32 $0x8, v2;
	v10 =	vsel vm1, $0xFFFFFFFF, v10;
	v8 =	vmul.u32 $0x8, v8;
	s30 =	smin.u32 s11, $0x140;
	s9 =	sadd.s32 $0xA200, s9;
	[dreg:$0x5] =	wrdreg s0  }
0xf: {  	s23 =	simm.s32 $0x0;
	[tilespmem:$0x1FFF0] =	vst v10;
	v3 =	vadd.s32 s7, v2;
	p0 =	seq.s32 s7, $0x1F;
	v0 =	vmov s8;
	[dreg:$0x4] =	wrdreg s9;
	v1 =	vmov s30  }
.LBB2_1:
0x10: {  	s0 =	simm.s32 $0x100  }
0x11: {  	[tilespmem:s0+$0xFFFFFF00] =	vst v4  }
0x12: {  	[tilespmem:s0+$0xF0] =	vst v4  }
0x13: {  	[tilespmem:s0+$0xE0] =	vst v4  }
0x14: {  	[tilespmem:s0+$0xD0] =	vst v4  }
0x15: {  	[tilespmem:s0+$0xC0] =	vst v4  }
0x16: {  	[tilespmem:s0+$0xB0] =	vst v4  }
0x17: {  	[tilespmem:s0+$0xA0] =	vst v4  }
0x18: {  	[tilespmem:s0+$0x90] =	vst v4  }
0x19: {  	[tilespmem:s0+$0x80] =	vst v4  }
0x1a: {  	[tilespmem:s0+$0x70] =	vst v4  }
0x1b: {  	[tilespmem:s0+$0x60] =	vst v4  }
0x1c: {  	[tilespmem:s0+$0x50] =	vst v4  }
0x1d: {  	[tilespmem:s0+$0x40] =	vst v4  }
0x1e: {  	[tilespmem:s0+$0x30] =	vst v4  }
0x1f: {  	[tilespmem:s0+$0x20] =	vst v4  }
0x20: {  	[tilespmem:s0+$0x10] =	vst v4  }
0x21: {  	[tilespmem:s0+$0x0] =	vst v4  }
0x22: {  	[tilespmem:s0+$0xFFFFFFF0] =	vst v4  }
0x23: {  	[tilespmem:s0+$0xFFFFFFE0] =	vst v4  }
0x24: {  	[tilespmem:s0+$0xFFFFFFD0] =	vst v4  }
0x25: {  	[tilespmem:s0+$0xFFFFFFC0] =	vst v4  }
0x26: {  	[tilespmem:s0+$0xFFFFFFB0] =	vst v4  }
0x27: {  	[tilespmem:s0+$0xFFFFFFA0] =	vst v4  }
0x28: {  	[tilespmem:s0+$0xFFFFFF90] =	vst v4  }
0x29: {  	[tilespmem:s0+$0xFFFFFF80] =	vst v4  }
0x2a: {  	[tilespmem:s0+$0xFFFFFF70] =	vst v4  }
0x2b: {  	[tilespmem:s0+$0xFFFFFF60] =	vst v4  }
0x2c: {  	[tilespmem:s0+$0xFFFFFF50] =	vst v4  }
0x2d: {  	[tilespmem:s0+$0xFFFFFF40] =	vst v4  }
0x2e: {  	[tilespmem:s0+$0xFFFFFF30] =	vst v4  }
0x2f: {  	s3 =	simm.s32 $0x0;
	[tilespmem:s0+$0xFFFFFF20] =	vst v4  }
.LBB2_2:
0x30: {  	s3 =	sadd.s32 $0x200, s3;
	[tilespmem:s0+$0xFFFFFF10] =	vst v4;
	s0 =	sadd.s32 $0x200, s0  }
0x31: {  	[tilespmem:s0+$0xFFFFFF00] =	vst v4;
	p1 =	slt.u32 s3, $0x14600  }
0x32: {  	[tilespmem:s0+$0xF0] =	vst v4  }
0x33: {  	[tilespmem:s0+$0xE0] =	vst v4  }
0x34: {  	[tilespmem:s0+$0xD0] =	vst v4  }
0x35: {  	[tilespmem:s0+$0xC0] =	vst v4  }
0x36: {  	[tilespmem:s0+$0xB0] =	vst v4  }
0x37: {  	[tilespmem:s0+$0xA0] =	vst v4  }
0x38: {  	[tilespmem:s0+$0x90] =	vst v4  }
0x39: {  	[tilespmem:s0+$0x80] =	vst v4  }
0x3a: {  	[tilespmem:s0+$0x70] =	vst v4  }
0x3b: {  	[tilespmem:s0+$0x60] =	vst v4  }
0x3c: {  	[tilespmem:s0+$0x50] =	vst v4  }
0x3d: {  	[tilespmem:s0+$0x40] =	vst v4  }
0x3e: {  	[tilespmem:s0+$0x30] =	vst v4  }
0x3f: {  	[tilespmem:s0+$0x20] =	vst v4  }
0x40: {  	[tilespmem:s0+$0x10] =	vst v4  }
0x41: {  	[tilespmem:s0+$0x0] =	vst v4  }
0x42: {  	[tilespmem:s0+$0xFFFFFFF0] =	vst v4  }
0x43: {  	[tilespmem:s0+$0xFFFFFFE0] =	vst v4  }
0x44: {  	[tilespmem:s0+$0xFFFFFFD0] =	vst v4  }
0x45: {  	[tilespmem:s0+$0xFFFFFFC0] =	vst v4  }
0x46: {  	[tilespmem:s0+$0xFFFFFFB0] =	vst v4  }
0x47: {  	[tilespmem:s0+$0xFFFFFFA0] =	vst v4  }
0x48: {  	[tilespmem:s0+$0xFFFFFF90] =	vst v4  }
0x49: {  	[tilespmem:s0+$0xFFFFFF80] =	vst v4  }
0x4a: {  	[tilespmem:s0+$0xFFFFFF70] =	vst v4  }
.Ltmp0:
0x4b: {  	[tilespmem:s0+$0xFFFFFF60] =	vst v4;
	(pc) =	sbr.rel @p1 .LBB2_2-.Ltmp0, $4  }
0x4c: {  	[tilespmem:s0+$0xFFFFFF50] =	vst v4  }
0x4d: {  	[tilespmem:s0+$0xFFFFFF40] =	vst v4  }
0x4e: {  	[tilespmem:s0+$0xFFFFFF30] =	vst v4  }
0x4f: {  	[tilespmem:s0+$0xFFFFFF20] =	vst v4  }
0x50: {  	[tilespmem:s0+$0xFFFFFF10] =	vst v4;
	s24 =	simm.s32 $0x0;
	s29 =	simm.s32 $0x14800  }
0x51: {  	[tilespmem:s29], [sflag:$0x3] =	stream.linear.gather [hbm4b:s5+s24], $0xFA0, $0x38;
	[tilespmem:$0x1E800] =	vst v63  }
.Ltmp1:
0x52: {  	_ = 	snop;
	(pc) =	sbr.rel .LBB2_4-.Ltmp1, $4  }
0x53: {  	s30 =	simm.s32 $0x15800  }
0x54: {  	[tilespmem:s30], [sflag:$0x3] =	stream.linear.gather [hbm4b:s6+s24], $0xFA0, $0x38;
	[tilespmem:$0x1E800] =	vst v63  }
0x55: {  	s31 =	simm.s32 $0x16800  }
0x56: {  	[tilespmem:s31], [sflag:$0x3] =	stream.linear.gather [hbm4b:s2+s24], $0xFA0, $0x38;
	[tilespmem:$0x1E800] =	vst v63  }
.LBB2_15:
0x57: {  	p1 =	sne.s32 s24, $0x28  }
.Ltmp2:
0x58: {  	_ = 	snop;
	(pc) =	sbr.rel @!p1 .LBB2_16-.Ltmp2, $1  }
0x59: {  	_ =	sdelay $0x3  }
.LBB2_4:
0x5a: {  	_ =	swait.ge [sflag:s13], $0xFA0  }
0x5b: {  	[sflag:s13] =	ssyncset.done $0x0  }
0x5c: {  	[sflag:s13] =	ssyncadd.s32 $0xFFFFF060  }
0x5d: {  	_ =	swait.ge [sflag:s13], $0xFA0  }
0x5e: {  	[sflag:s13] =	ssyncset.done $0x0  }
0x5f: {  	[sflag:s13] =	ssyncadd.s32 $0xFFFFF060  }
0x60: {  	_ =	swait.ge [sflag:s13], $0xFA0  }
0x61: {  	[sflag:s13] =	ssyncset.done $0x0  }
0x62: {  	s3 =	simm.s32 $0x15840;
	[sflag:s13] =	ssyncadd.s32 $0xFFFFF060  }
0x63: {  	v10 =	vld [tilespmem:s3+$0x0]  }
0x64: {  	v11 =	vld [tilespmem:s3+$0x10]  }
0x65: {  	v12 =	vld [tilespmem:s3+$0x30]  }
0x66: {  	v13 =	vld [tilespmem:s3+$0xFFFFFFF0]  }
0x67: {  	v14 =	vld [tilespmem:s3+$0xFFFFFFE0];
	_ =	sdelay $0x1  }
0x68: {  	s0 =	simm.s32 $0x158C0  }
0x69: {  	v16 =	vsub.s32 v10, v0;
	v10 =	vld [tilespmem:s0+$0x0]  }
0x6a: {  	v20 =	vimm.s32 $0xFFFFFFFF;
	v15 =	vld [tilespmem:s3+$0xFFFFFFC0];
	v25 =	vsub.s32 v11, v0;
	v11 =	vsub.s32 v12, v0  }
0x6b: {  	v19 =	vld [tilespmem:s3+$0xFFFFFFD0];
	v17 =	vsub.s32 v13, v0;
	v13 =	vsub.s32 v14, v0;
	vm0 =	vlt.u32 v16, v1  }
0x6c: {  	vm1 =	vlt.u32 v25, v1;
	vm2 =	vlt.u32 v17, v1;
	v18 =	vsel vm0, $0x1, v5  }
0x6d: {  	v21 =	vld [tilespmem:s3+$0x20];
	vm4 =	vlt.u32 v13, v1;
	v12 =	vsel vm1, $0x1, v5;
	vm3 =	vmmov vm0;
	(xrf0) =	vadd.scan.msk.s32 $0xffff, v18  }
0x6e: {  	vm0 =	vmmov vm1;
	v14 =	vsel vm2, $0x1, v5;
	(xrf0) =	vadd.scan.msk.s32 $0xffff, v12;
	v10 =	vsub.s32 v10, v0  }
0x6f: {  	v18 =	vsub.s32 v15, v0;
	v12 =	vsel vm4, $0x1, v5;
	(xrf0) =	vadd.scan.msk.s32 $0xffff, v14;
	vm6 =	vlt.u32 v10, v1  }
0x70: {  	vm7 =	vlt.u32 v18, v1;
	v14 =	vsub.s32 v19, v0;
	(xrf0) =	vadd.scan.msk.s32 $0xffff, v12;
	v12 =	vsel vm6, $0x1, v5  }
0x71: {  	v19 =	vmpcnt.ones.xlane vm7;
	v22 =	vsel vm7, $0x1, v5;
	vm5 =	vlt.u32 v14, v1;
	(xrf0) =	vadd.scan.msk.s32 $0xffff, v12  }
0x72: {  	v23 =	vld [tilespmem:s0+$0x30];
	v15 =	vsub.s32 v21, v0;
	v21 =	vmpcnt.ones.xlane vm5;
	(xrf0) =	vadd.scan.msk.s32 $0xffff, v22;
	v22 =	vsel vm5, $0x1, v5  }
0x73: {  	v39 =	vld [tilespmem:s0+$0x10];
	v28 =	vadd.s32 v20, v19;
	v19 =	vmpcnt.ones.xlane vm4;
	v26, _, _ =	vpop (xrf0);
	(xrf0) =	vadd.scan.msk.s32 $0xffff, v22;
	v22 =	vmpcnt.ones.xlane vm3  }
0x74: {  	v35 =	vld [tilespmem:s0+$0xFFFFFFC0];
	vm1 =	vlt.u32 v11, v1;
	v24 =	vmpcnt.ones.xlane vm2;
	v21 =	vadd.s32 v28, v21;
	v30, _, _ =	vpop (xrf0)  }
0x75: {  	s3 =	simm.s32 $0x14840;
	v37 =	vld [tilespmem:s0+$0xFFFFFFE0];
	vm10 =	vlt.u32 v15, v1;
	v12 =	vsel vm1, $0x1, v5;
	v19 =	vadd.s32 v21, v19;
	v27, _, _ =	vpop (xrf0)  }
0x76: {  	v29 =	vld [tilespmem:s3+$0xFFFFFFD0];
	v31 =	vsel vm10, $0x1, v5;
	(xrf0) =	vadd.scan.msk.s32 $0xffff, v12;
	v12 =	vmpcnt.ones.xlane vm0;
	v33 =	vadd.s32 v19, v24;
	v34, _, _ =	vpop (xrf0)  }
0x77: {  	v32 =	vld [tilespmem:s3+$0xFFFFFFC0];
	vm8 =	vmmov vm2;
	(xrf0) =	vadd.scan.msk.s32 $0xffff, v31;
	v24 =	vadd.s32 v19, v27;
	v31 =	vadd.s32 v33, v22;
	v22, _, _ =	vpop (xrf0)  }
0x78: {  	v41 =	vld [tilespmem:s3+$0x10];
	v27 =	vadd.s32 v33, v26;
	v19 =	vadd.s32 v21, v34;
	v26 =	vadd.s32 v31, v12;
	v21, _, _ =	vpop (xrf0)  }
0x79: {  	v38 =	vld [tilespmem:s3+$0xFFFFFFF0];
	v33 =	vadd.s32 v31, v30;
	v31 =	vadd.s32 v20, v21;
	v21 =	vimm.s32 $0x0  }
0x7a: {  	v36 =	vld [tilespmem:s3+$0x30];
	v21 =	vsel vm8, $0xFFFFFFFF, v21  }
0x7b: {  	vm13 =	vmmov vm1;
	v12 =	vsub.s32 v23, v0;
	v23 =	vld [tilespmem:s3+$0x0];
	v30 =	vmpcnt.ones.xlane vm10;
	[tilespmem:$0x1FFE0] =	vst v21  }
0x7c: {  	v45 =	vmpcnt.ones.xlane vm1;
	vm12 =	vmmov vm3;
	vm11 =	vmmov vm0;
	v43 =	vld [tilespmem:s0+$0xFFFFFFF0]  }
0x7d: {  	vm9 =	vmmov vm10;
	vm4 =	vmmov vm4;
	v44 =	vadd.s32 v26, v30;
	v20, _, _ =	vpop (xrf0);
	v42 =	vld [tilespmem:s3+$0x20]  }
0x7e: {  	vm8 =	vmmov vm7;
	v21 =	vadd.s32 v28, v20;
	v28, _, _ =	vpop (xrf0);
	v20 =	vsub.s32 v39, v0;
	v34 =	vld [tilespmem:s3+$0xFFFFFFE0]  }
0x7f: {  	vm7 =	vmmov vm5;
	v30, _, _ =	vpop (xrf0);
	vm14 =	vlt.u32 v20, v1;
	v39 =	vadd.s32 v44, v28;
	[tilespmem:v24+s14+$0x0] =	vst.idx.msk vm2, v38;
	v38 =	vld [tilespmem:s0+$0x20]  }
0x80: {  	s7 =	simm.s32 $0x16840;
	s11 =	simm.s32 $0x80;
	v28 =	vadd.s32 v44, v45;
	[tilespmem:v33+s14+$0x0] =	vst.idx.msk vm0, v41;
	vm2 =	vmmov vm6;
	v41 =	vld [tilespmem:s0+$0xFFFFFFD0];
	v30 =	vadd.s32 v26, v30  }
0x81: {  	s12 =	simm.s32 $0x15940;
	s10 =	simm.s32 $0x16840;
	[tilespmem:v27+s14+$0x0] =	vst.idx.msk vm3, v23;
	s0 =	smov.u32 s24;
	v40 =	vsel vm14, $0x1, v5;
	vm3 =	vmmov vm14;
	v23 =	vmovc v39;
	v26 =	vsub.s32 v43, v0;
	v43 =	vld [tilespmem:s7+$0x10]  }
.LBB2_5:
0x82: {  	_ =	sdelay $0x1  }
0x83: {  	vm15 =	vlt.u32 v26, v1  }
0x84: {  	(xrf0) =	vadd.scan.msk.s32 $0xffff, v40;
	[tilespmem:v31+s14+$0x0] =	vst.idx.msk vm8, v32;
	v55 =	vld [tilespmem:s10+$0x0];
	v54 =	vsel vm15, $0x1, v5  }
0x85: {  	v56 =	vld [tilespmem:s10+$0xFFFFFFC0];
	(xrf0) =	vadd.scan.msk.s32 $0xffff, v54;
	v35 =	vsub.s32 v35, v0  }
0x86: {  	v40 =	vsub.s32 v41, v0;
	vm6 =	vlt.u32 v35, v1  }
0x87: {  	[tilespmem:v21+s14+$0x0] =	vst.idx.msk vm5, v29;
	v46 =	vsub.s32 v37, v0;
	vm5 =	vlt.u32 v40, v1;
	v29 =	vmpcnt.ones.xlane vm6  }
0x88: {  	vm14 =	vlt.u32 v46, v1;
	v49 =	vmpcnt.ones.xlane vm5  }
0x89: {  	v44 =	vld [tilespmem:s12+$0x0];
	v50 =	vmpcnt.ones.xlane vm14;
	[tilespmem:v27+s15+$0x0] =	vst.idx.msk vm12, v55;
	v48 =	vadd.s32 v28, v29  }
0x8a: {  	s3 =	sadd.s32 $0x80, s3;
	v63 =	vmpcnt.ones.xlane vm15;
	v51, _, _ =	vpop (xrf0);
	[tilespmem:v31+s15+$0x0] =	vst.idx.msk vm8, v56;
	v62 =	vadd.s32 v48, v49  }
0x8b: {  	v32 =	vld [tilespmem:s3+$0xFFFFFFC0];
	[tilespmem:v31+s16+$0x0] =	vst.idx.msk vm8, v18;
	v52, _, _ =	vpop (xrf0);
	v31 =	vadd.s32 v62, v50  }
0x8c: {  	[tilespmem:v27+s16+$0x0] =	vst.idx.msk vm12, v16;
	v52 =	vadd.s32 v31, v52;
	v16 =	vadd.s32 v31, v63;
	v31 =	vld [tilespmem:$0x1FFE0]  }
0x8d: {  	vm0 =	vmmov vm1  }
0x8e: {  	v53 =	vimm.s32 $0x0;
	v47 =	vsel vm14, $0x1, v5;
	[tilespmem:v33+s15+$0x0] =	vst.idx.msk vm11, v43;
	v43 =	vsub.s32 v44, v0  }
0x8f: {  	[tilespmem:v30+s14+$0x0] =	vst.idx.msk vm10, v42;
	v42 =	vsel vm0, $0xFFFFFFFF, v53;
	(xrf0) =	vadd.scan.msk.s32 $0xffff, v47;
	vm0 =	vlt.u32 v43, v1  }
0x90: {  	v47 =	vld [tilespmem:s10+$0x20];
	v60 =	vsel vm0, $0x1, v5  }
0x91: {  	[tilespmem:$0x1FFD0] =	vst v42;
	v42 =	vld [tilespmem:s10+$0xFFFFFFD0];
	v58 =	vsel vm6, $0x1, v5;
	(xrf0) =	vadd.scan.msk.s32 $0xffff, v60;
	vm8 =	vnez.u8 v31  }
0x92: {  	v45 =	vmpcnt.ones.xlane vm2;
	v59 =	vld [tilespmem:s10+$0xFFFFFFF0];
	[tilespmem:v33+s16+$0x0] =	vst.idx.msk vm11, v25;
	v25 =	vsel vm5, $0x1, v5;
	(xrf0) =	vadd.scan.msk.s32 $0xffff, v58  }
0x93: {  	vm1 =	vlt.u32 v12, v1;
	[tilespmem:v39+s14+$0x0] =	vst.idx.msk vm13, v36;
	v38 =	vsub.s32 v38, v0;
	(xrf0) =	vadd.scan.msk.s32 $0xffff, v25  }
0x94: {  	v61 =	vmpcnt.ones.xlane vm3;
	v57 =	vsel vm1, $0x1, v5;
	[tilespmem:v19+s14+$0x0] =	vst.idx.msk vm4, v34;
	vm10 =	vlt.u32 v38, v1  }
0x95: {  	v39 =	vld [tilespmem:s12+$0x30];
	v25 =	vsel vm10, $0x1, v5;
	[tilespmem:v30+s15+$0x0] =	vst.idx.msk vm9, v47;
	v27 =	vadd.s32 v16, v22;
	v22, _, _ =	vpop (xrf0);
	(xrf0) =	vadd.scan.msk.s32 $0xffff, v57  }
0x96: {  	v29 =	vld [tilespmem:s3+$0xFFFFFFD0];
	[tilespmem:v21+s15+$0x0] =	vst.idx.msk vm7, v42;
	v56 =	vadd.s32 v16, v45  }
0x97: {  	v53 =	vld [tilespmem:s3+$0xFFFFFFF0];
	v57 =	vadd.s32 v62, v22;
	v58 =	vadd.s32 v56, v61;
	(xrf0) =	vadd.scan.msk.s32 $0xffff, v25;
	v22, _, _ =	vpop (xrf0);
	[tilespmem:v24+s15+$0x0] =	vst.idx.msk vm8, v59  }
0x98: {  	v25 =	vmov v20;
	v20 =	vmpcnt.ones.xlane vm10;
	[tilespmem:v24+s16+$0x0] =	vst.idx.msk vm8, v17;
	v17, _, _ =	vpop (xrf0);
	vm8 =	vmmov vm15  }
0x99: {  	[tilespmem:v30+s16+$0x0] =	vst.idx.msk vm9, v15;
	v31 =	vadd.s32 v28, v17;
	v28, _, _ =	vpop (xrf0);
	v17 =	vmov v26;
	v26 =	vimm.s32 $0x0  }
0x9a: {  	v36 =	vld [tilespmem:s3+$0x30];
	[tilespmem:v21+s16+$0x0] =	vst.idx.msk vm7, v14;
	v26 =	vsel vm8, $0xFFFFFFFF, v26;
	v21 =	vadd.s32 v48, v28;
	v28 =	vmpcnt.ones.xlane vm1  }
0x9b: {  	v61 =	vld [tilespmem:s3+$0x0];
	v30, _, _ =	vpop (xrf0);
	[tilespmem:$0x1FFE0] =	vst v26;
	v26 =	vadd.s32 v58, v20  }
0x9c: {  	v60 =	vsub.s32 v39, v0;
	v39 =	vadd.s32 v26, v30;
	v28 =	vadd.s32 v26, v28;
	v26 =	vld [tilespmem:$0x1FFD0]  }
0x9d: {  	v34 =	vld [tilespmem:s10+$0xFFFFFFE0]  }
0x9e: {  	v37 =	vld [tilespmem:s12+$0xFFFFFFE0]  }
0x9f: {  	v18 =	vmov v35;
	v35 =	vld [tilespmem:s12+$0xFFFFFFC0]  }
0xa0: {  	vm12 =	vmmov vm2;
	v59 =	vld [tilespmem:s12+$0x10]  }
0xa1: {  	v50 =	vld [tilespmem:s3+$0x10];
	v33 =	vadd.s32 v56, v51;
	[tilespmem:v27+s14+$0x0] =	vst.idx.msk vm2, v61;
	vm2 =	vmmov vm0;
	vm0 =	vnez.u8 v26  }
0xa2: {  	s11 =	sadd.s32 $0x80, s11;
	v62 =	vld [tilespmem:s10+$0x30];
	[tilespmem:v52+s14+$0x0] =	vst.idx.msk vm15, v53  }
0xa3: {  	p1 =	slt.u32 s11, $0xF00;
	vm13 =	vmmov vm1;
	[tilespmem:v19+s15+$0x0] =	vst.idx.msk vm4, v34;
	v63 =	vld [tilespmem:s12+$0xFFFFFFF0]  }
.Ltmp3:
0xa4: {  	vm11 =	vmmov vm3;
	v15 =	vmovc v38;
	v14 =	vmovc v40;
	[tilespmem:v19+s16+$0x0] =	vst.idx.msk vm4, v13;
	v13 =	vmov v46;
	vm4 =	vmmov vm14;
	v42 =	vld [tilespmem:s3+$0x20];
	(pc) =	sbr.rel @p1 .LBB2_5-.Ltmp3, $4  }
0xa5: {  	vm7 =	vmmov vm5;
	vm9 =	vmmov vm10;
	v34 =	vld [tilespmem:s3+$0xFFFFFFE0];
	v16 =	vmovc v10;
	v10 =	vmovc v43;
	v20 =	vsub.s32 v59, v0  }
0xa6: {  	v38 =	vld [tilespmem:s12+$0x20];
	v19 =	vmov v57;
	[tilespmem:v33+s14+$0x0] =	vst.idx.msk vm3, v50;
	vm8 =	vmmov vm6;
	v30, _, _ =	vpop (xrf0);
	vm6 =	vlt.u32 v20, v1  }
0xa7: {  	s7 =	sadd.s32 $0x80, s7;
	v41 =	vld [tilespmem:s12+$0xFFFFFFD0];
	v24 =	vmovc v52;
	v30 =	vadd.s32 v58, v30;
	v40 =	vsel vm6, $0x1, v5;
	vm3 =	vmmov vm6;
	[tilespmem:v23+s15+$0x0] =	vst.idx.msk vm0, v62  }
0xa8: {  	s10 =	smov.u32 s7;
	v43 =	vld [tilespmem:s7+$0x10];
	s12 =	sadd.s32 $0x80, s12;
	v26 =	vsub.s32 v63, v0;
	[tilespmem:v23+s16+$0x0] =	vst.idx.msk vm0, v11;
	v11 =	vmovc v12;
	v12 =	vmov v60;
	v23 =	vmov v39  }
0xa9: {  	_ =	sdelay $0x4  }
0xaa: {  	[tilespmem:v30+s14+$0x0] =	vst.idx.msk vm10, v42  }
0xab: {  	v61 =	vld [tilespmem:s10+$0x0];
	[tilespmem:v31+s14+$0x0] =	vst.idx.msk vm8, v32  }
0xac: {  	[tilespmem:v21+s14+$0x0] =	vst.idx.msk vm5, v29  }
0xad: {  	(xrf0) =	vadd.scan.msk.s32 $0xffff, v40;
	[tilespmem:v39+s14+$0x0] =	vst.idx.msk vm13, v36;
	v63 =	vld [tilespmem:s10+$0xFFFFFFC0]  }
0xae: {  	vm0 =	vlt.u32 v26, v1;
	v29 =	vsub.s32 v37, v0;
	[tilespmem:v19+s14+$0x0] =	vst.idx.msk vm4, v34  }
0xaf: {  	v35 =	vsub.s32 v35, v0;
	vm15 =	vmmov vm1;
	v62 =	vsel vm0, $0x1, v5;
	[tilespmem:v33+s15+$0x0] =	vst.idx.msk vm11, v43  }
0xb0: {  	vm13 =	vlt.u32 v35, v1;
	vm6 =	vlt.u32 v29, v1;
	(xrf0) =	vadd.scan.msk.s32 $0xffff, v62;
	[tilespmem:v27+s15+$0x0] =	vst.idx.msk vm12, v61  }
0xb1: {  	v52 =	vld [tilespmem:s10+$0x20];
	v45 =	vmpcnt.ones.xlane vm13;
	v50 =	vsel vm6, $0x1, v5;
	v32 =	vsub.s32 v41, v0;
	[tilespmem:v33+s16+$0x0] =	vst.idx.msk vm11, v25  }
0xb2: {  	v57 =	vld [tilespmem:s10+$0xFFFFFFD0];
	v47 =	vsel vm13, $0x1, v5;
	(xrf0) =	vadd.scan.msk.s32 $0xffff, v50;
	vm5 =	vlt.u32 v32, v1;
	[tilespmem:v31+s15+$0x0] =	vst.idx.msk vm8, v63  }
0xb3: {  	v50 =	vld [tilespmem:s10+$0x30];
	v49 =	vmpcnt.ones.xlane vm5;
	v53, _, _ =	vpop (xrf0);
	(xrf0) =	vadd.scan.msk.s32 $0xffff, v47;
	[tilespmem:v27+s16+$0x0] =	vst.idx.msk vm12, v16  }
0xb4: {  	v51 =	vmpcnt.ones.xlane vm6;
	v33 =	vadd.s32 v28, v45;
	[tilespmem:v31+s16+$0x0] =	vst.idx.msk vm8, v18  }
0xb5: {  	v58 =	vmpcnt.ones.xlane vm0;
	v42 =	vadd.s32 v33, v49;
	v60 =	vld [tilespmem:$0x1FFE0]  }
0xb6: {  	vm10 =	vlt.u32 v12, v1;
	v61 =	vmpcnt.ones.xlane vm2;
	v36 =	vadd.s32 v42, v51;
	[tilespmem:v30+s15+$0x0] =	vst.idx.msk vm9, v52  }
0xb7: {  	v46 =	vsel vm10, $0x1, v5;
	v63 =	vld [tilespmem:s10+$0xFFFFFFE0];
	v55, _, _ =	vpop (xrf0);
	[tilespmem:v21+s15+$0x0] =	vst.idx.msk vm7, v57;
	v62 =	vadd.s32 v36, v58  }
0xb8: {  	s3 =	sadd.s32 $0x80, s3;
	v38 =	vsub.s32 v38, v0;
	v54 =	vsel vm5, $0x1, v5;
	[tilespmem:v23+s15+$0x0] =	vst.idx.msk vm15, v50;
	v41, _, _ =	vpop (xrf0);
	v31 =	vadd.s32 v62, v61  }
0xb9: {  	v43 =	vld [tilespmem:s3+$0x10];
	vm8 =	vlt.u32 v38, v1;
	(xrf0) =	vadd.scan.msk.s32 $0xffff, v54;
	[tilespmem:v30+s16+$0x0] =	vst.idx.msk vm9, v15;
	v44 =	vadd.s32 v31, v53;
	v45, _, _ =	vpop (xrf0)  }
0xba: {  	v54 =	vld [tilespmem:s3+$0xFFFFFFC0];
	v16 =	vadd.s32 v36, v55;
	[tilespmem:v21+s16+$0x0] =	vst.idx.msk vm7, v14;
	vm14 =	vnez.u8 v60;
	v55 =	vadd.s32 v28, v45  }
0xbb: {  	v48 =	vld [tilespmem:s10+$0xFFFFFFF0];
	v59 =	vsel vm8, $0x1, v5;
	(xrf0) =	vadd.scan.msk.s32 $0xffff, v46;
	[tilespmem:v23+s16+$0x0] =	vst.idx.msk vm15, v11  }
0xbc: {  	(xrf0) =	vadd.scan.msk.s32 $0xffff, v59;
	[tilespmem:v19+s15+$0x0] =	vst.idx.msk vm4, v63  }
0xbd: {  	v56 =	vld [tilespmem:s3+$0xFFFFFFF0];
	[tilespmem:v19+s16+$0x0] =	vst.idx.msk vm4, v13  }
0xbe: {  	s7 =	sadd.s32 $0x80, s7;
	vm11 =	vmmov vm3;
	v61 =	vld [tilespmem:s3+$0xFFFFFFE0];
	v60 =	vadd.s32 v42, v41;
	[tilespmem:v44+s14+$0x0] =	vst.idx.msk vm3, v43  }
0xbf: {  	v59 =	vld [tilespmem:s7+$0x10];
	[tilespmem:v55+s14+$0x0] =	vst.idx.msk vm13, v54  }
0xc0: {  	v46 =	vmpcnt.ones.xlane vm3;
	[tilespmem:v24+s15+$0x0] =	vst.idx.msk vm14, v48;
	v48, _, _ =	vpop (xrf0)  }
0xc1: {  	v47 =	vld [tilespmem:s3+$0x0];
	[tilespmem:v24+s16+$0x0] =	vst.idx.msk vm14, v17;
	v17 =	vadd.s32 v62, v22;
	v49, _, _ =	vpop (xrf0)  }
0xc2: {  	v52 =	vmpcnt.ones.xlane vm8;
	v18 =	vadd.s32 v31, v46;
	[tilespmem:v16+s14+$0x0] =	vst.idx.msk vm0, v56;
	v13 =	vld [tilespmem:s7+$0xFFFFFFC0];
	v51, _, _ =	vpop (xrf0)  }
0xc3: {  	v53 =	vld [tilespmem:s3+$0x20];
	[tilespmem:v60+s14+$0x0] =	vst.idx.msk vm6, v61;
	v21 =	vadd.s32 v18, v51  }
0xc4: {  	v56 =	vld [tilespmem:s3+$0xFFFFFFD0];
	v57 =	vadd.s32 v33, v48;
	v18 =	vadd.s32 v18, v52;
	[tilespmem:v44+s15+$0x0] =	vst.idx.msk vm11, v59  }
0xc5: {  	v58 =	vld [tilespmem:s3+$0x30];
	v24 =	vadd.s32 v18, v49;
	[tilespmem:v44+s16+$0x0] =	vst.idx.msk vm11, v20  }
0xc6: {  	vm12 =	vmmov vm2;
	[tilespmem:v17+s14+$0x0] =	vst.idx.msk vm2, v47  }
0xc7: {  	[tilespmem:v55+s15+$0x0] =	vst.idx.msk vm13, v13;
	v11 =	vld [tilespmem:s7+$0x0]  }
0xc8: {  	[tilespmem:v21+s14+$0x0] =	vst.idx.msk vm8, v53  }
0xc9: {  	[tilespmem:v57+s14+$0x0] =	vst.idx.msk vm5, v56;
	v62 =	vld [tilespmem:s7+$0x20]  }
0xca: {  	[tilespmem:v24+s14+$0x0] =	vst.idx.msk vm10, v58  }
0xcb: {  	vm0 =	vmmov vm0;
	[tilespmem:v55+s16+$0x0] =	vst.idx.msk vm13, v35;
	v63 =	vld [tilespmem:s7+$0x30]  }
0xcc: {  	[tilespmem:v17+s15+$0x0] =	vst.idx.msk vm12, v11;
	v11 =	vld [tilespmem:s7+$0xFFFFFFF0]  }
0xcd: {  	[tilespmem:v17+s16+$0x0] =	vst.idx.msk vm12, v10  }
0xce: {  	vm5 =	vmmov vm5;
	[tilespmem:v21+s15+$0x0] =	vst.idx.msk vm8, v62  }
0xcf: {  	v10 =	vld [tilespmem:s7+$0xFFFFFFD0];
	[tilespmem:v21+s16+$0x0] =	vst.idx.msk vm8, v38  }
0xd0: {  	[tilespmem:v24+s15+$0x0] =	vst.idx.msk vm10, v63  }
0xd1: {  	[tilespmem:v16+s15+$0x0] =	vst.idx.msk vm0, v11;
	v11 =	vld [tilespmem:s7+$0xFFFFFFE0]  }
0xd2: {  	[tilespmem:v24+s16+$0x0] =	vst.idx.msk vm10, v12  }
0xd3: {  	[tilespmem:v16+s16+$0x0] =	vst.idx.msk vm0, v26  }
0xd4: {  	[tilespmem:v57+s15+$0x0] =	vst.idx.msk vm5, v10  }
0xd5: {  	v10 =	vmpcnt.ones.xlane vm10;
	[tilespmem:v57+s16+$0x0] =	vst.idx.msk vm5, v32  }
0xd6: {  	s8 =	simm.s32 $0xF70;
	vm1 =	vmmov vm13;
	vm7 =	vmmov vm10;
	[tilespmem:v60+s15+$0x0] =	vst.idx.msk vm6, v11  }
0xd7: {  	s10 =	simm.s32 $0x17780;
	vm15 =	vmmov vm8;
	s3 =	simm.s32 $0x15780;
	vm14 =	vmmov vm6;
	s7 =	simm.s32 $0x16780;
	v10 =	vadd.s32 v18, v10;
	[tilespmem:v60+s16+$0x0] =	vst.idx.msk vm6, v29  }
.LBB2_7:
0xd8: {  	v11 =	vld [tilespmem:s7+$0x0];
	_ =	sdelay $0x4  }
0xd9: {  	v11 =	vsub.s32 v11, v0  }
0xda: {  	vm0 =	vlt.u32 v11, v1  }
0xdb: {  	v12 =	vsel vm0, $0x1, v5  }
0xdc: {  	(xrf0) =	vadd.scan.msk.s32 $0xffff, v12;
	_ =	sdelay $0x5  }
0xdd: {  	v12, _, _ =	vpop (xrf0)  }
0xde: {  	v13 =	vld [tilespmem:s3+$0x0];
	v12 =	vadd.s32 v10, v12;
	_ =	sdelay $0x4  }
0xdf: {  	[tilespmem:v12+s14+$0x0] =	vst.idx.msk vm0, v13  }
0xe0: {  	s8 =	sadd.s32 $0x10, s8;
	v13 =	vld [tilespmem:s10+$0x0]  }
0xe1: {  	p1 =	slt.u32 s8, $0xF90  }
.Ltmp4:
0xe2: {  	_ = 	snop;
	(pc) =	sbr.rel @p1 .LBB2_7-.Ltmp4, $4  }
0xe3: {  	_ = 	snop  }
0xe4: {  	v14 =	vmpcnt.ones.xlane vm0  }
0xe5: {  	[tilespmem:v12+s15+$0x0] =	vst.idx.msk vm0, v13  }
0xe6: {  	s3 =	sadd.s32 $0x10, s3;
	s7 =	sadd.s32 $0x10, s7;
	v10 =	vadd.s32 v10, v14;
	s10 =	sadd.s32 $0x10, s10;
	[tilespmem:v12+s16+$0x0] =	vst.idx.msk vm0, v11  }
0xe7: {  	v10 =	vxor.u32 $0x80000000, v10  }
0xe8: {  	(xrf0) =	vmax.scan.msk.u32 $0xffff, v10;
	_ =	sdelay $0x5  }
0xe9: {  	v10, _, _ =	vpop (xrf0)  }
0xea: {  	(v2sf) =	vpush v10, $0xF;
	_ =	sdelay $0xd  }
0xeb: {  	s24 =	sadd.s32 $0x1, s0;
	p1 =	seq.s32 s0, $0x27  }
0xec: {  	s3 =	smul.u32 @!p1 $0x1F4, s24;
	s7 =	spop (v2sf)  }
0xed: {  	s11 =	simm.s32 @!p1 $0x0;
	s10 =	sadd.s32 $0x80000001, s7;
	s0 =	sand.u32 $0xFFFFFFC0, s7  }
0xee: {  	s12 =	simm.s32 @!p1 $0x14800;
	s8 =	sadd.s32 @!p1 s5, s3;
	v10 =	vadd.s32 s10, v2;
	s25 =	sadd.s32 $0x80000040, s0  }
0xef: {  	[tilespmem:s12], [sflag:$0x3] =	stream.linear.gather @!p1 [hbm4b:s8+s11], $0xFA0, $0x38;
	vm0 =	vlt.s32 v10, s25;
	[tilespmem:$0x1E800] =	vst v63  }
0xf0: {  	s29 =	sadd.s32 $0x80000011, s7  }
0xf1: {  	s8 =	simm.s32 @!p1 $0x15800;
	s10 =	sadd.s32 @!p1 s6, s3;
	v11 =	vadd.s32 s29, v2  }
0xf2: {  	[tilespmem:s8], [sflag:$0x3] =	stream.linear.gather @!p1 [hbm4b:s10+s11], $0xFA0, $0x38;
	vm1 =	vlt.s32 v11, s25;
	[tilespmem:$0x1E800] =	vst v63  }
0xf3: {  	s30 =	sadd.s32 $0x80000021, s7;
	s3 =	sadd.s32 @!p1 s2, s3;
	s8 =	simm.s32 @!p1 $0x16800  }
0xf4: {  	v12 =	vadd.s32 s30, v2;
	[tilespmem:s8], [sflag:$0x3] =	stream.linear.gather @!p1 [hbm4b:s3+s11], $0xFA0, $0x38;
	[tilespmem:$0x1E800] =	vst v63  }
0xf5: {  	vm2 =	vlt.s32 v12, s25;
	[tilespmem:v10+s14+$0x0] =	vst.idx.msk vm0, v3  }
0xf6: {  	s31 =	sadd.s32 $0x80000031, s7;
	[tilespmem:v10+s15+$0x0] =	vst.idx.msk vm0, v4  }
0xf7: {  	[tilespmem:v10+s16+$0x0] =	vst.idx.msk vm0, v6;
	v10 =	vadd.s32 s31, v2  }
0xf8: {  	[tilespmem:v11+s14+$0x0] =	vst.idx.msk vm1, v3;
	vm0 =	vlt.s32 v10, s25  }
0xf9: {  	[tilespmem:v11+s15+$0x0] =	vst.idx.msk vm1, v4  }
0xfa: {  	[tilespmem:v11+s16+$0x0] =	vst.idx.msk vm1, v6  }
0xfb: {  	[tilespmem:v12+s14+$0x0] =	vst.idx.msk vm2, v3  }
0xfc: {  	[tilespmem:v12+s15+$0x0] =	vst.idx.msk vm2, v4  }
0xfd: {  	[tilespmem:v12+s16+$0x0] =	vst.idx.msk vm2, v6  }
0xfe: {  	[tilespmem:v10+s14+$0x0] =	vst.idx.msk vm0, v3  }
0xff: {  	[tilespmem:v10+s15+$0x0] =	vst.idx.msk vm0, v4  }
0x100: {  	p1 =	slt.s32 s25, $0x1;
	[tilespmem:v10+s16+$0x0] =	vst.idx.msk vm0, v6  }
0x101: {  	v10 =	vld @!p1 [tilespmem:$0x17800];
	_ =	sdelay $0x4  }
0x102: {  	v11 =	vshll.u32 @!p1 v10, $0x1  }
0x103: {  	v12 =	vlaneseq.u32 @!p1;
	v10 =	vand.u32 @!p1 $0x7, v10;
	v11 =	vand.u32 @!p1 $0xFFFFFFF0, v11  }
0x104: {  	v13 =	vshrl.u32 @!p1 v12, $0x3;
	v10 =	vor.u32 @!p1 v10, v11;
	v11 =	vand.u32 @!p1 $0x7, v12  }
0x105: {  	v13 =	vmul.u32 @!p1 $0x8, v13;
	v14 =	vperm.xlane @!p1 v10, v11  }
0x106: {  	v12 =	vor.u32 @!p1 $0x8, v12  }
0x107: {  	v10 =	vperm.xlane @!p1 v10, v12;
	v14 =	vadd.s32 @!p1 v13, v14;
	_ =	sdelay $0x1  }
0x108: {  	v10 =	vadd.s32 @!p1 v13, v10;
	_ =	sdelay $0x1  }
0x109: {  	s26 =	simm.s32 @!p1 $0x0;
	s3 =	simm.s32 @!p1 $0x1A800;
	vm0 =	vmmov @!p1 $0xffff  }
0x10a: {  	[tilespmem:s3], [sflag:$0x1] =	stream.indirect_vreg.gather @!p1 [hbm4b:s1+s26], $0x80, v14, vm0, $0xb8;
	[tilespmem:$0x1E800] =	vst v63  }
0x10b: {  	s3 =	simm.s32 @!p1 $0x1B000  }
0x10c: {  	[tilespmem:s3], [sflag:$0x1] =	stream.indirect_vreg.gather @!p1 [hbm4b:s1+s26], $0x80, v10, vm0, $0xb8;
	[tilespmem:$0x1E800] =	vst v63  }
0x10d: {  	v10 =	vld @!p1 [tilespmem:$0x17810];
	_ =	sdelay $0x4  }
0x10e: {  	v14 =	vshll.u32 @!p1 v10, $0x1  }
0x10f: {  	v10 =	vand.u32 @!p1 $0x7, v10;
	v14 =	vand.u32 @!p1 $0xFFFFFFF0, v14  }
0x110: {  	v10 =	vor.u32 @!p1 v10, v14  }
0x111: {  	v11 =	vperm.xlane @!p1 v10, v11;
	_ =	sdelay $0x1  }
0x112: {  	v10 =	vperm.xlane @!p1 v10, v12;
	v11 =	vadd.s32 @!p1 v13, v11;
	_ =	sdelay $0x1  }
0x113: {  	v10 =	vadd.s32 @!p1 v13, v10  }
0x114: {  	s0 =	sadd.s32 @!p1 $0x8000007F, s0  }
0x115: {  	p2 =	slt.s32 @!p1 s0, $0x40;
	s3 =	simm.s32 @!p1 $0x1B800  }
0x116: {  	[tilespmem:s3], [sflag:$0x1] =	stream.indirect_vreg.gather @!p1 [hbm4b:s1+s26], $0x80, v11, vm0, $0xb8;
	[tilespmem:$0x1E800] =	vst v63  }
0x117: {  	p2 =	por p1, p2;
	s3 =	simm.s32 @!p1 $0x1C000  }
0x118: {  	[tilespmem:s3], [sflag:$0x1] =	stream.indirect_vreg.gather @!p1 [hbm4b:s1+s26], $0x80, v10, vm0, $0xb8;
	v10 =	vld [tilespmem:$0x1FFF0]  }
.Ltmp5:
0x119: {  	_ = 	snop;
	(pc) =	sbr.rel @p2 .LBB2_15-.Ltmp5, $2  }
0x11a: {  	_ =	sdelay $0x2  }
0x11b: {  	vm1 =	vnez.u8 v10  }
0x11c: {  	s3 =	sshra.s32 @!p1 s0, $0x1F  }
0x11d: {  	s3 =	sshrl.u32 @!p1 s3, $0x1A  }
0x11e: {  	s0 =	sadd.s32 @!p1 s3, s0  }
0x11f: {  	s29 =	smov.u32 s26;
	s28 =	sshra.s32 @!p1 s0, $0x6  }
.LBB2_10:
0x120: {  	s30 =	sshll.u32 s29, $0x6  }
0x121: {  	v10 =	vld [tilespmem:s30+$0x17820];
	_ =	sdelay $0x4  }
0x122: {  	v11 =	vshll.u32 v10, $0x1  }
0x123: {  	v10 =	vand.u32 $0x7, v10;
	v11 =	vand.u32 $0xFFFFFFF0, v11  }
0x124: {  	v10 =	vor.u32 v10, v11  }
0x125: {  	v11 =	vperm.xlane v10, v7;
	_ =	sdelay $0x1  }
0x126: {  	v10 =	vperm.xlane v10, v9;
	v11 =	vadd.s32 v8, v11;
	_ =	sdelay $0x1  }
0x127: {  	v10 =	vadd.s32 v8, v10;
	_ =	sdelay $0x1  }
0x128: {  	s0 =	simm.s32 $0x0  }
0x129: {  	[tilespmem:s17], [sflag:$0x2] =	stream.indirect_vreg.gather [hbm4b:s1+s0], $0x80, v11, vm1, $0xb8;
	[tilespmem:$0x1E800] =	vst v63  }
0x12a: {  	_ = 	snop  }
0x12b: {  	[tilespmem:s18], [sflag:$0x2] =	stream.indirect_vreg.gather [hbm4b:s1+s0], $0x80, v10, vm1, $0xb8;
	[tilespmem:$0x1E800] =	vst v63  }
0x12c: {  	v10 =	vld [tilespmem:s30+$0x17830];
	_ =	sdelay $0x4  }
0x12d: {  	v11 =	vshll.u32 v10, $0x1  }
0x12e: {  	v10 =	vand.u32 $0x7, v10;
	v11 =	vand.u32 $0xFFFFFFF0, v11  }
0x12f: {  	v10 =	vor.u32 v10, v11  }
0x130: {  	v11 =	vperm.xlane v10, v7;
	_ =	sdelay $0x1  }
0x131: {  	v11 =	vadd.s32 v8, v11  }
0x132: {  	v10 =	vperm.xlane v10, v9  }
0x133: {  	s3 =	sadd.s32 $0xFFFFFFFE, s26  }
0x134: {  	s7 =	sadd.s32 $0x2, s3;
	v10 =	vadd.s32 v8, v10  }
0x135: {  	v12 =	vmov s7  }
0x136: {  	[tilespmem:s19], [sflag:$0x2] =	stream.indirect_vreg.gather [hbm4b:s1+s0], $0x80, v11, vm1, $0xb8;
	v11 =	vand.u32 $0xFFFFFFFE, v12;
	[tilespmem:$0x1E800] =	vst v63  }
0x137: {  	v11 =	vbroadcast v11, $0x0  }
0x138: {  	s3 =	sadd.s32 $0x3, s3  }
0x139: {  	[tilespmem:s20], [sflag:$0x2] =	stream.indirect_vreg.gather [hbm4b:s1+s0], $0x80, v10, vm1, $0xb8;
	[tilespmem:$0x1E800] =	vst v63  }
0x13a: {  	v10 =	vmov s3;
	_ =	swait.ge [sflag:s21], $0x2000  }
0x13b: {  	[sflag:s21] =	ssyncset.done $0x0  }
0x13c: {  	[sflag:s21] =	ssyncadd.s32 $0xFFFFE000  }
0x13d: {  	v12 =	vld.idx.msk [tilespmem:v11+s16+$0x0], $0xffff  }
0x13e: {  	s7 =	simm.s32 $0x0;
	s0 =	sand.u32 $0x1800, s0  }
0x13f: {  	s3 =	sand.u32 $0x300, s7;
	s0 =	sadd.s32 $0x1A800, s0;
	v13 =	vld.idx.msk [tilespmem:v10+s16+$0x0], $0xffff  }
0x140: {  	s8 =	simm.s32 $0x80;
	s31 =	sor.u32 s3, s0;
	v25 =	vld.idx.msk [tilespmem:v11+s15+$0x0], $0xffff  }
0x141: {  	s9 =	sand.u32 $0x380, s8;
	v11 =	vld [tilespmem:s31+$0x0]  }
0x142: {  	s0 =	sor.u32 s9, s0;
	v26 =	vld.idx.msk [tilespmem:v10+s15+$0x0], $0xffff;
	v27 =	vshll.u32 v12, $0x8  }
0x143: {  	v10 =	vld [tilespmem:s0+$0x0];
	v12 =	vor.u32 v2, v27  }
0x144: {  	v28 =	vshll.u32 v13, $0x8  }
0x145: {  	v13 =	vor.u32 v2, v28  }
0x146: {  	v11 =	vmul.f32 v11, v25;
	_ =	sdelay $0x1  }
0x147: {  	v14 =	vmul.f32 v10, v26;
	[tilespmem:v12+s4+$0x0] =	vst.idx.add.f32.msk $0xffff, v11  }
0x148: {  	v11 =	vld [tilespmem:s31+$0x10]  }
0x149: {  	v10 =	vor.u32 $0x10, v2;
	[tilespmem:v13+s4+$0x0] =	vst.idx.add.f32.msk $0xffff, v14  }
0x14a: {  	v12 =	vor.u32 v10, v27;
	v13 =	vld [tilespmem:s0+$0x10];
	_ =	sdelay $0x1  }
0x14b: {  	v14 =	vor.u32 v10, v28  }
0x14c: {  	v11 =	vmul.f32 v11, v25;
	_ =	sdelay $0x1  }
0x14d: {  	[tilespmem:v12+s4+$0x0] =	vst.idx.add.f32.msk $0xffff, v11;
	v12 =	vmul.f32 v13, v26  }
0x14e: {  	v13 =	vld [tilespmem:s31+$0x20]  }
0x14f: {  	v11 =	vor.u32 $0x20, v2;
	[tilespmem:v14+s4+$0x0] =	vst.idx.add.f32.msk $0xffff, v12  }
0x150: {  	v12 =	vor.u32 v11, v27;
	v14 =	vld [tilespmem:s0+$0x20];
	_ =	sdelay $0x1  }
0x151: {  	v15 =	vor.u32 v11, v28  }
0x152: {  	v13 =	vmul.f32 v13, v25;
	_ =	sdelay $0x1  }
0x153: {  	[tilespmem:v12+s4+$0x0] =	vst.idx.add.f32.msk $0xffff, v13;
	v13 =	vmul.f32 v14, v26  }
0x154: {  	v14 =	vld [tilespmem:s31+$0x30]  }
0x155: {  	v12 =	vor.u32 $0x30, v2;
	[tilespmem:v15+s4+$0x0] =	vst.idx.add.f32.msk $0xffff, v13  }
0x156: {  	v13 =	vor.u32 v12, v27;
	v15 =	vld [tilespmem:s0+$0x30];
	_ =	sdelay $0x1  }
0x157: {  	v16 =	vor.u32 v12, v28  }
0x158: {  	v14 =	vmul.f32 v14, v25;
	_ =	sdelay $0x1  }
0x159: {  	[tilespmem:v13+s4+$0x0] =	vst.idx.add.f32.msk $0xffff, v14;
	v14 =	vmul.f32 v15, v26  }
0x15a: {  	v15 =	vld [tilespmem:s31+$0x40]  }
0x15b: {  	v13 =	vor.u32 $0x40, v2;
	[tilespmem:v16+s4+$0x0] =	vst.idx.add.f32.msk $0xffff, v14  }
0x15c: {  	v14 =	vor.u32 v13, v27;
	v16 =	vld [tilespmem:s0+$0x40];
	_ =	sdelay $0x1  }
0x15d: {  	v17 =	vor.u32 v13, v28  }
0x15e: {  	v15 =	vmul.f32 v15, v25;
	_ =	sdelay $0x1  }
0x15f: {  	[tilespmem:v14+s4+$0x0] =	vst.idx.add.f32.msk $0xffff, v15;
	v15 =	vmul.f32 v16, v26  }
0x160: {  	v16 =	vld [tilespmem:s31+$0x50]  }
0x161: {  	v14 =	vor.u32 $0x50, v2;
	[tilespmem:v17+s4+$0x0] =	vst.idx.add.f32.msk $0xffff, v15  }
0x162: {  	v15 =	vor.u32 v14, v27;
	v17 =	vld [tilespmem:s0+$0x50];
	_ =	sdelay $0x1  }
0x163: {  	v18 =	vor.u32 v14, v28  }
0x164: {  	v16 =	vmul.f32 v16, v25;
	_ =	sdelay $0x1  }
0x165: {  	[tilespmem:v15+s4+$0x0] =	vst.idx.add.f32.msk $0xffff, v16;
	v16 =	vmul.f32 v17, v26  }
0x166: {  	v17 =	vld [tilespmem:s31+$0x60]  }
0x167: {  	v15 =	vor.u32 $0x60, v2;
	[tilespmem:v18+s4+$0x0] =	vst.idx.add.f32.msk $0xffff, v16  }
0x168: {  	v16 =	vor.u32 v15, v27;
	v18 =	vld [tilespmem:s0+$0x60]  }
0x169: {  	s10 =	sadd.s32 $0x0, s26  }
0x16a: {  	s11 =	sadd.s32 $0x2, s10;
	v19 =	vor.u32 v15, v28  }
0x16b: {  	v20 =	vmov s11;
	v17 =	vmul.f32 v17, v25  }
0x16c: {  	v20 =	vand.u32 $0xFFFFFFFE, v20  }
0x16d: {  	v20 =	vbroadcast v20, $0x0;
	[tilespmem:v16+s4+$0x0] =	vst.idx.add.f32.msk $0xffff, v17;
	v17 =	vmul.f32 v18, v26  }
0x16e: {  	s3 =	sadd.s32 $0x3, s10;
	v21 =	vld [tilespmem:s31+$0x70]  }
0x16f: {  	v18 =	vmov s3;
	v16 =	vor.u32 $0x70, v2;
	[tilespmem:v19+s4+$0x0] =	vst.idx.add.f32.msk $0xffff, v17  }
0x170: {  	v17 =	vor.u32 v16, v27;
	v19 =	vld [tilespmem:s0+$0x70];
	_ =	sdelay $0x1  }
0x171: {  	v22 =	vor.u32 v16, v28  }
0x172: {  	v24 =	vld.idx.msk [tilespmem:v20+s16+$0x0], $0xffff;
	v21 =	vmul.f32 v21, v25  }
0x173: {  	v23 =	vld.idx.msk [tilespmem:v18+s16+$0x0], $0xffff  }
0x174: {  	[tilespmem:v17+s4+$0x0] =	vst.idx.add.f32.msk $0xffff, v21;
	v19 =	vmul.f32 v19, v26  }
0x175: {  	s10 =	simm.s32 $0x200;
	v21 =	vld [tilespmem:s31+$0x400]  }
0x176: {  	s8 =	simm.s32 $0x100;
	s12 =	sand.u32 $0x1800, s10;
	v17 =	vor.u32 $0x80, v2;
	[tilespmem:v22+s4+$0x0] =	vst.idx.add.f32.msk $0xffff, v19  }
0x177: {  	s7 =	sand.u32 $0x300, s8;
	s3 =	sadd.s32 $0x1A800, s12;
	v19 =	vor.u32 v17, v27;
	v22 =	vld [tilespmem:s0+$0x400]  }
0x178: {  	v30 =	vld.idx.msk [tilespmem:v20+s15+$0x0], $0xffff;
	s12 =	simm.s32 $0x180;
	s11 =	sor.u32 s7, s3  }
0x179: {  	s9 =	sand.u32 $0x380, s12;
	v33 =	vld [tilespmem:s11+$0x0];
	v20 =	vor.u32 v17, v28  }
0x17a: {  	v32 =	vshll.u32 v24, $0x8;
	s3 =	sor.u32 s9, s3;
	v29 =	vld.idx.msk [tilespmem:v18+s15+$0x0], $0xffff;
	v18 =	vmul.f32 v21, v25  }
0x17b: {  	v24 =	vor.u32 v2, v32;
	v21 =	vld [tilespmem:s3+$0x0]  }
0x17c: {  	v31 =	vshll.u32 v23, $0x8;
	[tilespmem:v19+s4+$0x0] =	vst.idx.add.f32.msk $0xffff, v18;
	v19 =	vmul.f32 v22, v26  }
0x17d: {  	v22 =	vor.u32 v2, v31;
	v23 =	vld [tilespmem:s31+$0x410]  }
0x17e: {  	v33 =	vmul.f32 v33, v30;
	v18 =	vor.u32 $0x90, v2;
	[tilespmem:v20+s4+$0x0] =	vst.idx.add.f32.msk $0xffff, v19  }
0x17f: {  	v19 =	vor.u32 v18, v27;
	v20 =	vld [tilespmem:s0+$0x410]  }
0x180: {  	[tilespmem:v24+s4+$0x0] =	vst.idx.add.f32.msk $0xffff, v33;
	v21 =	vmul.f32 v21, v29  }
0x181: {  	v33 =	vld [tilespmem:s11+$0x10];
	v24 =	vor.u32 v18, v28  }
0x182: {  	[tilespmem:v22+s4+$0x0] =	vst.idx.add.f32.msk $0xffff, v21;
	v21 =	vmul.f32 v23, v25  }
0x183: {  	v22 =	vor.u32 v10, v32;
	v23 =	vld [tilespmem:s3+$0x10]  }
0x184: {  	[tilespmem:v19+s4+$0x0] =	vst.idx.add.f32.msk $0xffff, v21;
	v20 =	vmul.f32 v20, v26  }
0x185: {  	v21 =	vor.u32 v10, v31;
	v34 =	vld [tilespmem:s31+$0x420]  }
0x186: {  	v33 =	vmul.f32 v33, v30;
	v19 =	vor.u32 $0xA0, v2;
	[tilespmem:v24+s4+$0x0] =	vst.idx.add.f32.msk $0xffff, v20  }
0x187: {  	v20 =	vor.u32 v19, v27;
	v24 =	vld [tilespmem:s0+$0x420]  }
0x188: {  	[tilespmem:v22+s4+$0x0] =	vst.idx.add.f32.msk $0xffff, v33;
	v22 =	vmul.f32 v23, v29  }
0x189: {  	v23 =	vor.u32 v19, v28;
	v33 =	vld [tilespmem:s11+$0x20]  }
0x18a: {  	[tilespmem:v21+s4+$0x0] =	vst.idx.add.f32.msk $0xffff, v22;
	v21 =	vmul.f32 v34, v25  }
0x18b: {  	v22 =	vor.u32 v11, v32;
	v49 =	vld [tilespmem:s3+$0x20]  }
0x18c: {  	[tilespmem:v20+s4+$0x0] =	vst.idx.add.f32.msk $0xffff, v21;
	v21 =	vmul.f32 v24, v26  }
0x18d: {  	v24 =	vor.u32 v11, v31;
	v35 =	vld [tilespmem:s31+$0x430]  }
0x18e: {  	v33 =	vmul.f32 v33, v30;
	v20 =	vor.u32 $0xB0, v2;
	[tilespmem:v23+s4+$0x0] =	vst.idx.add.f32.msk $0xffff, v21  }
0x18f: {  	v21 =	vor.u32 v20, v27;
	v23 =	vld [tilespmem:s0+$0x430]  }
0x190: {  	[tilespmem:v22+s4+$0x0] =	vst.idx.add.f32.msk $0xffff, v33;
	v22 =	vmul.f32 v49, v29  }
0x191: {  	v50 =	vor.u32 v20, v28;
	v51 =	vld [tilespmem:s11+$0x30]  }
0x192: {  	[tilespmem:v24+s4+$0x0] =	vst.idx.add.f32.msk $0xffff, v22;
	v22 =	vmul.f32 v35, v25  }
0x193: {  	v24 =	vor.u32 v12, v32;
	v52 =	vld [tilespmem:s3+$0x30]  }
0x194: {  	[tilespmem:v21+s4+$0x0] =	vst.idx.add.f32.msk $0xffff, v22;
	v22 =	vmul.f32 v23, v26  }
0x195: {  	v23 =	vor.u32 v12, v31;
	v36 =	vld [tilespmem:s31+$0x440]  }
0x196: {  	v34 =	vmul.f32 v51, v30;
	v21 =	vor.u32 $0xC0, v2;
	[tilespmem:v50+s4+$0x0] =	vst.idx.add.f32.msk $0xffff, v22  }
0x197: {  	v22 =	vor.u32 v21, v27;
	v33 =	vld [tilespmem:s0+$0x440]  }
0x198: {  	[tilespmem:v24+s4+$0x0] =	vst.idx.add.f32.msk $0xffff, v34;
	v24 =	vmul.f32 v52, v29  }
0x199: {  	v53 =	vor.u32 v21, v28;
	v54 =	vld [tilespmem:s11+$0x40]  }
0x19a: {  	[tilespmem:v23+s4+$0x0] =	vst.idx.add.f32.msk $0xffff, v24;
	v23 =	vmul.f32 v36, v25  }
0x19b: {  	v24 =	vor.u32 v13, v32;
	v55 =	vld [tilespmem:s3+$0x40]  }
0x19c: {  	[tilespmem:v22+s4+$0x0] =	vst.idx.add.f32.msk $0xffff, v23;
	v23 =	vmul.f32 v33, v26  }
0x19d: {  	v56 =	vor.u32 v13, v31;
	v37 =	vld [tilespmem:s31+$0x450]  }
0x19e: {  	v35 =	vmul.f32 v54, v30;
	v22 =	vor.u32 $0xD0, v2;
	[tilespmem:v53+s4+$0x0] =	vst.idx.add.f32.msk $0xffff, v23  }
0x19f: {  	v23 =	vor.u32 v22, v27;
	v34 =	vld [tilespmem:s0+$0x450]  }
0x1a0: {  	[tilespmem:v24+s4+$0x0] =	vst.idx.add.f32.msk $0xffff, v35;
	v24 =	vmul.f32 v55, v29  }
0x1a1: {  	v57 =	vor.u32 v22, v28;
	v58 =	vld [tilespmem:s11+$0x50]  }
0x1a2: {  	[tilespmem:v56+s4+$0x0] =	vst.idx.add.f32.msk $0xffff, v24;
	v24 =	vmul.f32 v37, v25  }
0x1a3: {  	v59 =	vor.u32 v14, v32;
	v60 =	vld [tilespmem:s3+$0x50]  }
0x1a4: {  	[tilespmem:v23+s4+$0x0] =	vst.idx.add.f32.msk $0xffff, v24;
	v24 =	vmul.f32 v34, v26  }
0x1a5: {  	v61 =	vor.u32 v14, v31;
	v39 =	vld [tilespmem:s31+$0x460]  }
0x1a6: {  	v36 =	vmul.f32 v58, v30;
	v23 =	vor.u32 $0xE0, v2;
	[tilespmem:v57+s4+$0x0] =	vst.idx.add.f32.msk $0xffff, v24  }
0x1a7: {  	v24 =	vor.u32 v23, v27;
	v40 =	vld [tilespmem:s0+$0x460]  }
0x1a8: {  	[tilespmem:v59+s4+$0x0] =	vst.idx.add.f32.msk $0xffff, v36;
	v62 =	vmul.f32 v60, v29  }
0x1a9: {  	v33 =	vor.u32 v23, v28;
	v38 =	vld [tilespmem:s11+$0x60]  }
0x1aa: {  	[tilespmem:v61+s4+$0x0] =	vst.idx.add.f32.msk $0xffff, v62;
	v63 =	vmul.f32 v39, v25  }
0x1ab: {  	v36 =	vor.u32 v15, v32;
	v37 =	vld [tilespmem:s3+$0x60]  }
0x1ac: {  	s7 =	simm.s32 $0x2;
	v35 =	vor.u32 v15, v31;
	[tilespmem:v24+s4+$0x0] =	vst.idx.add.f32.msk $0xffff, v63;
	v34 =	vmul.f32 v40, v26  }
.LBB2_11:
0x1ad: {  	s8 =	sadd.s32 s7, s26;
	v39 =	vld [tilespmem:s31+$0x470];
	s31 =	smov.u32 s11  }
0x1ae: {  	s7 =	sadd.s32 $0x2, s7;
	v24 =	vor.u32 $0xF0, v2;
	s11 =	sadd.s32 $0x2, s8;
	s8 =	sadd.s32 $0x3, s8;
	v38 =	vmul.f32 v38, v30;
	[tilespmem:v33+s4+$0x0] =	vst.idx.add.f32.msk $0xffff, v34  }
0x1af: {  	p1 =	slt.u32 s7, $0x1E;
	v40 =	vor.u32 v24, v27;
	v27 =	vmovc v32;
	v33 =	vmov s11;
	v34 =	vmov s8;
	v41 =	vld [tilespmem:s0+$0x470];
	s0 =	smov.u32 s3  }
0x1b0: {  	v32 =	vand.u32 $0xFFFFFFFE, v33;
	[tilespmem:v36+s4+$0x0] =	vst.idx.add.f32.msk $0xffff, v38;
	v33 =	vmul.f32 v37, v29;
	v36 =	vor.u32 v24, v28  }
0x1b1: {  	v28 =	vmov v31;
	v32 =	vbroadcast v32, $0x0;
	v37 =	vld [tilespmem:s31+$0x70]  }
0x1b2: {  	[tilespmem:v35+s4+$0x0] =	vst.idx.add.f32.msk $0xffff, v33;
	v31 =	vmul.f32 v39, v25;
	v25 =	vmov v30  }
0x1b3: {  	v30 =	vor.u32 v16, v27;
	v35 =	vor.u32 v16, v28;
	v33 =	vld [tilespmem:s0+$0x70]  }
0x1b4: {  	[tilespmem:v40+s4+$0x0] =	vst.idx.add.f32.msk $0xffff, v31;
	v38 =	vmul.f32 v41, v26;
	v26 =	vmov v29  }
0x1b5: {  	v31 =	vld.idx.msk [tilespmem:v34+s16+$0x0], $0xffff  }
0x1b6: {  	v29 =	vld.idx.msk [tilespmem:v34+s15+$0x0], $0xffff;
	v34 =	vmul.f32 v37, v25  }
0x1b7: {  	v37 =	vld.idx.msk [tilespmem:v32+s16+$0x0], $0xffff  }
0x1b8: {  	[tilespmem:v30+s4+$0x0] =	vst.idx.add.f32.msk $0xffff, v34;
	v30 =	vmul.f32 v33, v26  }
0x1b9: {  	s12 =	sadd.s32 $0x100, s12;
	s10 =	sadd.s32 $0x200, s10;
	v33 =	vld [tilespmem:s31+$0x400]  }
0x1ba: {  	s9 =	sand.u32 $0x380, s12;
	s3 =	sand.u32 $0x1800, s10;
	s8 =	sadd.s32 $0xFFFFFF80, s12;
	[tilespmem:v35+s4+$0x0] =	vst.idx.add.f32.msk $0xffff, v30  }
0x1bb: {  	s8 =	sand.u32 $0x300, s8;
	s3 =	sadd.s32 $0x1A800, s3;
	v39 =	vor.u32 v17, v28;
	v34 =	vor.u32 v17, v27;
	v31 =	vshll.u32 v31, $0x8;
	v35 =	vld [tilespmem:s0+$0x400]  }
0x1bc: {  	s11 =	sor.u32 s8, s3;
	s3 =	sor.u32 s9, s3;
	v40 =	vor.u32 v2, v31;
	v30 =	vld.idx.msk [tilespmem:v32+s15+$0x0], $0xffff  }
0x1bd: {  	v41 =	vld [tilespmem:s11+$0x0]  }
0x1be: {  	v32 =	vshll.u32 v37, $0x8;
	v37 =	vld [tilespmem:s3+$0x0];
	v33 =	vmul.f32 v33, v25  }
0x1bf: {  	v42 =	vor.u32 v2, v32;
	[tilespmem:v36+s4+$0x0] =	vst.idx.add.f32.msk $0xffff, v38  }
0x1c0: {  	[tilespmem:v34+s4+$0x0] =	vst.idx.add.f32.msk $0xffff, v33;
	v33 =	vmul.f32 v35, v26  }
0x1c1: {  	v34 =	vld [tilespmem:s31+$0x410]  }
0x1c2: {  	v35 =	vmul.f32 v41, v30;
	[tilespmem:v39+s4+$0x0] =	vst.idx.add.f32.msk $0xffff, v33  }
0x1c3: {  	v36 =	vor.u32 v18, v27;
	v38 =	vor.u32 v18, v28;
	v33 =	vmul.f32 v37, v29;
	v37 =	vld [tilespmem:s0+$0x410]  }
0x1c4: {  	[tilespmem:v42+s4+$0x0] =	vst.idx.add.f32.msk $0xffff, v35  }
0x1c5: {  	v35 =	vld [tilespmem:s11+$0x10]  }
0x1c6: {  	[tilespmem:v40+s4+$0x0] =	vst.idx.add.f32.msk $0xffff, v33;
	v33 =	vmul.f32 v34, v25  }
0x1c7: {  	v34 =	vor.u32 v10, v32;
	v40 =	vor.u32 v10, v31;
	v39 =	vld [tilespmem:s3+$0x10]  }
0x1c8: {  	[tilespmem:v36+s4+$0x0] =	vst.idx.add.f32.msk $0xffff, v33;
	v33 =	vmul.f32 v37, v26  }
0x1c9: {  	v36 =	vld [tilespmem:s31+$0x420]  }
0x1ca: {  	v35 =	vmul.f32 v35, v30;
	[tilespmem:v38+s4+$0x0] =	vst.idx.add.f32.msk $0xffff, v33  }
0x1cb: {  	v33 =	vor.u32 v19, v27;
	v38 =	vor.u32 v19, v28;
	v37 =	vld [tilespmem:s0+$0x420]  }
0x1cc: {  	[tilespmem:v34+s4+$0x0] =	vst.idx.add.f32.msk $0xffff, v35;
	v34 =	vmul.f32 v39, v29  }
0x1cd: {  	v35 =	vld [tilespmem:s11+$0x20]  }
0x1ce: {  	[tilespmem:v40+s4+$0x0] =	vst.idx.add.f32.msk $0xffff, v34;
	v34 =	vmul.f32 v36, v25  }
0x1cf: {  	v36 =	vor.u32 v11, v32;
	v40 =	vor.u32 v11, v31;
	v39 =	vld [tilespmem:s3+$0x20]  }
0x1d0: {  	[tilespmem:v33+s4+$0x0] =	vst.idx.add.f32.msk $0xffff, v34;
	v33 =	vmul.f32 v37, v26  }
0x1d1: {  	v34 =	vld [tilespmem:s31+$0x430]  }
0x1d2: {  	v35 =	vmul.f32 v35, v30;
	[tilespmem:v38+s4+$0x0] =	vst.idx.add.f32.msk $0xffff, v33  }
0x1d3: {  	v33 =	vor.u32 v20, v27;
	v38 =	vor.u32 v20, v28;
	v37 =	vld [tilespmem:s0+$0x430]  }
0x1d4: {  	[tilespmem:v36+s4+$0x0] =	vst.idx.add.f32.msk $0xffff, v35;
	v35 =	vmul.f32 v39, v29  }
0x1d5: {  	v36 =	vld [tilespmem:s11+$0x30]  }
0x1d6: {  	[tilespmem:v40+s4+$0x0] =	vst.idx.add.f32.msk $0xffff, v35;
	v34 =	vmul.f32 v34, v25  }
0x1d7: {  	v35 =	vor.u32 v12, v32;
	v40 =	vor.u32 v12, v31;
	v39 =	vld [tilespmem:s3+$0x30]  }
0x1d8: {  	[tilespmem:v33+s4+$0x0] =	vst.idx.add.f32.msk $0xffff, v34;
	v33 =	vmul.f32 v37, v26  }
0x1d9: {  	v34 =	vld [tilespmem:s31+$0x440]  }
0x1da: {  	v36 =	vmul.f32 v36, v30;
	[tilespmem:v38+s4+$0x0] =	vst.idx.add.f32.msk $0xffff, v33  }
0x1db: {  	v33 =	vor.u32 v21, v27;
	v38 =	vor.u32 v21, v28;
	v37 =	vld [tilespmem:s0+$0x440]  }
0x1dc: {  	[tilespmem:v35+s4+$0x0] =	vst.idx.add.f32.msk $0xffff, v36;
	v35 =	vmul.f32 v39, v29  }
0x1dd: {  	v36 =	vld [tilespmem:s11+$0x40]  }
0x1de: {  	[tilespmem:v40+s4+$0x0] =	vst.idx.add.f32.msk $0xffff, v35;
	v34 =	vmul.f32 v34, v25  }
0x1df: {  	v35 =	vor.u32 v13, v32;
	v40 =	vor.u32 v13, v31;
	v39 =	vld [tilespmem:s3+$0x40]  }
0x1e0: {  	[tilespmem:v33+s4+$0x0] =	vst.idx.add.f32.msk $0xffff, v34;
	v33 =	vmul.f32 v37, v26  }
0x1e1: {  	v34 =	vld [tilespmem:s31+$0x450]  }
0x1e2: {  	v36 =	vmul.f32 v36, v30;
	[tilespmem:v38+s4+$0x0] =	vst.idx.add.f32.msk $0xffff, v33  }
0x1e3: {  	v33 =	vor.u32 v22, v27;
	v38 =	vor.u32 v22, v28;
	v37 =	vld [tilespmem:s0+$0x450]  }
0x1e4: {  	[tilespmem:v35+s4+$0x0] =	vst.idx.add.f32.msk $0xffff, v36;
	v35 =	vmul.f32 v39, v29  }
0x1e5: {  	v36 =	vld [tilespmem:s11+$0x50]  }
0x1e6: {  	[tilespmem:v40+s4+$0x0] =	vst.idx.add.f32.msk $0xffff, v35;
	v34 =	vmul.f32 v34, v25  }
0x1e7: {  	v35 =	vor.u32 v14, v32;
	v40 =	vor.u32 v14, v31;
	v39 =	vld [tilespmem:s3+$0x50]  }
0x1e8: {  	[tilespmem:v33+s4+$0x0] =	vst.idx.add.f32.msk $0xffff, v34;
	v33 =	vmul.f32 v37, v26  }
0x1e9: {  	v34 =	vld [tilespmem:s31+$0x460]  }
0x1ea: {  	v36 =	vmul.f32 v36, v30;
	[tilespmem:v38+s4+$0x0] =	vst.idx.add.f32.msk $0xffff, v33  }
0x1eb: {  	v41 =	vor.u32 v23, v27;
	v33 =	vor.u32 v23, v28;
	v42 =	vld [tilespmem:s0+$0x460]  }
.Ltmp6:
0x1ec: {  	[tilespmem:v35+s4+$0x0] =	vst.idx.add.f32.msk $0xffff, v36;
	v35 =	vmul.f32 v39, v29;
	(pc) =	sbr.rel @p1 .LBB2_11-.Ltmp6, $4  }
0x1ed: {  	v38 =	vld [tilespmem:s11+$0x60]  }
0x1ee: {  	[tilespmem:v40+s4+$0x0] =	vst.idx.add.f32.msk $0xffff, v35;
	v34 =	vmul.f32 v34, v25  }
0x1ef: {  	v36 =	vor.u32 v15, v32;
	v35 =	vor.u32 v15, v31;
	v37 =	vld [tilespmem:s3+$0x60]  }
0x1f0: {  	[tilespmem:v41+s4+$0x0] =	vst.idx.add.f32.msk $0xffff, v34;
	v34 =	vmul.f32 v42, v26  }
0x1f1: {  	_ =	sdelay $0x1  }
0x1f2: {  	v38 =	vmul.f32 v38, v30;
	_ =	sdelay $0x1  }
0x1f3: {  	[tilespmem:v36+s4+$0x0] =	vst.idx.add.f32.msk $0xffff, v38;
	v51 =	vmul.f32 v37, v29  }
0x1f4: {  	v52 =	vld [tilespmem:s11+$0x70]  }
0x1f5: {  	[tilespmem:v35+s4+$0x0] =	vst.idx.add.f32.msk $0xffff, v51  }
0x1f6: {  	v53 =	vor.u32 v16, v32;
	v36 =	vld [tilespmem:s3+$0x70];
	_ =	sdelay $0x1  }
0x1f7: {  	v54 =	vor.u32 v16, v31  }
0x1f8: {  	v37 =	vmul.f32 v52, v30;
	_ =	sdelay $0x1  }
0x1f9: {  	[tilespmem:v53+s4+$0x0] =	vst.idx.add.f32.msk $0xffff, v37;
	v55 =	vmul.f32 v36, v29  }
0x1fa: {  	v56 =	vld [tilespmem:s11+$0x400]  }
0x1fb: {  	[tilespmem:v54+s4+$0x0] =	vst.idx.add.f32.msk $0xffff, v55  }
0x1fc: {  	v57 =	vor.u32 v17, v32;
	v58 =	vld [tilespmem:s3+$0x400];
	_ =	sdelay $0x1  }
0x1fd: {  	v59 =	vor.u32 v17, v31  }
0x1fe: {  	v36 =	vmul.f32 v56, v30;
	_ =	sdelay $0x1  }
0x1ff: {  	[tilespmem:v57+s4+$0x0] =	vst.idx.add.f32.msk $0xffff, v36;
	v60 =	vmul.f32 v58, v29  }
0x200: {  	v36 =	vld [tilespmem:s11+$0x410]  }
0x201: {  	[tilespmem:v59+s4+$0x0] =	vst.idx.add.f32.msk $0xffff, v60  }
0x202: {  	v61 =	vor.u32 v18, v32;
	v62 =	vld [tilespmem:s3+$0x410];
	_ =	sdelay $0x1  }
0x203: {  	v63 =	vor.u32 v18, v31  }
0x204: {  	v36 =	vmul.f32 v36, v30;
	_ =	sdelay $0x1  }
0x205: {  	[tilespmem:v61+s4+$0x0] =	vst.idx.add.f32.msk $0xffff, v36;
	v40 =	vmul.f32 v62, v29  }
0x206: {  	v36 =	vld [tilespmem:s11+$0x420]  }
0x207: {  	[tilespmem:v63+s4+$0x0] =	vst.idx.add.f32.msk $0xffff, v40  }
0x208: {  	v41 =	vor.u32 v19, v32;
	v42 =	vld [tilespmem:s3+$0x420];
	_ =	sdelay $0x1  }
0x209: {  	v43 =	vor.u32 v19, v31  }
0x20a: {  	v36 =	vmul.f32 v36, v30;
	_ =	sdelay $0x1  }
0x20b: {  	[tilespmem:v41+s4+$0x0] =	vst.idx.add.f32.msk $0xffff, v36;
	v44 =	vmul.f32 v42, v29  }
0x20c: {  	v36 =	vld [tilespmem:s11+$0x430]  }
0x20d: {  	[tilespmem:v43+s4+$0x0] =	vst.idx.add.f32.msk $0xffff, v44  }
0x20e: {  	v45 =	vor.u32 v20, v32;
	v46 =	vld [tilespmem:s3+$0x430];
	_ =	sdelay $0x1  }
0x20f: {  	v47 =	vor.u32 v20, v31  }
0x210: {  	v36 =	vmul.f32 v36, v30;
	_ =	sdelay $0x1  }
0x211: {  	[tilespmem:v45+s4+$0x0] =	vst.idx.add.f32.msk $0xffff, v36;
	v48 =	vmul.f32 v46, v29  }
0x212: {  	v36 =	vld [tilespmem:s11+$0x440]  }
0x213: {  	[tilespmem:v47+s4+$0x0] =	vst.idx.add.f32.msk $0xffff, v48  }
0x214: {  	v49 =	vor.u32 v21, v32;
	v50 =	vld [tilespmem:s3+$0x440];
	_ =	sdelay $0x1  }
0x215: {  	v51 =	vor.u32 v21, v31  }
0x216: {  	v36 =	vmul.f32 v36, v30;
	_ =	sdelay $0x1  }
0x217: {  	[tilespmem:v49+s4+$0x0] =	vst.idx.add.f32.msk $0xffff, v36;
	v52 =	vmul.f32 v50, v29  }
0x218: {  	v36 =	vld [tilespmem:s11+$0x450]  }
0x219: {  	[tilespmem:v51+s4+$0x0] =	vst.idx.add.f32.msk $0xffff, v52  }
0x21a: {  	v53 =	vor.u32 v22, v32;
	v54 =	vld [tilespmem:s3+$0x450];
	_ =	sdelay $0x1  }
0x21b: {  	v55 =	vor.u32 v22, v31  }
0x21c: {  	v36 =	vmul.f32 v36, v30;
	_ =	sdelay $0x1  }
0x21d: {  	[tilespmem:v53+s4+$0x0] =	vst.idx.add.f32.msk $0xffff, v36;
	v56 =	vmul.f32 v54, v29  }
0x21e: {  	v36 =	vld [tilespmem:s11+$0x460]  }
0x21f: {  	[tilespmem:v55+s4+$0x0] =	vst.idx.add.f32.msk $0xffff, v56  }
0x220: {  	v57 =	vor.u32 v23, v32;
	v58 =	vld [tilespmem:s3+$0x460];
	_ =	sdelay $0x1  }
0x221: {  	v39 =	vor.u32 v23, v31;
	[tilespmem:v33+s4+$0x0] =	vst.idx.add.f32.msk $0xffff, v34  }
0x222: {  	v34 =	vld [tilespmem:s0+$0x470];
	v60 =	vmul.f32 v36, v30  }
0x223: {  	v59 =	vld [tilespmem:s31+$0x470]  }
0x224: {  	[tilespmem:v57+s4+$0x0] =	vst.idx.add.f32.msk $0xffff, v60;
	v61 =	vmul.f32 v58, v29  }
0x225: {  	v35 =	vld [tilespmem:s11+$0x470]  }
0x226: {  	v27 =	vor.u32 v24, v27;
	[tilespmem:v39+s4+$0x0] =	vst.idx.add.f32.msk $0xffff, v61  }
0x227: {  	v28 =	vor.u32 v24, v28;
	v33 =	vld [tilespmem:s3+$0x470]  }
0x228: {  	v62 =	vor.u32 v24, v32  }
0x229: {  	v31 =	vor.u32 v24, v31;
	v25 =	vmul.f32 v59, v25  }
0x22a: {  	v26 =	vmul.f32 v34, v26  }
0x22b: {  	[tilespmem:v27+s4+$0x0] =	vst.idx.add.f32.msk $0xffff, v25;
	v25 =	vmul.f32 v35, v30  }
0x22c: {  	[tilespmem:v28+s4+$0x0] =	vst.idx.add.f32.msk $0xffff, v26;
	v26 =	vmul.f32 v33, v29  }
0x22d: {  	s0 =	sadd.s32 $0x40, s30;
	[tilespmem:v62+s4+$0x0] =	vst.idx.add.f32.msk $0xffff, v25  }
0x22e: {  	p1 =	sge.s32 s0, s25;
	[tilespmem:v31+s4+$0x0] =	vst.idx.add.f32.msk $0xffff, v26  }
0x22f: {  	v25 =	vld @!p1 [tilespmem:s0+$0x17800];
	_ =	sdelay $0x4  }
0x230: {  	v26 =	vshll.u32 @!p1 v25, $0x1  }
0x231: {  	v27 =	vlaneseq.u32 @!p1;
	v25 =	vand.u32 @!p1 $0x7, v25;
	v26 =	vand.u32 @!p1 $0xFFFFFFF0, v26  }
0x232: {  	v28 =	vshrl.u32 @!p1 v27, $0x3;
	v25 =	vor.u32 @!p1 v25, v26;
	v26 =	vand.u32 @!p1 $0x7, v27  }
0x233: {  	v28 =	vmul.u32 @!p1 $0x8, v28;
	v29 =	vperm.xlane @!p1 v25, v26  }
0x234: {  	v27 =	vor.u32 @!p1 $0x8, v27  }
0x235: {  	v25 =	vperm.xlane @!p1 v25, v27;
	v29 =	vadd.s32 @!p1 v28, v29;
	_ =	sdelay $0x1  }
0x236: {  	v25 =	vadd.s32 @!p1 v28, v25;
	_ =	sdelay $0x1  }
0x237: {  	vm0 =	vmmov @!p1 $0xffff;
	s7 =	simm.s32 @!p1 $0x1A800;
	s3 =	simm.s32 @!p1 $0x0  }
0x238: {  	[tilespmem:s7], [sflag:$0x1] =	stream.indirect_vreg.gather @!p1 [hbm4b:s1+s3], $0x80, v29, vm0, $0xb8;
	[tilespmem:$0x1E800] =	vst v63  }
0x239: {  	s7 =	simm.s32 @!p1 $0x1B000  }
0x23a: {  	[tilespmem:s7], [sflag:$0x1] =	stream.indirect_vreg.gather @!p1 [hbm4b:s1+s3], $0x80, v25, vm0, $0xb8;
	[tilespmem:$0x1E800] =	vst v63  }
0x23b: {  	v25 =	vld @!p1 [tilespmem:s0+$0x17810];
	_ =	sdelay $0x4  }
0x23c: {  	v29 =	vshll.u32 @!p1 v25, $0x1  }
0x23d: {  	v25 =	vand.u32 @!p1 $0x7, v25;
	v29 =	vand.u32 @!p1 $0xFFFFFFF0, v29  }
0x23e: {  	v25 =	vor.u32 @!p1 v25, v29  }
0x23f: {  	v26 =	vperm.xlane @!p1 v25, v26;
	_ =	sdelay $0x1  }
0x240: {  	v26 =	vadd.s32 @!p1 v28, v26  }
0x241: {  	v25 =	vperm.xlane @!p1 v25, v27;
	_ =	sdelay $0x1  }
0x242: {  	v25 =	vadd.s32 @!p1 v28, v25  }
0x243: {  	s7 =	sadd.s32 $0xFFFFFFFE, s26;
	s0 =	simm.s32 @!p1 $0x1B800  }
0x244: {  	[tilespmem:s0], [sflag:$0x1] =	stream.indirect_vreg.gather @!p1 [hbm4b:s1+s3], $0x80, v26, vm0, $0xb8;
	[tilespmem:$0x1E800] =	vst v63  }
0x245: {  	s8 =	sadd.s32 $0x22, s7;
	s0 =	sadd.s32 $0x23, s7  }
0x246: {  	v26 =	vmov s8;
	s7 =	simm.s32 @!p1 $0x1C000;
	v27 =	vmov s0  }
0x247: {  	v26 =	vand.u32 $0xFFFFFFFE, v26;
	[tilespmem:s7], [sflag:$0x1] =	stream.indirect_vreg.gather @!p1 [hbm4b:s1+s3], $0x80, v25, vm0, $0xb8;
	[tilespmem:$0x1E800] =	vst v63  }
0x248: {  	v26 =	vbroadcast v26, $0x0;
	_ =	swait.ge [sflag:s22], $0x2000  }
0x249: {  	[sflag:s22] =	ssyncset.done $0x0  }
0x24a: {  	[sflag:s22] =	ssyncadd.s32 $0xFFFFE000  }
0x24b: {  	s9 =	simm.s32 $0x0;
	v28 =	vld.idx.msk [tilespmem:v27+s16+$0x0], $0xffff  }
0x24c: {  	s10 =	simm.s32 $0x80;
	s0 =	sand.u32 $0x1800, s9  }
0x24d: {  	s0 =	sadd.s32 $0x1C800, s0;
	s3 =	sand.u32 $0x380, s10;
	v25 =	vld.idx.msk [tilespmem:v27+s15+$0x0], $0xffff  }
0x24e: {  	s11 =	simm.s32 $0x0;
	s12 =	sor.u32 s3, s0;
	v29 =	vld.idx.msk [tilespmem:v26+s16+$0x0], $0xffff  }
0x24f: {  	s7 =	sand.u32 $0x300, s11;
	v30 =	vld [tilespmem:s12+$0x0]  }
0x250: {  	s7 =	sor.u32 s7, s0;
	v27 =	vshll.u32 v28, $0x8  }
0x251: {  	v31 =	vld [tilespmem:s7+$0x0];
	v63 =	vor.u32 v2, v27  }
0x252: {  	v26 =	vld.idx.msk [tilespmem:v26+s15+$0x0], $0xffff  }
0x253: {  	v28 =	vshll.u32 v29, $0x8  }
0x254: {  	v30 =	vmul.f32 v30, v25;
	v29 =	vor.u32 v2, v28;
	_ =	sdelay $0x1  }
0x255: {  	[tilespmem:v63+s4+$0x0] =	vst.idx.add.f32.msk $0xffff, v30  }
0x256: {  	v31 =	vmul.f32 v31, v26;
	v30 =	vld [tilespmem:s12+$0x10];
	_ =	sdelay $0x1  }
0x257: {  	[tilespmem:v29+s4+$0x0] =	vst.idx.add.f32.msk $0xffff, v31;
	v29 =	vor.u32 v10, v27  }
0x258: {  	v31 =	vld [tilespmem:s7+$0x10];
	_ =	sdelay $0x1  }
0x259: {  	v36 =	vor.u32 v10, v28;
	v30 =	vmul.f32 v30, v25;
	_ =	sdelay $0x1  }
0x25a: {  	[tilespmem:v29+s4+$0x0] =	vst.idx.add.f32.msk $0xffff, v30  }
0x25b: {  	v31 =	vmul.f32 v31, v26;
	v29 =	vld [tilespmem:s12+$0x20];
	_ =	sdelay $0x1  }
0x25c: {  	v30 =	vor.u32 v11, v27;
	[tilespmem:v36+s4+$0x0] =	vst.idx.add.f32.msk $0xffff, v31  }
0x25d: {  	v31 =	vld [tilespmem:s7+$0x20];
	_ =	sdelay $0x1  }
0x25e: {  	v37 =	vor.u32 v11, v28;
	v29 =	vmul.f32 v29, v25;
	_ =	sdelay $0x1  }
0x25f: {  	[tilespmem:v30+s4+$0x0] =	vst.idx.add.f32.msk $0xffff, v29  }
0x260: {  	v29 =	vmul.f32 v31, v26;
	v30 =	vld [tilespmem:s12+$0x30];
	_ =	sdelay $0x1  }
0x261: {  	[tilespmem:v37+s4+$0x0] =	vst.idx.add.f32.msk $0xffff, v29;
	v29 =	vor.u32 v12, v27  }
0x262: {  	v31 =	vld [tilespmem:s7+$0x30];
	_ =	sdelay $0x1  }
0x263: {  	v38 =	vor.u32 v12, v28;
	v30 =	vmul.f32 v30, v25;
	_ =	sdelay $0x1  }
0x264: {  	[tilespmem:v29+s4+$0x0] =	vst.idx.add.f32.msk $0xffff, v30  }
0x265: {  	v29 =	vmul.f32 v31, v26;
	v30 =	vld [tilespmem:s12+$0x40];
	_ =	sdelay $0x1  }
0x266: {  	[tilespmem:v38+s4+$0x0] =	vst.idx.add.f32.msk $0xffff, v29;
	v29 =	vor.u32 v13, v27  }
0x267: {  	v31 =	vld [tilespmem:s7+$0x40];
	_ =	sdelay $0x1  }
0x268: {  	v39 =	vor.u32 v13, v28;
	v30 =	vmul.f32 v30, v25;
	_ =	sdelay $0x1  }
0x269: {  	[tilespmem:v29+s4+$0x0] =	vst.idx.add.f32.msk $0xffff, v30  }
0x26a: {  	s8 =	sadd.s32 $0x0, s26;
	v29 =	vmul.f32 v31, v26;
	v30 =	vld [tilespmem:s12+$0x50]  }
0x26b: {  	s9 =	sadd.s32 $0x22, s8  }
0x26c: {  	v40 =	vmov s9;
	s10 =	simm.s32 $0x200;
	s0 =	sadd.s32 $0x23, s8;
	[tilespmem:v39+s4+$0x0] =	vst.idx.add.f32.msk $0xffff, v29;
	v29 =	vor.u32 v14, v27  }
0x26d: {  	s11 =	simm.s32 $0x180;
	v32 =	vand.u32 $0xFFFFFFFE, v40;
	v42 =	vmov s0;
	s0 =	sand.u32 $0x1800, s10  }
0x26e: {  	s3 =	sand.u32 $0x380, s11;
	v32 =	vbroadcast v32, $0x0;
	s0 =	sadd.s32 $0x1C800, s0;
	v31 =	vld [tilespmem:s7+$0x50]  }
0x26f: {  	s30 =	sor.u32 s3, s0;
	v30 =	vmul.f32 v30, v25  }
0x270: {  	v47 =	vld [tilespmem:s30+$0x0];
	v41 =	vor.u32 v14, v28  }
0x271: {  	[tilespmem:v29+s4+$0x0] =	vst.idx.add.f32.msk $0xffff, v30  }
0x272: {  	v30 =	vld [tilespmem:s12+$0x60]  }
0x273: {  	v43 =	vld.idx.msk [tilespmem:v42+s16+$0x0], $0xffff;
	v29 =	vmul.f32 v31, v26  }
0x274: {  	s8 =	simm.s32 $0x100;
	v45 =	vld.idx.msk [tilespmem:v32+s16+$0x0], $0xffff;
	v31 =	vor.u32 v15, v27  }
0x275: {  	s3 =	sand.u32 $0x300, s8;
	[tilespmem:v41+s4+$0x0] =	vst.idx.add.f32.msk $0xffff, v29  }
0x276: {  	s31 =	sor.u32 s3, s0;
	v44 =	vld [tilespmem:s7+$0x60]  }
0x277: {  	v50 =	vld [tilespmem:s31+$0x0];
	v30 =	vmul.f32 v30, v25  }
0x278: {  	v46 =	vor.u32 v15, v28;
	v29 =	vld.idx.msk [tilespmem:v42+s15+$0x0], $0xffff  }
0x279: {  	[tilespmem:v31+s4+$0x0] =	vst.idx.add.f32.msk $0xffff, v30;
	v31 =	vshll.u32 v43, $0x8  }
0x27a: {  	v30 =	vld.idx.msk [tilespmem:v32+s15+$0x0], $0xffff;
	v49 =	vor.u32 v2, v31  }
0x27b: {  	v35 =	vmul.f32 v44, v26;
	v32 =	vshll.u32 v45, $0x8;
	v48 =	vld [tilespmem:s12+$0x70]  }
0x27c: {  	v36 =	vor.u32 v2, v32  }
0x27d: {  	v40 =	vor.u32 v16, v27;
	v51 =	vmul.f32 v47, v29;
	[tilespmem:v46+s4+$0x0] =	vst.idx.add.f32.msk $0xffff, v35  }
0x27e: {  	v35 =	vld [tilespmem:s7+$0x70]  }
0x27f: {  	v53 =	vmul.f32 v50, v30;
	[tilespmem:v49+s4+$0x0] =	vst.idx.add.f32.msk $0xffff, v51  }
0x280: {  	v33 =	vmul.f32 v48, v25;
	v34 =	vld [tilespmem:s30+$0x10]  }
0x281: {  	v52 =	vor.u32 v16, v28;
	[tilespmem:v36+s4+$0x0] =	vst.idx.add.f32.msk $0xffff, v53  }
0x282: {  	[tilespmem:v40+s4+$0x0] =	vst.idx.add.f32.msk $0xffff, v33  }
0x283: {  	v55 =	vor.u32 v10, v31;
	v36 =	vld [tilespmem:s31+$0x10]  }
0x284: {  	v35 =	vmul.f32 v35, v26;
	v54 =	vld [tilespmem:s12+$0x400]  }
0x285: {  	v57 =	vor.u32 v10, v32  }
0x286: {  	v56 =	vor.u32 v17, v27;
	[tilespmem:v52+s4+$0x0] =	vst.idx.add.f32.msk $0xffff, v35;
	v34 =	vmul.f32 v34, v29  }
0x287: {  	v37 =	vld [tilespmem:s7+$0x400]  }
0x288: {  	v59 =	vmul.f32 v36, v30;
	[tilespmem:v55+s4+$0x0] =	vst.idx.add.f32.msk $0xffff, v34  }
0x289: {  	v38 =	vmul.f32 v54, v25;
	v39 =	vld [tilespmem:s30+$0x20]  }
0x28a: {  	v58 =	vor.u32 v17, v28;
	[tilespmem:v57+s4+$0x0] =	vst.idx.add.f32.msk $0xffff, v59  }
0x28b: {  	[tilespmem:v56+s4+$0x0] =	vst.idx.add.f32.msk $0xffff, v38  }
0x28c: {  	v61 =	vor.u32 v11, v31;
	v42 =	vld [tilespmem:s31+$0x20]  }
0x28d: {  	v62 =	vmul.f32 v37, v26;
	v60 =	vld [tilespmem:s12+$0x410]  }
0x28e: {  	v44 =	vor.u32 v11, v32  }
0x28f: {  	v63 =	vor.u32 v18, v27;
	[tilespmem:v58+s4+$0x0] =	vst.idx.add.f32.msk $0xffff, v62;
	v43 =	vmul.f32 v39, v29  }
0x290: {  	v34 =	vld [tilespmem:s7+$0x410]  }
0x291: {  	v46 =	vmul.f32 v42, v30;
	[tilespmem:v61+s4+$0x0] =	vst.idx.add.f32.msk $0xffff, v43  }
0x292: {  	v45 =	vor.u32 v18, v28;
	v36 =	vmul.f32 v60, v25;
	v33 =	vld [tilespmem:s30+$0x30]  }
0x293: {  	s9 =	sadd.s32 $0x2, s26;
	[tilespmem:v44+s4+$0x0] =	vst.idx.add.f32.msk $0xffff, v46  }
0x294: {  	s10 =	sadd.s32 $0x23, s9;
	[tilespmem:v63+s4+$0x0] =	vst.idx.add.f32.msk $0xffff, v36  }
0x295: {  	v47 =	vor.u32 v12, v31;
	v34 =	vmul.f32 v34, v26;
	v39 =	vld [tilespmem:s31+$0x30];
	v63 =	vmov s10;
	s10 =	simm.s32 $0x400  }
0x296: {  	s8 =	simm.s32 $0x200;
	v36 =	vld [tilespmem:s12+$0x420];
	s11 =	sand.u32 $0x1800, s10  }
0x297: {  	s0 =	sadd.s32 $0x22, s9;
	s3 =	sand.u32 $0x300, s8;
	v49 =	vor.u32 v12, v32;
	[tilespmem:v45+s4+$0x0] =	vst.idx.add.f32.msk $0xffff, v34;
	s8 =	sadd.s32 $0x1C800, s11  }
0x298: {  	v48 =	vor.u32 v19, v27;
	v46 =	vmov s0;
	v38 =	vld [tilespmem:s7+$0x420];
	s0 =	sor.u32 s3, s8;
	v33 =	vmul.f32 v33, v29  }
0x299: {  	v43 =	vld [tilespmem:s0+$0x0]  }
0x29a: {  	v51 =	vmul.f32 v39, v30;
	[tilespmem:v47+s4+$0x0] =	vst.idx.add.f32.msk $0xffff, v33  }
0x29b: {  	v36 =	vmul.f32 v36, v25;
	v37 =	vld [tilespmem:s30+$0x40]  }
0x29c: {  	v50 =	vor.u32 v19, v28;
	[tilespmem:v49+s4+$0x0] =	vst.idx.add.f32.msk $0xffff, v51  }
0x29d: {  	[tilespmem:v48+s4+$0x0] =	vst.idx.add.f32.msk $0xffff, v36  }
0x29e: {  	v52 =	vor.u32 v13, v31;
	v55 =	vld [tilespmem:s31+$0x40]  }
0x29f: {  	v53 =	vmul.f32 v38, v26;
	v36 =	vld [tilespmem:s12+$0x430]  }
0x2a0: {  	v57 =	vor.u32 v13, v32;
	v51 =	vld.idx.msk [tilespmem:v63+s16+$0x0], $0xffff  }
0x2a1: {  	v54 =	vor.u32 v20, v27;
	[tilespmem:v50+s4+$0x0] =	vst.idx.add.f32.msk $0xffff, v53;
	v56 =	vmul.f32 v37, v29  }
0x2a2: {  	v34 =	vld [tilespmem:s7+$0x430]  }
0x2a3: {  	v59 =	vmul.f32 v55, v30;
	[tilespmem:v52+s4+$0x0] =	vst.idx.add.f32.msk $0xffff, v56  }
0x2a4: {  	v36 =	vmul.f32 v36, v25;
	v33 =	vld [tilespmem:s30+$0x50]  }
0x2a5: {  	v58 =	vor.u32 v20, v28;
	s11 =	simm.s32 $0x280;
	[tilespmem:v57+s4+$0x0] =	vst.idx.add.f32.msk $0xffff, v59  }
0x2a6: {  	s9 =	sand.u32 $0x380, s11;
	[tilespmem:v54+s4+$0x0] =	vst.idx.add.f32.msk $0xffff, v36  }
0x2a7: {  	v60 =	vor.u32 v14, v31;
	s3 =	sor.u32 s9, s8;
	v35 =	vld [tilespmem:s31+$0x50]  }
0x2a8: {  	v34 =	vmul.f32 v34, v26;
	v54 =	vld [tilespmem:s3+$0x0]  }
0x2a9: {  	v62 =	vor.u32 v14, v32;
	v36 =	vld [tilespmem:s12+$0x440]  }
0x2aa: {  	[tilespmem:v58+s4+$0x0] =	vst.idx.add.f32.msk $0xffff, v34;
	v33 =	vmul.f32 v33, v29  }
0x2ab: {  	v61 =	vor.u32 v21, v27;
	v39 =	vld [tilespmem:s7+$0x440]  }
0x2ac: {  	v35 =	vmul.f32 v35, v30;
	[tilespmem:v60+s4+$0x0] =	vst.idx.add.f32.msk $0xffff, v33  }
0x2ad: {  	v33 =	vld [tilespmem:s30+$0x60]  }
0x2ae: {  	v47 =	vor.u32 v21, v28;
	v36 =	vmul.f32 v36, v25;
	[tilespmem:v62+s4+$0x0] =	vst.idx.add.f32.msk $0xffff, v35  }
0x2af: {  	v48 =	vand.u32 $0xFFFFFFFE, v46;
	v35 =	vld.idx.msk [tilespmem:v63+s15+$0x0], $0xffff  }
0x2b0: {  	v41 =	vor.u32 v15, v31;
	v37 =	vbroadcast v48, $0x0;
	[tilespmem:v61+s4+$0x0] =	vst.idx.add.f32.msk $0xffff, v36  }
0x2b1: {  	v50 =	vmul.f32 v39, v26;
	v42 =	vld [tilespmem:s31+$0x60];
	v36 =	vshll.u32 v51, $0x8  }
0x2b2: {  	v49 =	vld [tilespmem:s12+$0x450];
	v55 =	vor.u32 v2, v36  }
0x2b3: {  	[tilespmem:v47+s4+$0x0] =	vst.idx.add.f32.msk $0xffff, v50;
	v33 =	vmul.f32 v33, v29  }
0x2b4: {  	v59 =	vld [tilespmem:s7+$0x450]  }
0x2b5: {  	v40 =	vmul.f32 v54, v35;
	[tilespmem:v41+s4+$0x0] =	vst.idx.add.f32.msk $0xffff, v33  }
0x2b6: {  	v45 =	vor.u32 v15, v32;
	v33 =	vld.idx.msk [tilespmem:v37+s15+$0x0], $0xffff  }
0x2b7: {  	[tilespmem:v55+s4+$0x0] =	vst.idx.add.f32.msk $0xffff, v40  }
0x2b8: {  	v53 =	vor.u32 v22, v27;
	v52 =	vld [tilespmem:s30+$0x70]  }
0x2b9: {  	v42 =	vmul.f32 v42, v30;
	v62 =	vld [tilespmem:s3+$0x10]  }
0x2ba: {  	v44 =	vor.u32 v16, v31;
	v37 =	vld.idx.msk [tilespmem:v37+s16+$0x0], $0xffff  }
0x2bb: {  	v48 =	vor.u32 v10, v36;
	v38 =	vmul.f32 v49, v25;
	[tilespmem:v45+s4+$0x0] =	vst.idx.add.f32.msk $0xffff, v42  }
0x2bc: {  	v50 =	vor.u32 v22, v28;
	v56 =	vld [tilespmem:s31+$0x70]  }
0x2bd: {  	[tilespmem:v53+s4+$0x0] =	vst.idx.add.f32.msk $0xffff, v38;
	v34 =	vmul.f32 v52, v29  }
0x2be: {  	v63 =	vor.u32 v16, v32;
	v45 =	vld [tilespmem:s12+$0x460];
	v61 =	vmul.f32 v43, v33;
	v43 =	vmul.f32 v62, v35  }
0x2bf: {  	v52 =	vmul.f32 v59, v26;
	[tilespmem:v44+s4+$0x0] =	vst.idx.add.f32.msk $0xffff, v34;
	v34 =	vshll.u32 v37, $0x8  }
0x2c0: {  	[tilespmem:v48+s4+$0x0] =	vst.idx.add.f32.msk $0xffff, v43;
	v57 =	vor.u32 v2, v34  }
0x2c1: {  	v37 =	vmul.f32 v56, v30;
	[tilespmem:v50+s4+$0x0] =	vst.idx.add.f32.msk $0xffff, v52  }
0x2c2: {  	v58 =	vld [tilespmem:s30+$0x400]  }
0x2c3: {  	[tilespmem:v63+s4+$0x0] =	vst.idx.add.f32.msk $0xffff, v37  }
0x2c4: {  	v60 =	vor.u32 v17, v31;
	v53 =	vld [tilespmem:s31+$0x400]  }
0x2c5: {  	[tilespmem:v57+s4+$0x0] =	vst.idx.add.f32.msk $0xffff, v61  }
0x2c6: {  	v55 =	vor.u32 v17, v32;
	v57 =	vld [tilespmem:s3+$0x20]  }
0x2c7: {  	v47 =	vmul.f32 v58, v29;
	v49 =	vld [tilespmem:s0+$0x10]  }
0x2c8: {  	v63 =	vld [tilespmem:s7+$0x460];
	v58 =	vor.u32 v11, v36  }
0x2c9: {  	v51 =	vor.u32 v10, v34;
	[tilespmem:v60+s4+$0x0] =	vst.idx.add.f32.msk $0xffff, v47;
	v59 =	vmul.f32 v53, v30  }
0x2ca: {  	v46 =	vld [tilespmem:s30+$0x410]  }
0x2cb: {  	[tilespmem:v55+s4+$0x0] =	vst.idx.add.f32.msk $0xffff, v59;
	v39 =	vmul.f32 v57, v35  }
0x2cc: {  	v54 =	vor.u32 v18, v31;
	v40 =	vld [tilespmem:s31+$0x410];
	v41 =	vmul.f32 v49, v33  }
0x2cd: {  	v48 =	vor.u32 v23, v27;
	[tilespmem:v58+s4+$0x0] =	vst.idx.add.f32.msk $0xffff, v39  }
0x2ce: {  	[tilespmem:v51+s4+$0x0] =	vst.idx.add.f32.msk $0xffff, v41  }
0x2cf: {  	v52 =	vor.u32 v18, v32;
	v56 =	vmul.f32 v46, v29;
	v39 =	vld [tilespmem:s3+$0x30]  }
0x2d0: {  	v51 =	vmul.f32 v45, v25;
	v61 =	vld [tilespmem:s0+$0x20]  }
0x2d1: {  	[tilespmem:v54+s4+$0x0] =	vst.idx.add.f32.msk $0xffff, v56;
	v54 =	vor.u32 v23, v28  }
0x2d2: {  	v49 =	vor.u32 v11, v34;
	[tilespmem:v48+s4+$0x0] =	vst.idx.add.f32.msk $0xffff, v51;
	v40 =	vmul.f32 v40, v30  }
0x2d3: {  	v60 =	vld [tilespmem:s30+$0x420]  }
0x2d4: {  	v43 =	vmul.f32 v63, v26;
	v55 =	vor.u32 v12, v36;
	[tilespmem:v52+s4+$0x0] =	vst.idx.add.f32.msk $0xffff, v40  }
0x2d5: {  	v45 =	vld [tilespmem:s31+$0x420];
	v53 =	vmul.f32 v61, v33  }
0x2d6: {  	v62 =	vor.u32 v19, v31;
	[tilespmem:v54+s4+$0x0] =	vst.idx.add.f32.msk $0xffff, v43  }
0x2d7: {  	v39 =	vmul.f32 v39, v35;
	[tilespmem:v49+s4+$0x0] =	vst.idx.add.f32.msk $0xffff, v53  }
0x2d8: {  	v58 =	vor.u32 v19, v32;
	v37 =	vld [tilespmem:s0+$0x30]  }
0x2d9: {  	[tilespmem:v55+s4+$0x0] =	vst.idx.add.f32.msk $0xffff, v39;
	v50 =	vmul.f32 v60, v29  }
0x2da: {  	v57 =	vor.u32 v12, v34;
	v41 =	vld [tilespmem:s3+$0x40]  }
0x2db: {  	[tilespmem:v62+s4+$0x0] =	vst.idx.add.f32.msk $0xffff, v50;
	v60 =	vmul.f32 v45, v30  }
0x2dc: {  	v59 =	vor.u32 v13, v36;
	v38 =	vld [tilespmem:s30+$0x430]  }
0x2dd: {  	[tilespmem:v58+s4+$0x0] =	vst.idx.add.f32.msk $0xffff, v60;
	v37 =	vmul.f32 v37, v33  }
0x2de: {  	v63 =	vld [tilespmem:s31+$0x430]  }
0x2df: {  	v56 =	vor.u32 v20, v31;
	v62 =	vmul.f32 v41, v35;
	[tilespmem:v57+s4+$0x0] =	vst.idx.add.f32.msk $0xffff, v37  }
0x2e0: {  	v61 =	vld [tilespmem:s0+$0x40]  }
0x2e1: {  	[tilespmem:v59+s4+$0x0] =	vst.idx.add.f32.msk $0xffff, v62  }
0x2e2: {  	v44 =	vor.u32 v13, v34;
	v38 =	vmul.f32 v38, v29;
	v37 =	vld [tilespmem:s7+$0x470]  }
0x2e3: {  	v43 =	vld [tilespmem:s3+$0x50]  }
0x2e4: {  	v40 =	vor.u32 v20, v32;
	[tilespmem:v56+s4+$0x0] =	vst.idx.add.f32.msk $0xffff, v38  }
0x2e5: {  	v39 =	vld [tilespmem:s30+$0x440];
	v45 =	vmul.f32 v61, v33  }
0x2e6: {  	v42 =	vor.u32 v14, v36;
	s7 =	simm.s32 $0x4;
	v41 =	vmul.f32 v63, v30;
	v38 =	vld [tilespmem:s12+$0x470]  }
.LBB2_13:
0x2e7: {  	s8 =	sadd.s32 s7, s26;
	s7 =	sadd.s32 $0x2, s7;
	[tilespmem:v44+s4+$0x0] =	vst.idx.add.f32.msk $0xffff, v45  }
0x2e8: {  	v45 =	vor.u32 v21, v31;
	s9 =	sadd.s32 $0x22, s8;
	s8 =	sadd.s32 $0x23, s8;
	p1 =	slt.u32 s7, $0x1E;
	v44 =	vld [tilespmem:s0+$0x50]  }
0x2e9: {  	v46 =	vmov s9;
	v43 =	vmul.f32 v43, v35;
	[tilespmem:v40+s4+$0x0] =	vst.idx.add.f32.msk $0xffff, v41;
	v40 =	vor.u32 v24, v27;
	v27 =	vmovc v31  }
0x2ea: {  	v31 =	vmovc v36;
	v41 =	vand.u32 $0xFFFFFFFE, v46;
	v46 =	vor.u32 v14, v34;
	v47 =	vld [tilespmem:s31+$0x440];
	v39 =	vmul.f32 v39, v29  }
0x2eb: {  	v36 =	vbroadcast v41, $0x0;
	v41 =	vmov s8;
	[tilespmem:v42+s4+$0x0] =	vst.idx.add.f32.msk $0xffff, v43;
	v38 =	vmul.f32 v38, v25;
	v25 =	vmovc v29;
	v29 =	vmovc v35  }
0x2ec: {  	v35 =	vld [tilespmem:s3+$0x60]  }
0x2ed: {  	v42 =	vmul.f32 v44, v33;
	[tilespmem:v45+s4+$0x0] =	vst.idx.add.f32.msk $0xffff, v39  }
0x2ee: {  	v39 =	vor.u32 v21, v32;
	v43 =	vld [tilespmem:s30+$0x450]  }
0x2ef: {  	v44 =	vor.u32 v15, v31;
	v45 =	vmul.f32 v47, v30;
	[tilespmem:v40+s4+$0x0] =	vst.idx.add.f32.msk $0xffff, v38  }
0x2f0: {  	[tilespmem:v46+s4+$0x0] =	vst.idx.add.f32.msk $0xffff, v42  }
0x2f1: {  	v38 =	vld.idx.msk [tilespmem:v41+s16+$0x0], $0xffff;
	v35 =	vmul.f32 v35, v29  }
0x2f2: {  	s11 =	sadd.s32 $0x100, s11;
	s10 =	sadd.s32 $0x200, s10;
	v40 =	vld [tilespmem:s0+$0x60]  }
0x2f3: {  	s9 =	sadd.s32 $0xFFFFFF80, s11;
	s8 =	sand.u32 $0x1800, s10;
	[tilespmem:v39+s4+$0x0] =	vst.idx.add.f32.msk $0xffff, v45;
	v39 =	vmul.f32 v43, v25  }
0x2f4: {  	s9 =	sand.u32 $0x300, s9;
	s12 =	sadd.s32 $0x1C800, s8;
	v42 =	vor.u32 v24, v28;
	v28 =	vmov v32;
	v32 =	vmov v34;
	[tilespmem:v44+s4+$0x0] =	vst.idx.add.f32.msk $0xffff, v35  }
0x2f5: {  	s8 =	sor.u32 s9, s12;
	v34 =	vld.idx.msk [tilespmem:v36+s15+$0x0], $0xffff  }
0x2f6: {  	s9 =	sand.u32 $0x380, s11;
	v43 =	vld [tilespmem:s3+$0x70]  }
0x2f7: {  	v37 =	vmul.f32 v37, v26;
	v26 =	vmovc v30;
	s12 =	sor.u32 s9, s12;
	v45 =	vor.u32 v22, v27;
	v44 =	vld [tilespmem:s8+$0x0];
	v40 =	vmul.f32 v40, v33  }
0x2f8: {  	v47 =	vor.u32 v16, v31;
	v30 =	vmov v33;
	v46 =	vld.idx.msk [tilespmem:v36+s16+$0x0], $0xffff  }
0x2f9: {  	v36 =	vshll.u32 v38, $0x8;
	v38 =	vor.u32 v15, v32;
	v35 =	vld.idx.msk [tilespmem:v41+s15+$0x0], $0xffff  }
0x2fa: {  	v41 =	vor.u32 v2, v36;
	[tilespmem:v42+s4+$0x0] =	vst.idx.add.f32.msk $0xffff, v37  }
0x2fb: {  	v33 =	vmov v34;
	v37 =	vld [tilespmem:s12+$0x0];
	v42 =	vmul.f32 v43, v29  }
0x2fc: {  	[tilespmem:v45+s4+$0x0] =	vst.idx.add.f32.msk $0xffff, v39  }
0x2fd: {  	[tilespmem:v47+s4+$0x0] =	vst.idx.add.f32.msk $0xffff, v42  }
0x2fe: {  	v34 =	vshll.u32 v46, $0x8;
	[tilespmem:v38+s4+$0x0] =	vst.idx.add.f32.msk $0xffff, v40  }
0x2ff: {  	v38 =	vld [tilespmem:s0+$0x70]  }
0x300: {  	v39 =	vmul.f32 v44, v33;
	v40 =	vor.u32 v2, v34;
	v37 =	vmul.f32 v37, v35;
	v42 =	vld [tilespmem:s3+$0x400]  }
0x301: {  	v43 =	vld [tilespmem:s31+$0x450]  }
0x302: {  	[tilespmem:v41+s4+$0x0] =	vst.idx.add.f32.msk $0xffff, v37;
	v37 =	vor.u32 v10, v36;
	v41 =	vor.u32 v17, v31  }
0x303: {  	v44 =	vld [tilespmem:s12+$0x10]  }
0x304: {  	v45 =	vor.u32 v16, v32;
	v38 =	vmul.f32 v38, v30;
	v46 =	vld [tilespmem:s30+$0x460]  }
0x305: {  	[tilespmem:v40+s4+$0x0] =	vst.idx.add.f32.msk $0xffff, v39;
	v39 =	vmul.f32 v42, v29  }
0x306: {  	v40 =	vld [tilespmem:s8+$0x10];
	v42 =	vmul.f32 v43, v26  }
0x307: {  	[tilespmem:v41+s4+$0x0] =	vst.idx.add.f32.msk $0xffff, v39;
	v39 =	vor.u32 v22, v28  }
0x308: {  	v41 =	vor.u32 v10, v34;
	v43 =	vmul.f32 v44, v35;
	v44 =	vld [tilespmem:s3+$0x410]  }
0x309: {  	[tilespmem:v45+s4+$0x0] =	vst.idx.add.f32.msk $0xffff, v38;
	v38 =	vmul.f32 v46, v25  }
0x30a: {  	v47 =	vor.u32 v18, v31;
	v45 =	vor.u32 v11, v36;
	v46 =	vld [tilespmem:s0+$0x400]  }
0x30b: {  	v40 =	vmul.f32 v40, v33;
	[tilespmem:v37+s4+$0x0] =	vst.idx.add.f32.msk $0xffff, v43  }
0x30c: {  	[tilespmem:v39+s4+$0x0] =	vst.idx.add.f32.msk $0xffff, v42  }
0x30d: {  	v37 =	vor.u32 v17, v32;
	[tilespmem:v41+s4+$0x0] =	vst.idx.add.f32.msk $0xffff, v40;
	v39 =	vmul.f32 v44, v29  }
0x30e: {  	v40 =	vld [tilespmem:s12+$0x20]  }
0x30f: {  	v41 =	vmul.f32 v46, v30;
	[tilespmem:v47+s4+$0x0] =	vst.idx.add.f32.msk $0xffff, v39  }
0x310: {  	v39 =	vld [tilespmem:s3+$0x420]  }
0x311: {  	v42 =	vld [tilespmem:s8+$0x20]  }
0x312: {  	v43 =	vor.u32 v12, v36;
	[tilespmem:v37+s4+$0x0] =	vst.idx.add.f32.msk $0xffff, v41;
	v37 =	vor.u32 v19, v31  }
0x313: {  	v40 =	vmul.f32 v40, v35;
	v41 =	vld [tilespmem:s0+$0x410]  }
0x314: {  	v46 =	vor.u32 v23, v27;
	v44 =	vld [tilespmem:s31+$0x460]  }
0x315: {  	v47 =	vor.u32 v11, v34;
	[tilespmem:v45+s4+$0x0] =	vst.idx.add.f32.msk $0xffff, v40;
	v39 =	vmul.f32 v39, v29  }
0x316: {  	v40 =	vmul.f32 v42, v33;
	v42 =	vld [tilespmem:s12+$0x30]  }
0x317: {  	v45 =	vor.u32 v18, v32;
	[tilespmem:v37+s4+$0x0] =	vst.idx.add.f32.msk $0xffff, v39  }
0x318: {  	v37 =	vmul.f32 v41, v30;
	v39 =	vld [tilespmem:s3+$0x430]  }
0x319: {  	v41 =	vmul.f32 v44, v26;
	v44 =	vor.u32 v23, v28;
	[tilespmem:v46+s4+$0x0] =	vst.idx.add.f32.msk $0xffff, v38  }
0x31a: {  	v38 =	vor.u32 v13, v36;
	[tilespmem:v47+s4+$0x0] =	vst.idx.add.f32.msk $0xffff, v40  }
0x31b: {  	v40 =	vld [tilespmem:s8+$0x30];
	v42 =	vmul.f32 v42, v35  }
0x31c: {  	[tilespmem:v45+s4+$0x0] =	vst.idx.add.f32.msk $0xffff, v37;
	v37 =	vor.u32 v20, v31  }
0x31d: {  	v45 =	vor.u32 v12, v34;
	v46 =	vld [tilespmem:s0+$0x420];
	v39 =	vmul.f32 v39, v29  }
0x31e: {  	[tilespmem:v44+s4+$0x0] =	vst.idx.add.f32.msk $0xffff, v41  }
0x31f: {  	v41 =	vor.u32 v19, v32;
	[tilespmem:v43+s4+$0x0] =	vst.idx.add.f32.msk $0xffff, v42  }
0x320: {  	v40 =	vmul.f32 v40, v33;
	v42 =	vld [tilespmem:s12+$0x40]  }
0x321: {  	[tilespmem:v37+s4+$0x0] =	vst.idx.add.f32.msk $0xffff, v39  }
0x322: {  	[tilespmem:v45+s4+$0x0] =	vst.idx.add.f32.msk $0xffff, v40;
	v37 =	vmul.f32 v46, v30  }
0x323: {  	v39 =	vld [tilespmem:s8+$0x40]  }
0x324: {  	[tilespmem:v41+s4+$0x0] =	vst.idx.add.f32.msk $0xffff, v37  }
0x325: {  	v40 =	vmul.f32 v42, v35;
	v41 =	vld [tilespmem:s0+$0x430]  }
.Ltmp7:
0x326: {  	v44 =	vor.u32 v13, v34;
	v37 =	vld [tilespmem:s31+$0x470];
	s31 =	smov.u32 s0;
	s0 =	smov.u32 s8;
	(pc) =	sbr.rel @p1 .LBB2_13-.Ltmp7, $4  }
0x327: {  	[tilespmem:v38+s4+$0x0] =	vst.idx.add.f32.msk $0xffff, v40  }
0x328: {  	v40 =	vor.u32 v20, v32;
	v45 =	vmul.f32 v39, v33;
	v43 =	vld [tilespmem:s12+$0x50]  }
0x329: {  	v39 =	vld [tilespmem:s3+$0x440]  }
0x32a: {  	v42 =	vor.u32 v14, v36;
	v41 =	vmul.f32 v41, v30;
	v38 =	vld [tilespmem:s30+$0x470];
	s30 =	smov.u32 s3;
	s3 =	smov.u32 s12  }
0x32b: {  	_ =	sdelay $0x3  }
0x32c: {  	[tilespmem:v44+s4+$0x0] =	vst.idx.add.f32.msk $0xffff, v45  }
0x32d: {  	v10 =	vld [tilespmem:s0+$0x50];
	_ =	sdelay $0x1  }
0x32e: {  	v11 =	vor.u32 v14, v34  }
0x32f: {  	v12 =	vmul.f32 v43, v35;
	_ =	sdelay $0x1  }
0x330: {  	[tilespmem:v42+s4+$0x0] =	vst.idx.add.f32.msk $0xffff, v12;
	v10 =	vmul.f32 v10, v33  }
0x331: {  	v12 =	vld [tilespmem:s3+$0x60]  }
0x332: {  	[tilespmem:v11+s4+$0x0] =	vst.idx.add.f32.msk $0xffff, v10  }
0x333: {  	v10 =	vor.u32 v15, v36;
	v11 =	vld [tilespmem:s0+$0x60];
	_ =	sdelay $0x1  }
0x334: {  	v13 =	vor.u32 v15, v34  }
0x335: {  	v12 =	vmul.f32 v12, v35;
	_ =	sdelay $0x1  }
0x336: {  	[tilespmem:v10+s4+$0x0] =	vst.idx.add.f32.msk $0xffff, v12;
	v10 =	vmul.f32 v11, v33  }
0x337: {  	v11 =	vld [tilespmem:s3+$0x70]  }
0x338: {  	[tilespmem:v13+s4+$0x0] =	vst.idx.add.f32.msk $0xffff, v10  }
0x339: {  	v10 =	vor.u32 v16, v36;
	v53 =	vld [tilespmem:s0+$0x70];
	_ =	sdelay $0x1  }
0x33a: {  	v54 =	vor.u32 v16, v34  }
0x33b: {  	v11 =	vmul.f32 v11, v35;
	_ =	sdelay $0x1  }
0x33c: {  	[tilespmem:v10+s4+$0x0] =	vst.idx.add.f32.msk $0xffff, v11;
	v10 =	vmul.f32 v53, v33  }
0x33d: {  	v11 =	vld [tilespmem:s3+$0x400]  }
0x33e: {  	[tilespmem:v54+s4+$0x0] =	vst.idx.add.f32.msk $0xffff, v10  }
0x33f: {  	v10 =	vor.u32 v17, v36;
	v55 =	vld [tilespmem:s0+$0x400];
	_ =	sdelay $0x1  }
0x340: {  	v56 =	vor.u32 v17, v34  }
0x341: {  	v11 =	vmul.f32 v11, v35;
	_ =	sdelay $0x1  }
0x342: {  	[tilespmem:v10+s4+$0x0] =	vst.idx.add.f32.msk $0xffff, v11;
	v10 =	vmul.f32 v55, v33  }
0x343: {  	v11 =	vld [tilespmem:s3+$0x410]  }
0x344: {  	[tilespmem:v56+s4+$0x0] =	vst.idx.add.f32.msk $0xffff, v10  }
0x345: {  	v10 =	vor.u32 v18, v36;
	v57 =	vld [tilespmem:s0+$0x410];
	_ =	sdelay $0x1  }
0x346: {  	v58 =	vor.u32 v18, v34  }
0x347: {  	v11 =	vmul.f32 v11, v35;
	_ =	sdelay $0x1  }
0x348: {  	[tilespmem:v10+s4+$0x0] =	vst.idx.add.f32.msk $0xffff, v11;
	v10 =	vmul.f32 v57, v33  }
0x349: {  	v11 =	vld [tilespmem:s3+$0x420]  }
0x34a: {  	[tilespmem:v58+s4+$0x0] =	vst.idx.add.f32.msk $0xffff, v10  }
0x34b: {  	v10 =	vor.u32 v19, v36;
	v59 =	vld [tilespmem:s0+$0x420];
	_ =	sdelay $0x1  }
0x34c: {  	v60 =	vor.u32 v19, v34  }
0x34d: {  	v11 =	vmul.f32 v11, v35  }
0x34e: {  	[tilespmem:v40+s4+$0x0] =	vst.idx.add.f32.msk $0xffff, v41  }
0x34f: {  	v63 =	vor.u32 v21, v31;
	[tilespmem:v10+s4+$0x0] =	vst.idx.add.f32.msk $0xffff, v11;
	v10 =	vmul.f32 v59, v33  }
0x350: {  	v11 =	vld [tilespmem:s3+$0x430]  }
0x351: {  	[tilespmem:v60+s4+$0x0] =	vst.idx.add.f32.msk $0xffff, v10  }
0x352: {  	v41 =	vmul.f32 v39, v29;
	v10 =	vor.u32 v20, v36;
	v61 =	vld [tilespmem:s0+$0x430];
	_ =	sdelay $0x1  }
0x353: {  	v62 =	vor.u32 v20, v34;
	[tilespmem:v63+s4+$0x0] =	vst.idx.add.f32.msk $0xffff, v41  }
0x354: {  	v20 =	vld [tilespmem:s31+$0x440];
	v11 =	vmul.f32 v11, v35  }
0x355: {  	v43 =	vld [tilespmem:s30+$0x450]  }
0x356: {  	[tilespmem:v10+s4+$0x0] =	vst.idx.add.f32.msk $0xffff, v11;
	v11 =	vor.u32 v21, v32;
	v10 =	vmul.f32 v61, v33  }
0x357: {  	v40 =	vld [tilespmem:s3+$0x440]  }
0x358: {  	v45 =	vor.u32 v22, v31;
	[tilespmem:v62+s4+$0x0] =	vst.idx.add.f32.msk $0xffff, v10  }
0x359: {  	v42 =	vmul.f32 v20, v30;
	v10 =	vor.u32 v21, v36;
	v13 =	vld [tilespmem:s0+$0x440];
	_ =	sdelay $0x1  }
0x35a: {  	v44 =	vor.u32 v21, v34;
	v15 =	vmul.f32 v43, v29;
	[tilespmem:v11+s4+$0x0] =	vst.idx.add.f32.msk $0xffff, v42  }
0x35b: {  	v11 =	vmul.f32 v40, v35;
	v14 =	vld [tilespmem:s31+$0x450]  }
0x35c: {  	[tilespmem:v45+s4+$0x0] =	vst.idx.add.f32.msk $0xffff, v15  }
0x35d: {  	[tilespmem:v10+s4+$0x0] =	vst.idx.add.f32.msk $0xffff, v11;
	v11 =	vor.u32 v22, v32;
	v10 =	vmul.f32 v13, v33  }
0x35e: {  	v46 =	vld [tilespmem:s3+$0x450]  }
0x35f: {  	[tilespmem:v44+s4+$0x0] =	vst.idx.add.f32.msk $0xffff, v10  }
0x360: {  	v10 =	vor.u32 v22, v36;
	v47 =	vmul.f32 v14, v30;
	v16 =	vld [tilespmem:s0+$0x450]  }
0x361: {  	v48 =	vld [tilespmem:s30+$0x460]  }
0x362: {  	v49 =	vor.u32 v22, v34;
	[tilespmem:v11+s4+$0x0] =	vst.idx.add.f32.msk $0xffff, v47  }
0x363: {  	v11 =	vmul.f32 v46, v35;
	v12 =	vld [tilespmem:s31+$0x460]  }
0x364: {  	v50 =	vor.u32 v23, v31  }
0x365: {  	[tilespmem:v10+s4+$0x0] =	vst.idx.add.f32.msk $0xffff, v11;
	v11 =	vor.u32 v23, v32;
	v10 =	vmul.f32 v16, v33  }
0x366: {  	v51 =	vld [tilespmem:s3+$0x460]  }
0x367: {  	[tilespmem:v49+s4+$0x0] =	vst.idx.add.f32.msk $0xffff, v10;
	v10 =	vmul.f32 v48, v29  }
0x368: {  	v53 =	vor.u32 v23, v36;
	v12 =	vmul.f32 v12, v30;
	v52 =	vld [tilespmem:s0+$0x460]  }
0x369: {  	[tilespmem:v50+s4+$0x0] =	vst.idx.add.f32.msk $0xffff, v10  }
0x36a: {  	v10 =	vor.u32 v23, v34;
	[tilespmem:v11+s4+$0x0] =	vst.idx.add.f32.msk $0xffff, v12  }
0x36b: {  	v11 =	vld [tilespmem:s31+$0x470];
	v54 =	vmul.f32 v51, v35  }
0x36c: {  	v13 =	vld [tilespmem:s30+$0x470]  }
0x36d: {  	v55 =	vor.u32 v24, v27;
	[tilespmem:v53+s4+$0x0] =	vst.idx.add.f32.msk $0xffff, v54;
	v14 =	vmul.f32 v52, v33  }
0x36e: {  	v56 =	vor.u32 v24, v28;
	v57 =	vld [tilespmem:s3+$0x470]  }
0x36f: {  	[tilespmem:v10+s4+$0x0] =	vst.idx.add.f32.msk $0xffff, v14;
	v10 =	vor.u32 v24, v31  }
0x370: {  	v58 =	vmul.f32 v38, v25;
	v59 =	vor.u32 v24, v32;
	v60 =	vld [tilespmem:s0+$0x470]  }
0x371: {  	s29 =	sadd.s32 $0x1, s29;
	v61 =	vmul.f32 v37, v26;
	v62 =	vor.u32 v24, v36  }
0x372: {  	p1 =	sne.s32 s29, s28;
	v63 =	vor.u32 v24, v34;
	[tilespmem:v55+s4+$0x0] =	vst.idx.add.f32.msk $0xffff, v58;
	v13 =	vmul.f32 v13, v29  }
.Ltmp8:
0x373: {  	[tilespmem:v56+s4+$0x0] =	vst.idx.add.f32.msk $0xffff, v61;
	v11 =	vmul.f32 v11, v30;
	(pc) =	sbr.rel @p1 .LBB2_10-.Ltmp8, $4  }
.Ltmp9:
0x374: {  	[tilespmem:v10+s4+$0x0] =	vst.idx.add.f32.msk $0xffff, v13;
	v10 =	vmul.f32 v57, v35;
	(pc) =	sbr.rel @!p1 .LBB2_15-.Ltmp9, $4  }
0x375: {  	[tilespmem:v59+s4+$0x0] =	vst.idx.add.f32.msk $0xffff, v11;
	v11 =	vmul.f32 v60, v33  }
0x376: {  	[tilespmem:v62+s4+$0x0] =	vst.idx.add.f32.msk $0xffff, v10  }
0x377: {  	s26 =	sadd.s32 $0x40, s26;
	[tilespmem:v63+s4+$0x0] =	vst.idx.add.f32.msk $0xffff, v11  }
0x378: {  	_ = 	snop  }
.LBB2_16:
0x379: {  	s0 =	simm.s32 $0x100  }
0x37a: {  	v10 =	vld [tilespmem:s0+$0xFFFFFF10]  }
0x37b: {  	v16 =	vld [tilespmem:s0+$0xF0]  }
0x37c: {  	v11 =	vld [tilespmem:s0+$0xFFFFFF20]  }
0x37d: {  	v17 =	vld [tilespmem:s0+$0xFFFFFF80]  }
0x37e: {  	v12 =	vld [tilespmem:s0+$0xFFFFFF30]  }
0x37f: {  	v18 =	vld [tilespmem:s0+$0xFFFFFF90];
	v10 =	vmax.f32 v10, $0.0e+00  }
0x380: {  	v13 =	vld [tilespmem:s0+$0xFFFFFF40];
	v16 =	vmax.f32 v16, $0.0e+00;
	[tilespmem:s0+$0xFFFFFF10] =	vst v10  }
0x381: {  	v14 =	vld [tilespmem:s0+$0xFFFFFF50];
	v11 =	vmax.f32 v11, $0.0e+00;
	[tilespmem:s0+$0xF0] =	vst v16  }
0x382: {  	v15 =	vld [tilespmem:s0+$0xFFFFFF60];
	[tilespmem:s0+$0xFFFFFF20] =	vst v11;
	v11 =	vmax.f32 v17, $0.0e+00  }
0x383: {  	v10 =	vld [tilespmem:s0+$0xFFFFFF70];
	[tilespmem:s0+$0xFFFFFF80] =	vst v11;
	v11 =	vmax.f32 v12, $0.0e+00  }
0x384: {  	v19 =	vld [tilespmem:s0+$0xFFFFFFA0];
	[tilespmem:s0+$0xFFFFFF30] =	vst v11;
	v11 =	vmax.f32 v18, $0.0e+00  }
0x385: {  	v20 =	vld [tilespmem:s0+$0xFFFFFFB0];
	[tilespmem:s0+$0xFFFFFF90] =	vst v11;
	v11 =	vmax.f32 v13, $0.0e+00  }
0x386: {  	v16 =	vld [tilespmem:s0+$0xFFFFFFC0];
	[tilespmem:s0+$0xFFFFFF40] =	vst v11;
	v11 =	vmax.f32 v14, $0.0e+00  }
0x387: {  	v14 =	vld [tilespmem:s0+$0x0];
	[tilespmem:s0+$0xFFFFFF50] =	vst v11;
	v11 =	vmax.f32 v15, $0.0e+00  }
0x388: {  	v17 =	vld [tilespmem:s0+$0xFFFFFFD0];
	v10 =	vmax.f32 v10, $0.0e+00;
	[tilespmem:s0+$0xFFFFFF60] =	vst v11  }
0x389: {  	v11 =	vld [tilespmem:s0+$0x10];
	[tilespmem:s0+$0xFFFFFF70] =	vst v10;
	v10 =	vmax.f32 v19, $0.0e+00  }
0x38a: {  	v12 =	vld [tilespmem:s0+$0xFFFFFFE0];
	[tilespmem:s0+$0xFFFFFFA0] =	vst v10;
	v10 =	vmax.f32 v20, $0.0e+00  }
0x38b: {  	v13 =	vld [tilespmem:s0+$0xFFFFFFF0];
	[tilespmem:s0+$0xFFFFFFB0] =	vst v10;
	v10 =	vmax.f32 v16, $0.0e+00  }
0x38c: {  	v15 =	vld [tilespmem:s0+$0x20];
	[tilespmem:s0+$0xFFFFFFC0] =	vst v10;
	v10 =	vmax.f32 v14, $0.0e+00  }
0x38d: {  	v14 =	vld [tilespmem:s0+$0x50];
	[tilespmem:s0+$0x0] =	vst v10;
	v10 =	vmax.f32 v17, $0.0e+00  }
0x38e: {  	v63 =	vld [tilespmem:s0+$0x30];
	[tilespmem:s0+$0xFFFFFFD0] =	vst v10;
	v10 =	vmax.f32 v11, $0.0e+00  }
0x38f: {  	v16 =	vld [tilespmem:s0+$0x40];
	[tilespmem:s0+$0x10] =	vst v10;
	v10 =	vmax.f32 v12, $0.0e+00  }
0x390: {  	v11 =	vld [tilespmem:s0+$0x60];
	[tilespmem:s0+$0xFFFFFFE0] =	vst v10;
	v10 =	vmax.f32 v13, $0.0e+00  }
0x391: {  	v12 =	vld [tilespmem:s0+$0x80];
	[tilespmem:s0+$0xFFFFFFF0] =	vst v10;
	v10 =	vmax.f32 v15, $0.0e+00  }
0x392: {  	v13 =	vld [tilespmem:s0+$0x70];
	v14 =	vmax.f32 v14, $0.0e+00;
	[tilespmem:s0+$0x20] =	vst v10  }
0x393: {  	v15 =	vld [tilespmem:s0+$0x90];
	v10 =	vmax.f32 v63, $0.0e+00;
	[tilespmem:s0+$0x50] =	vst v14  }
0x394: {  	[tilespmem:s0+$0x30] =	vst v10;
	v10 =	vmax.f32 v16, $0.0e+00;
	v16 =	vld [tilespmem:s0+$0xA0]  }
0x395: {  	v14 =	vmax.f32 v11, $0.0e+00;
	[tilespmem:s0+$0x40] =	vst v10;
	v10 =	vld [tilespmem:s0+$0xB0]  }
0x396: {  	v11 =	vld [tilespmem:s0+$0xC0];
	[tilespmem:s0+$0x60] =	vst v14;
	v14 =	vmax.f32 v12, $0.0e+00  }
0x397: {  	v12 =	vld [tilespmem:s0+$0xD0];
	v13 =	vmax.f32 v13, $0.0e+00;
	[tilespmem:s0+$0x80] =	vst v14  }
0x398: {  	[tilespmem:s0+$0x70] =	vst v13;
	v15 =	vmax.f32 v15, $0.0e+00;
	v13 =	vld [tilespmem:s0+$0xE0]  }
0x399: {  	s3 =	simm.s32 $0x0;
	s7 =	simm.s32 $0x300;
	v14 =	vld [tilespmem:s0+$0xFFFFFF00];
	[tilespmem:s0+$0x90] =	vst v15;
	v15 =	vmax.f32 v16, $0.0e+00  }
.LBB2_17:
0x39a: {  	v16 =	vld [tilespmem:s7+$0xF0];
	s3 =	sadd.s32 $0x200, s3;
	[tilespmem:s0+$0xA0] =	vst v15;
	v10 =	vmax.f32 v10, $0.0e+00  }
0x39b: {  	v15 =	vld [tilespmem:s7+$0xFFFFFF10];
	p1 =	slt.u32 s3, $0x13E00;
	[tilespmem:s0+$0xB0] =	vst v10;
	v10 =	vmax.f32 v11, $0.0e+00  }
0x39c: {  	v11 =	vld [tilespmem:s7+$0xFFFFFF20];
	[tilespmem:s0+$0xC0] =	vst v10;
	v10 =	vmax.f32 v12, $0.0e+00  }
0x39d: {  	v12 =	vld [tilespmem:s7+$0xFFFFFF30];
	[tilespmem:s0+$0xD0] =	vst v10;
	v10 =	vmax.f32 v13, $0.0e+00  }
0x39e: {  	v13 =	vld [tilespmem:s7+$0xFFFFFF40];
	v14 =	vmax.f32 v14, $0.0e+00;
	[tilespmem:s0+$0xE0] =	vst v10  }
0x39f: {  	v10 =	vld [tilespmem:s7+$0xFFFFFF50];
	v16 =	vmax.f32 v16, $0.0e+00;
	[tilespmem:s0+$0xFFFFFF00] =	vst v14;
	s0 =	smov.u32 s7  }
0x3a0: {  	v14 =	vmax.f32 v15, $0.0e+00;
	v15 =	vld [tilespmem:s7+$0xFFFFFF60];
	[tilespmem:s7+$0xF0] =	vst v16  }
0x3a1: {  	[tilespmem:s7+$0xFFFFFF10] =	vst v14;
	v11 =	vmax.f32 v11, $0.0e+00;
	v14 =	vld [tilespmem:s7+$0xFFFFFF70]  }
0x3a2: {  	[tilespmem:s7+$0xFFFFFF20] =	vst v11;
	v11 =	vmax.f32 v12, $0.0e+00;
	v12 =	vld [tilespmem:s7+$0xFFFFFF80]  }
0x3a3: {  	[tilespmem:s7+$0xFFFFFF30] =	vst v11;
	v11 =	vmax.f32 v13, $0.0e+00;
	v13 =	vld [tilespmem:s7+$0xFFFFFF90]  }
0x3a4: {  	[tilespmem:s7+$0xFFFFFF40] =	vst v11;
	v10 =	vmax.f32 v10, $0.0e+00;
	v11 =	vld [tilespmem:s7+$0xFFFFFFA0]  }
0x3a5: {  	[tilespmem:s7+$0xFFFFFF50] =	vst v10;
	v10 =	vmax.f32 v15, $0.0e+00;
	v15 =	vld [tilespmem:s7+$0xFFFFFFB0]  }
0x3a6: {  	[tilespmem:s7+$0xFFFFFF60] =	vst v10;
	v10 =	vmax.f32 v14, $0.0e+00;
	v14 =	vld [tilespmem:s7+$0xFFFFFFC0]  }
0x3a7: {  	[tilespmem:s7+$0xFFFFFF70] =	vst v10;
	v10 =	vmax.f32 v12, $0.0e+00;
	v12 =	vld [tilespmem:s7+$0xFFFFFFD0]  }
0x3a8: {  	[tilespmem:s7+$0xFFFFFF80] =	vst v10;
	v10 =	vmax.f32 v13, $0.0e+00;
	v13 =	vld [tilespmem:s7+$0xFFFFFFE0]  }
0x3a9: {  	[tilespmem:s7+$0xFFFFFF90] =	vst v10;
	v10 =	vmax.f32 v11, $0.0e+00;
	v11 =	vld [tilespmem:s7+$0xFFFFFFF0]  }
0x3aa: {  	[tilespmem:s7+$0xFFFFFFA0] =	vst v10;
	v10 =	vmax.f32 v15, $0.0e+00;
	v15 =	vld [tilespmem:s7+$0x0]  }
0x3ab: {  	[tilespmem:s7+$0xFFFFFFB0] =	vst v10;
	v10 =	vmax.f32 v14, $0.0e+00;
	v14 =	vld [tilespmem:s7+$0x10]  }
0x3ac: {  	[tilespmem:s7+$0xFFFFFFC0] =	vst v10;
	v10 =	vmax.f32 v12, $0.0e+00;
	v12 =	vld [tilespmem:s7+$0x20]  }
0x3ad: {  	[tilespmem:s7+$0xFFFFFFD0] =	vst v10;
	v10 =	vmax.f32 v13, $0.0e+00;
	v13 =	vld [tilespmem:s7+$0x30]  }
0x3ae: {  	[tilespmem:s7+$0xFFFFFFE0] =	vst v10;
	v10 =	vmax.f32 v11, $0.0e+00;
	v11 =	vld [tilespmem:s7+$0x40]  }
0x3af: {  	[tilespmem:s7+$0xFFFFFFF0] =	vst v10;
	v10 =	vmax.f32 v15, $0.0e+00;
	v15 =	vld [tilespmem:s7+$0x50]  }
0x3b0: {  	[tilespmem:s7+$0x0] =	vst v10;
	v10 =	vmax.f32 v14, $0.0e+00;
	v14 =	vld [tilespmem:s7+$0x60]  }
0x3b1: {  	[tilespmem:s7+$0x10] =	vst v10;
	v10 =	vmax.f32 v12, $0.0e+00;
	v12 =	vld [tilespmem:s7+$0x70]  }
0x3b2: {  	[tilespmem:s7+$0x20] =	vst v10;
	v10 =	vmax.f32 v13, $0.0e+00;
	v13 =	vld [tilespmem:s7+$0x80]  }
0x3b3: {  	[tilespmem:s7+$0x30] =	vst v10;
	v10 =	vmax.f32 v11, $0.0e+00;
	v16 =	vld [tilespmem:s7+$0x90]  }
0x3b4: {  	[tilespmem:s7+$0x40] =	vst v10;
	v10 =	vmax.f32 v15, $0.0e+00;
	v15 =	vld [tilespmem:s7+$0xA0]  }
.Ltmp10:
0x3b5: {  	[tilespmem:s7+$0x50] =	vst v10;
	v11 =	vmax.f32 v14, $0.0e+00;
	v10 =	vld [tilespmem:s7+$0xB0];
	(pc) =	sbr.rel @p1 .LBB2_17-.Ltmp10, $4  }
0x3b6: {  	[tilespmem:s7+$0x60] =	vst v11;
	v12 =	vmax.f32 v12, $0.0e+00;
	v11 =	vld [tilespmem:s7+$0xC0]  }
0x3b7: {  	[tilespmem:s7+$0x70] =	vst v12;
	v13 =	vmax.f32 v13, $0.0e+00;
	v12 =	vld [tilespmem:s7+$0xD0]  }
0x3b8: {  	[tilespmem:s7+$0x80] =	vst v13;
	v16 =	vmax.f32 v16, $0.0e+00;
	v13 =	vld [tilespmem:s7+$0xE0]  }
0x3b9: {  	s7 =	sadd.s32 $0x200, s7;
	v14 =	vld [tilespmem:s0+$0xFFFFFF00];
	[tilespmem:s0+$0x90] =	vst v16;
	v15 =	vmax.f32 v15, $0.0e+00  }
0x3ba: {  	[tilespmem:s0+$0xA0] =	vst v15;
	v10 =	vmax.f32 v10, $0.0e+00  }
0x3bb: {  	[tilespmem:s0+$0xB0] =	vst v10;
	v10 =	vmax.f32 v11, $0.0e+00  }
0x3bc: {  	[tilespmem:s0+$0xC0] =	vst v10;
	v10 =	vmax.f32 v12, $0.0e+00  }
0x3bd: {  	[tilespmem:s0+$0xD0] =	vst v10;
	v10 =	vmax.f32 v13, $0.0e+00  }
0x3be: {  	v11 =	vmax.f32 v14, $0.0e+00;
	[tilespmem:s0+$0xE0] =	vst v10  }
0x3bf: {  	[tilespmem:s0+$0xFFFFFF00] =	vst v11  }
0x3c0: {  	s0 =	simm.s32 @p0 $0x0;
	s3 =	rddreg [dreg:$0x5]  }
0x3c1: {  	[hbm4b:s3+s0] =	stream.linear.scatter @p0 [tilespmem:s0], [sflag:$0x4], $0x5000, $0x38;
	[tilespmem:$0x1E800] =	vst v63  }
0x3c2: {  	s0 =	simm.s32 @p0 $0x4  }
0x3c3: {  	_ =	swait.ge @p0 [sflag:s0], $0x5000  }
0x3c4: {  	[sflag:s0] =	ssyncset.done @p0 $0x0  }
0x3c5: {  	s3 =	rddreg [dreg:$0x4];
	[sflag:s0] =	ssyncadd.s32 @p0 $0xFFFFB000;
	s0 =	simm.s32 @!p0 $0x0  }
0x3c6: {  	[hbm4b:s3+s0] =	stream.linear.scatter @!p0 [tilespmem:s0], [sflag:$0x4], $0x14000, $0x38;
	[tilespmem:$0x1E800] =	vst v63  }
0x3c7: {  	s0 =	simm.s32 @!p0 $0x4  }
0x3c8: {  	_ =	swait.ge @!p0 [sflag:s0], $0x14000  }
0x3c9: {  	s23 =	sadd.s32 $0x1, s23;
	s31 =	rddreg [dreg:$0x6]  }
0x3ca: {  	p1 =	sne.s32 s23, s31  }
.Ltmp11:
0x3cb: {  	_ = 	snop;
	(pc) =	sbr.rel @p1 .LBB2_1-.Ltmp11, $3  }
0x3cc: {  	_ =	sdelay $0x1  }
0x3cd: {  	[sflag:s0] =	ssyncset.done @!p0 $0x0  }
0x3ce: {  	[sflag:s0] =	ssyncadd.s32 @!p0 $0xFFFEC000  }
0x3cf: {  	_ =	sfence.sel $0x180000  }
0x3d0: {  	[bflag:$0x0] =	sbarrier.arrive $0xFFFF  }
0x3d1: {  	_ =	strace $0x90000047  }
0x3d2: {  	s0 =	stileid.u32;
	[bflag:$0x2] =	sbarrier.arrive $0xFFFF  }
0x3d3: {  	p0 =	sne.s32 s0, $0x0;
	s0 =	rddreg [dreg:$0x3]  }
0x3d4: {  	s0 =	sadd.s32 @!p0 $0x100000, s0  }
0x3d5: {  	[sflag:s0] =	ssyncadd.tile.s32 @!p0 $0x1;
	_ =	shalt  }
.Lfunc_end2:
_tile_overlayer_lowered:
.L_overlay_start_2:
0x3d6: {  	(tag) =	ssettag $0x2  }
0x3d7: {  	s0 =	rddreg [dreg:$0x0];
	s2 =	stileid.u32  }
0x3d8: {  	s1 =	rddreg [dreg:$0x1];
	p0 =	sne.s32 s2, $0x0  }
0x3d9: {  	s3 =	rddreg [dreg:$0x2];
	[bflag:$0x3] =	sbarrier.arrive $0xFFFF;
	s2 =	simm.s32 @!p0 $0x1C04  }
0x3da: {  	[timem:s3], [sflag:s2] =	dma.local @!p0 [hbm:s0], s1  }
0x3db: {  	s0 =	simm.s32 @!p0 $0x4  }
0x3dc: {  	_ =	swait.ge @!p0 [sflag:s0], s1  }
0x3dd: {  	s1 =	ssub.s32 @!p0 $0x0, s1;
	[sflag:s0] =	ssyncset.done @!p0 $0x0  }
0x3de: {  	[sflag:s0] =	ssyncadd.s32 @!p0 s1  }
0x3df: {  	[bflag:$0x3] =	sbarrier.arrive $0xFFFF  }
0x3e0: {  	_ =	shalt  }

</sc_bundles>
